<compile_context>
chip_gen: v7x
topology: tpu7x:2x2x1
jax: 0.10.2.dev20260603
libtpu: 0.0.44.dev20260713+nightly
codegen_flags: <defaults>
</compile_context>

<pallas_src>
import functools

import jax
import jax.numpy as jnp
from jax import lax
from jax.experimental import pallas as pl
from jax.experimental.pallas import tpu as pltpu
from jax.experimental.pallas import tpu_sc as plsc

NC, NS = 2, 16
D = 16
L = 16
NPAIR = D // 2
MASKHI = -65536


def _encoder_call(xf, packed, B, HW):
    NQ = (NC * NS) // NPAIR
    RPQ = B // NQ
    assert RPQ % (4 * L) == 0
    V = packed.shape[1]
    inv_n = 1.0 / HW
    HWP = ((HW + 2 * L - 1) // (2 * L)) * (2 * L)
    n2 = HWP // (2 * L)
    npad = HWP - HW
    buf_len = HWP

    mesh = plsc.VectorSubcoreMesh(
        core_axis_name="c", subcore_axis_name="s",
        num_cores=NC, num_subcores=NS)

    @functools.partial(
        pl.kernel,
        out_type=jax.ShapeDtypeStruct((D, B), jnp.float32),
        mesh=mesh,
        scratch_types=[
            pltpu.VMEM((V,), jnp.int32),
            pltpu.VMEM((buf_len,), jnp.int32),
            pltpu.VMEM((buf_len,), jnp.int32),
            pltpu.VMEM((buf_len,), jnp.int32),
            pltpu.VMEM((buf_len,), jnp.int32),
            pltpu.VMEM((2, RPQ), jnp.float32),
            pltpu.SemaphoreType.DMA,
        ],
        compiler_params=pltpu.CompilerParams(use_tc_tiling_on_sc=False,
                                             needs_layout_passes=False),
    )
    def enc(x_hbm, packed_hbm, out_hbm, tab_v, ib0, ib1, ib2, ib3,
            out_v, sdma):
        cid = lax.axis_index("c")
        sid = lax.axis_index("s")
        pair = sid % NPAIR
        quarter = cid * (NS // NPAIR) + sid // NPAIR
        r0 = quarter * RPQ

        pltpu.sync_copy(packed_hbm.at[pair], tab_v)

        ibufs = (ib0, ib1, ib2, ib3)
        NB = 4
        zl = jnp.zeros((L,), jnp.float32)
        zi = jnp.zeros((L,), jnp.int32)
        for b in range(NB):
            for off in range(HW - HW % L, HWP, L):
                ibufs[b][pl.ds(off, L)] = zi
        w00 = plsc.load_gather(tab_v, [zi])
        cs_lo = jnp.sum(plsc.bitcast(w00 << 16, jnp.float32)) * (npad / L)
        cs_hi = jnp.sum(plsc.bitcast(w00 & MASKHI, jnp.float32)) * (npad / L)
        lanes = lax.iota(jnp.int32, L)

        def fire(r, bsel):
            pltpu.async_copy(x_hbm.at[r0 + r],
                             ibufs[bsel].at[pl.ds(0, HW)], sdma)

        def drain(bsel):
            pltpu.make_async_copy(x_hbm.at[0],
                                  ibufs[bsel].at[pl.ds(0, HW)],
                                  sdma).wait()

        def gather2(w):
            return (plsc.bitcast(w << 16, jnp.float32),
                    plsc.bitcast(w & MASKHI, jnp.float32))

        def make_row(bsel):
            buf = ibufs[bsel]

            def row(r, vlo, vhi):
                @pl.when(r + (NB - 1) < RPQ)
                def _():
                    fire(r + (NB - 1), (bsel + NB - 1) % NB)
                drain(bsel)

                def step(m, a):
                    k = 2 * L * m
                    w0 = plsc.load_gather(tab_v, [buf[pl.ds(k, L)]])
                    w1 = plsc.load_gather(tab_v, [buf[pl.ds(k + L, L)]])
                    l0, h0 = gather2(w0)
                    l1, h1 = gather2(w1)
                    return (a[0] + l0, a[1] + h0, a[2] + l1, a[3] + h1)

                accs = lax.fori_loop(0, n2, step, (zl, zl, zl, zl),
                                     unroll=8)
                alo = accs[0] + accs[2]
                ahi = accs[1] + accs[3]
                sel = lanes == (r % L)
                vlo = jnp.where(sel, (jnp.sum(alo) - cs_lo) * inv_n, vlo)
                vhi = jnp.where(sel, (jnp.sum(ahi) - cs_hi) * inv_n, vhi)

                @pl.when(r % L == L - 1)
                def _():
                    out_v[0, pl.ds(r - (L - 1), L)] = vlo
                    out_v[1, pl.ds(r - (L - 1), L)] = vhi
                return vlo, vhi
            return row

        rows = [make_row(b) for b in range(NB)]

        for b in range(NB - 1):
            fire(b, b)

        def rquad(t, vs):
            vlo, vhi = vs
            for b in range(NB):
                vlo, vhi = rows[b](NB * t + b, vlo, vhi)
            return vlo, vhi

        zv = jnp.zeros((L,), jnp.float32)
        lax.fori_loop(0, RPQ // NB, rquad, (zv, zv))
        pltpu.sync_copy(out_v, out_hbm.at[pl.ds(2 * pair, 2),
                                          pl.ds(r0, RPQ)])

    return enc(xf, packed).T.reshape(B, D)


def kernel(x, embed_weight):
    if x.ndim == 4 and x.shape[1] == 1:
        x = jnp.squeeze(x, axis=1)
    B = x.shape[0]
    HW = x.shape[1] * x.shape[2]
    assert B % (4 * 2) == 0 and D == embed_weight.shape[1]
    xf = x.reshape(B, HW).astype(jnp.int32)

    V = embed_weight.shape[0]
    bf = embed_weight.astype(jnp.bfloat16).astype(jnp.float32)
    bits = lax.bitcast_convert_type(bf, jnp.int32).reshape(V, D // 2, 2)
    pk = bits[:, :, 1] | lax.shift_right_logical(bits[:, :, 0], 16)
    packed = pk.T

    return _encoder_call(xf, packed, B, HW)

# --- scband reference (transcript-rebuilt; emitter-appended) ---
"""Pipeline reference for scband-minimal-encoder-59974923321406 (READ-ONLY COPY).

The authoritative reference and input builder live on the scoring server;
editing this copy changes nothing except your own understanding.
"""

import jax, jax.numpy as jnp
import numpy as np

NUM_EMBEDDINGS = 100000
EMB_DIM = 16
B, H, W = 1024, 50, 50

def setup_inputs(seed: int = 0) -> dict:
    key = jax.random.key(seed)
    k1, k2 = jax.random.split(key)
    x = jax.random.randint(k1, (B, H, W), 0, NUM_EMBEDDINGS, dtype=jnp.int64 if jax.config.jax_enable_x64 else jnp.int32)
    embed_weight = jax.random.normal(k2, (NUM_EMBEDDINGS, EMB_DIM), dtype=jnp.float32) * 0.02
    return {"x": x, "embed_weight": embed_weight}

def reference(x, embed_weight):
    # MinimalEncoder.forward: (squeeze channel dim if present), embed, mean-pool over H, W
    if x.ndim == 4 and x.shape[1] == 1:
        x = jnp.squeeze(x, axis=1)
    em = jnp.take(embed_weight, x, axis=0)  # [B, H, W, emb_dim] gather (SparseCore-friendly)
    z = em.mean(axis=(1, 2))                # [B, emb_dim]
    return z

if __name__ == "__main__":
    import jax
    _d = setup_inputs()
    print(jax.jit(kernel)(*tuple(_d.values())))

</pallas_src>

<mosaic_0001>
#map = affine_map<(d0, d1) -> (0, 0)>
module attributes {stable_mosaic.version = 14 : i64} {
  func.func @enc(%arg0: i32, %arg1: i32, %arg2: memref<1024x2500xi32, #tpu.memory_space<hbm>>, %arg3: memref<8x100000xi32, #tpu.memory_space<hbm>>, %arg4: memref<16x1024xf32, #tpu.memory_space<hbm>>, %arg5: memref<100000xi32, #tpu.memory_space<vmem>>, %arg6: memref<2528xi32, #tpu.memory_space<vmem>>, %arg7: memref<2528xi32, #tpu.memory_space<vmem>>, %arg8: memref<2528xi32, #tpu.memory_space<vmem>>, %arg9: memref<2528xi32, #tpu.memory_space<vmem>>, %arg10: memref<2x256xf32, #tpu.memory_space<vmem>>, %arg11: memref<!tpu.dma_semaphore, #tpu.memory_space<semaphore_mem>>) attributes {dimension_semantics = [#tpu.dimension_semantics<core_parallel>, #tpu.dimension_semantics<subcore_parallel>], iteration_bounds = array<i64: 2, 16>, scalar_prefetch = 0 : i64, scratch_operands = 7 : i64, tpu.core_type = #tpu.core_type<sc_vector_subcore>, window_params = [{transform_indices = #map}, {transform_indices = #map}, {transform_indices = #map}]} {
    %jit3A = arith.constant 8 : i32
    %eq3A = arith.constant 0 : i32
    %eq3A_0 = arith.cmpi eq, %jit3A, %eq3A : i32
    %jit3A_1 = arith.constant 1 : i32
    %select_n3A = arith.select %eq3A_0, %jit3A_1, %jit3A : i32
    %rem3A = arith.remsi %arg1, %select_n3A : i32
    %ne3A = arith.constant 0 : i32
    %ne3A_2 = arith.cmpi ne, %rem3A, %ne3A : i32
    %lt3A = arith.constant 0 : i32
    %lt3A_3 = arith.cmpi slt, %rem3A, %lt3A : i32
    %lt3A_4 = arith.constant 0 : i32
    %lt3A_5 = arith.cmpi slt, %select_n3A, %lt3A_4 : i32
    %ne3A_6 = arith.xori %lt3A_3, %lt3A_5 : i1
    %and3A = arith.andi %ne3A_6, %ne3A_2 : i1
    %add3A = arith.addi %rem3A, %select_n3A : i32
    %select_n3A_7 = arith.select %and3A, %add3A, %rem3A : i32
    %mul3A = arith.constant 2 : i32
    %mul3A_8 = arith.muli %arg0, %mul3A : i32
    %jit3A_9 = arith.constant 8 : i32
    %div3A = arith.divsi %arg1, %jit3A_9 : i32
    %sign3A = arith.constant 0 : i32
    %sign3A_10 = arith.cmpi sgt, %arg1, %sign3A : i32
    %sign3A_11 = arith.extui %sign3A_10 : i1 to i32
    %sign3A_12 = arith.constant 0 : i32
    %sign3A_13 = arith.cmpi slt, %arg1, %sign3A_12 : i32
    %sign3A_14 = arith.extui %sign3A_13 : i1 to i32
    %sign3A_15 = arith.subi %sign3A_11, %sign3A_14 : i32
    %sign3A_16 = arith.constant 0 : i32
    %sign3A_17 = arith.cmpi sgt, %jit3A_9, %sign3A_16 : i32
    %sign3A_18 = arith.extui %sign3A_17 : i1 to i32
    %sign3A_19 = arith.constant 0 : i32
    %sign3A_20 = arith.cmpi slt, %jit3A_9, %sign3A_19 : i32
    %sign3A_21 = arith.extui %sign3A_20 : i1 to i32
    %sign3A_22 = arith.subi %sign3A_18, %sign3A_21 : i32
    %ne3A_23 = arith.cmpi ne, %sign3A_15, %sign3A_22 : i32
    %rem3A_24 = arith.remsi %arg1, %jit3A_9 : i32
    %ne3A_25 = arith.constant 0 : i32
    %ne3A_26 = arith.cmpi ne, %rem3A_24, %ne3A_25 : i32
    %and3A_27 = arith.andi %ne3A_23, %ne3A_26 : i1
    %sub3A = arith.constant 1 : i32
    %sub3A_28 = arith.subi %div3A, %sub3A : i32
    %select_n3A_29 = arith.select %and3A_27, %sub3A_28, %div3A : i32
    %add3A_30 = arith.addi %mul3A_8, %select_n3A_29 : i32
    %mul3A_31 = arith.constant 256 : i32
    %mul3A_32 = arith.muli %add3A_30, %mul3A_31 : i32
    "tpu.region"() ({
      %run_scoped3A = tpu.sem_alloc : memref<!tpu.dma_semaphore, #tpu.memory_space<semaphore_mem>>
      %dma_start3A_112 = arith.constant 0 : i32
      %dma_start3A_113 = tpu.memref_slice %arg3[%select_n3A_7, %dma_start3A_112] : memref<8x100000xi32, #tpu.memory_space<hbm>> -> memref<1x100000xi32, #tpu.memory_space<hbm>>
      %dma_start3A_114 = tpu.memref_squeeze %dma_start3A_113 : memref<1x100000xi32, #tpu.memory_space<hbm>> -> memref<100000xi32, #tpu.memory_space<hbm>>
      %dma_start3A_115 = arith.constant 0 : i32
      %dma_start3A_116 = tpu.memref_slice %arg3[%select_n3A_7, %dma_start3A_115] : memref<8x100000xi32, #tpu.memory_space<hbm>> -> memref<1x100000xi32, #tpu.memory_space<hbm>>
      %dma_start3A_117 = tpu.memref_squeeze %dma_start3A_116 : memref<1x100000xi32, #tpu.memory_space<hbm>> -> memref<100000xi32, #tpu.memory_space<hbm>>
      tpu.enqueue_dma source(%dma_start3A_117 : memref<100000xi32, #tpu.memory_space<hbm>>) target(%arg5 : memref<100000xi32, #tpu.memory_space<vmem>>) target_semaphore(%run_scoped3A : memref<!tpu.dma_semaphore, #tpu.memory_space<semaphore_mem>>)
      %dma_wait3A = arith.constant 0 : i32
      %dma_wait3A_118 = tpu.memref_slice %arg3[%select_n3A_7, %dma_wait3A] : memref<8x100000xi32, #tpu.memory_space<hbm>> -> memref<1x100000xi32, #tpu.memory_space<hbm>>
      %dma_wait3A_119 = tpu.memref_squeeze %dma_wait3A_118 : memref<1x100000xi32, #tpu.memory_space<hbm>> -> memref<100000xi32, #tpu.memory_space<hbm>>
      %dma_wait3A_120 = arith.constant 0 : i32
      %dma_wait3A_121 = tpu.memref_slice %arg3[%select_n3A_7, %dma_wait3A_120] : memref<8x100000xi32, #tpu.memory_space<hbm>> -> memref<1x100000xi32, #tpu.memory_space<hbm>>
      %dma_wait3A_122 = tpu.memref_squeeze %dma_wait3A_121 : memref<1x100000xi32, #tpu.memory_space<hbm>> -> memref<100000xi32, #tpu.memory_space<hbm>>
      tpu.wait_dma2 semaphore(%run_scoped3A : memref<!tpu.dma_semaphore, #tpu.memory_space<semaphore_mem>>) src(%dma_wait3A_122 : memref<100000xi32, #tpu.memory_space<hbm>>) dst(%arg5 : memref<100000xi32, #tpu.memory_space<vmem>>)
      tpu.yield
    }) : () -> ()
    %broadcast_in_dim3A = arith.constant 0.000000e+00 : f32
    %broadcast_in_dim3A_33 = vector.broadcast %broadcast_in_dim3A : f32 to vector<16xf32>
    %broadcast_in_dim3A_34 = arith.constant 0 : i32
    %broadcast_in_dim3A_35 = vector.broadcast %broadcast_in_dim3A_34 : i32 to vector<16xi32>
    %swap3A = arith.constant 2496 : index
    %swap3A_36 = tpu.vector_load %arg6[%swap3A] {strides = array<i32>} : memref<2528xi32, #tpu.memory_space<vmem>>, vector<16xi32>,
    tpu.vector_store %arg6[%swap3A], %broadcast_in_dim3A_35 {strides = array<i32>} : memref<2528xi32, #tpu.memory_space<vmem>>, vector<16xi32>,
    %swap3A_37 = arith.constant 2512 : index
    %swap3A_38 = tpu.vector_load %arg6[%swap3A_37] {strides = array<i32>} : memref<2528xi32, #tpu.memory_space<vmem>>, vector<16xi32>,
    tpu.vector_store %arg6[%swap3A_37], %broadcast_in_dim3A_35 {strides = array<i32>} : memref<2528xi32, #tpu.memory_space<vmem>>, vector<16xi32>,
    %swap3A_39 = arith.constant 2496 : index
    %swap3A_40 = tpu.vector_load %arg7[%swap3A_39] {strides = array<i32>} : memref<2528xi32, #tpu.memory_space<vmem>>, vector<16xi32>,
    tpu.vector_store %arg7[%swap3A_39], %broadcast_in_dim3A_35 {strides = array<i32>} : memref<2528xi32, #tpu.memory_space<vmem>>, vector<16xi32>,
    %swap3A_41 = arith.constant 2512 : index
    %swap3A_42 = tpu.vector_load %arg7[%swap3A_41] {strides = array<i32>} : memref<2528xi32, #tpu.memory_space<vmem>>, vector<16xi32>,
    tpu.vector_store %arg7[%swap3A_41], %broadcast_in_dim3A_35 {strides = array<i32>} : memref<2528xi32, #tpu.memory_space<vmem>>, vector<16xi32>,
    %swap3A_43 = arith.constant 2496 : index
    %swap3A_44 = tpu.vector_load %arg8[%swap3A_43] {strides = array<i32>} : memref<2528xi32, #tpu.memory_space<vmem>>, vector<16xi32>,
    tpu.vector_store %arg8[%swap3A_43], %broadcast_in_dim3A_35 {strides = array<i32>} : memref<2528xi32, #tpu.memory_space<vmem>>, vector<16xi32>,
    %swap3A_45 = arith.constant 2512 : index
    %swap3A_46 = tpu.vector_load %arg8[%swap3A_45] {strides = array<i32>} : memref<2528xi32, #tpu.memory_space<vmem>>, vector<16xi32>,
    tpu.vector_store %arg8[%swap3A_45], %broadcast_in_dim3A_35 {strides = array<i32>} : memref<2528xi32, #tpu.memory_space<vmem>>, vector<16xi32>,
    %swap3A_47 = arith.constant 2496 : index
    %swap3A_48 = tpu.vector_load %arg9[%swap3A_47] {strides = array<i32>} : memref<2528xi32, #tpu.memory_space<vmem>>, vector<16xi32>,
    tpu.vector_store %arg9[%swap3A_47], %broadcast_in_dim3A_35 {strides = array<i32>} : memref<2528xi32, #tpu.memory_space<vmem>>, vector<16xi32>,
    %swap3A_49 = arith.constant 2512 : index
    %swap3A_50 = tpu.vector_load %arg9[%swap3A_49] {strides = array<i32>} : memref<2528xi32, #tpu.memory_space<vmem>>, vector<16xi32>,
    tpu.vector_store %arg9[%swap3A_49], %broadcast_in_dim3A_35 {strides = array<i32>} : memref<2528xi32, #tpu.memory_space<vmem>>, vector<16xi32>,
    %gather3A = tpu.vector_load_idx %arg5[%broadcast_in_dim3A_35] : memref<100000xi32, #tpu.memory_space<vmem>>[vector<16xi32>], vector<16xi32>,
    %shift_left3A = arith.constant 16 : i32
    %shift_left3A_51 = vector.broadcast %shift_left3A : i32 to vector<16xi32>
    %shift_left3A_52 = arith.shli %gather3A, %shift_left3A_51 : vector<16xi32>
    %bitcast3A = vector.bitcast %shift_left3A_52 : vector<16xi32> to vector<16xf32>
    %reduce_sum3A = arith.constant true
    %reduce_sum3A_53 = vector.broadcast %reduce_sum3A : i1 to vector<16xi1>
    %reduce_sum3A_54 = tpu.scan <sum>, %bitcast3A masked %reduce_sum3A_53 : vector<16xf32>, vector<16xi1> -> vector<16xf32>
    %reduce_sum3A_55 = vector.extract %reduce_sum3A_54[15] : f32 from vector<16xf32>
    %mul3A_56 = arith.constant 1.750000e+00 : f32
    %mul3A_57 = arith.mulf %reduce_sum3A_55, %mul3A_56 : f32
    %and3A_58 = arith.constant -65536 : i32
    %and3A_59 = vector.broadcast %and3A_58 : i32 to vector<16xi32>
    %and3A_60 = arith.andi %gather3A, %and3A_59 : vector<16xi32>
    %bitcast3A_61 = vector.bitcast %and3A_60 : vector<16xi32> to vector<16xf32>
    %reduce_sum3A_62 = arith.constant true
    %reduce_sum3A_63 = vector.broadcast %reduce_sum3A_62 : i1 to vector<16xi1>
    %reduce_sum3A_64 = tpu.scan <sum>, %bitcast3A_61 masked %reduce_sum3A_63 : vector<16xf32>, vector<16xi1> -> vector<16xf32>
    %reduce_sum3A_65 = vector.extract %reduce_sum3A_64[15] : f32 from vector<16xf32>
    %mul3A_66 = arith.constant 1.750000e+00 : f32
    %mul3A_67 = arith.mulf %reduce_sum3A_65, %mul3A_66 : f32
    %iota3A = tpu.iota {dimensions = array<i32: 0>} : vector<16xi32>
    %add3A_68 = arith.constant 0 : i32
    %add3A_69 = arith.addi %mul3A_32, %add3A_68 : i32
    %dma_start3A = arith.constant 0 : i32
    %dma_start3A_70 = tpu.memref_slice %arg6[%dma_start3A] : memref<2528xi32, #tpu.memory_space<vmem>> -> memref<2500xi32, #tpu.memory_space<vmem>>
    %dma_start3A_71 = arith.constant 0 : i32
    %dma_start3A_72 = tpu.memref_slice %arg2[%add3A_69, %dma_start3A_71] : memref<1024x2500xi32, #tpu.memory_space<hbm>> -> memref<1x2500xi32, #tpu.memory_space<hbm>>
    %dma_start3A_73 = tpu.memref_squeeze %dma_start3A_72 : memref<1x2500xi32, #tpu.memory_space<hbm>> -> memref<2500xi32, #tpu.memory_space<hbm>>
    %dma_start3A_74 = arith.constant 0 : i32
    %dma_start3A_75 = tpu.memref_slice %arg6[%dma_start3A_74] : memref<2528xi32, #tpu.memory_space<vmem>> -> memref<2500xi32, #tpu.memory_space<vmem>>
    %dma_start3A_76 = arith.constant 0 : i32
    %dma_start3A_77 = tpu.memref_slice %arg2[%add3A_69, %dma_start3A_76] : memref<1024x2500xi32, #tpu.memory_space<hbm>> -> memref<1x2500xi32, #tpu.memory_space<hbm>>
    %dma_start3A_78 = tpu.memref_squeeze %dma_start3A_77 : memref<1x2500xi32, #tpu.memory_space<hbm>> -> memref<2500xi32, #tpu.memory_space<hbm>>
    tpu.enqueue_dma source(%dma_start3A_78 : memref<2500xi32, #tpu.memory_space<hbm>>) target(%dma_start3A_75 : memref<2500xi32, #tpu.memory_space<vmem>>) target_semaphore(%arg11 : memref<!tpu.dma_semaphore, #tpu.memory_space<semaphore_mem>>)
    %add3A_79 = arith.constant 1 : i32
    %add3A_80 = arith.addi %mul3A_32, %add3A_79 : i32
    %dma_start3A_81 = arith.constant 0 : i32
    %dma_start3A_82 = tpu.memref_slice %arg7[%dma_start3A_81] : memref<2528xi32, #tpu.memory_space<vmem>> -> memref<2500xi32, #tpu.memory_space<vmem>>
    %dma_start3A_83 = arith.constant 0 : i32
    %dma_start3A_84 = tpu.memref_slice %arg2[%add3A_80, %dma_start3A_83] : memref<1024x2500xi32, #tpu.memory_space<hbm>> -> memref<1x2500xi32, #tpu.memory_space<hbm>>
    %dma_start3A_85 = tpu.memref_squeeze %dma_start3A_84 : memref<1x2500xi32, #tpu.memory_space<hbm>> -> memref<2500xi32, #tpu.memory_space<hbm>>
    %dma_start3A_86 = arith.constant 0 : i32
    %dma_start3A_87 = tpu.memref_slice %arg7[%dma_start3A_86] : memref<2528xi32, #tpu.memory_space<vmem>> -> memref<2500xi32, #tpu.memory_space<vmem>>
    %dma_start3A_88 = arith.constant 0 : i32
    %dma_start3A_89 = tpu.memref_slice %arg2[%add3A_80, %dma_start3A_88] : memref<1024x2500xi32, #tpu.memory_space<hbm>> -> memref<1x2500xi32, #tpu.memory_space<hbm>>
    %dma_start3A_90 = tpu.memref_squeeze %dma_start3A_89 : memref<1x2500xi32, #tpu.memory_space<hbm>> -> memref<2500xi32, #tpu.memory_space<hbm>>
    tpu.enqueue_dma source(%dma_start3A_90 : memref<2500xi32, #tpu.memory_space<hbm>>) target(%dma_start3A_87 : memref<2500xi32, #tpu.memory_space<vmem>>) target_semaphore(%arg11 : memref<!tpu.dma_semaphore, #tpu.memory_space<semaphore_mem>>)
    %add3A_91 = arith.constant 2 : i32
    %add3A_92 = arith.addi %mul3A_32, %add3A_91 : i32
    %dma_start3A_93 = arith.constant 0 : i32
    %dma_start3A_94 = tpu.memref_slice %arg8[%dma_start3A_93] : memref<2528xi32, #tpu.memory_space<vmem>> -> memref<2500xi32, #tpu.memory_space<vmem>>
    %dma_start3A_95 = arith.constant 0 : i32
    %dma_start3A_96 = tpu.memref_slice %arg2[%add3A_92, %dma_start3A_95] : memref<1024x2500xi32, #tpu.memory_space<hbm>> -> memref<1x2500xi32, #tpu.memory_space<hbm>>
    %dma_start3A_97 = tpu.memref_squeeze %dma_start3A_96 : memref<1x2500xi32, #tpu.memory_space<hbm>> -> memref<2500xi32, #tpu.memory_space<hbm>>
    %dma_start3A_98 = arith.constant 0 : i32
    %dma_start3A_99 = tpu.memref_slice %arg8[%dma_start3A_98] : memref<2528xi32, #tpu.memory_space<vmem>> -> memref<2500xi32, #tpu.memory_space<vmem>>
    %dma_start3A_100 = arith.constant 0 : i32
    %dma_start3A_101 = tpu.memref_slice %arg2[%add3A_92, %dma_start3A_100] : memref<1024x2500xi32, #tpu.memory_space<hbm>> -> memref<1x2500xi32, #tpu.memory_space<hbm>>
    %dma_start3A_102 = tpu.memref_squeeze %dma_start3A_101 : memref<1x2500xi32, #tpu.memory_space<hbm>> -> memref<2500xi32, #tpu.memory_space<hbm>>
    tpu.enqueue_dma source(%dma_start3A_102 : memref<2500xi32, #tpu.memory_space<hbm>>) target(%dma_start3A_99 : memref<2500xi32, #tpu.memory_space<vmem>>) target_semaphore(%arg11 : memref<!tpu.dma_semaphore, #tpu.memory_space<semaphore_mem>>)
    %broadcast_in_dim3A_103 = arith.constant 0.000000e+00 : f32
    %broadcast_in_dim3A_104 = vector.broadcast %broadcast_in_dim3A_103 : f32 to vector<16xf32>
    %scan3A = arith.constant 0 : i32
    %scan3A_105 = arith.constant 64 : i32
    %scan3A_106 = arith.addi %scan3A, %scan3A_105 : i32
    %scan3A_107 = arith.constant 1 : i32
    %scan3A_108:2 = scf.for %scan3A_112 = %scan3A to %scan3A_106 step %scan3A_107 iter_args(%scan3A_113 = %broadcast_in_dim3A_104, %scan3A_114 = %broadcast_in_dim3A_104) -> (vector<16xf32>, vector<16xf32>)  : i32 {
      %mul3A_115 = arith.constant 4 : i32
      %mul3A_116 = arith.muli %mul3A_115, %scan3A_112 : i32
      %add3A_117 = arith.constant 0 : i32
      %add3A_118 = arith.addi %mul3A_116, %add3A_117 : i32
      %add3A_119 = arith.constant 3 : i32
      %add3A_120 = arith.addi %add3A_118, %add3A_119 : i32
      %lt3A_121 = arith.constant 256 : i32
      %lt3A_122 = arith.cmpi slt, %add3A_120, %lt3A_121 : i32
      %convert_element_type3A = arith.extui %lt3A_122 : i1 to i32
      %cond3A = arith.constant 0 : i32
      %cond3A_123 = arith.cmpi ne, %convert_element_type3A, %cond3A : i32
      scf.if %cond3A_123 {
        %add3A_1355 = arith.constant 3 : i32
        %add3A_1356 = arith.addi %add3A_118, %add3A_1355 : i32
        %add3A_1357 = arith.addi %mul3A_32, %add3A_1356 : i32
        %dma_start3A_1358 = arith.constant 0 : i32
        %dma_start3A_1359 = tpu.memref_slice %arg9[%dma_start3A_1358] : memref<2528xi32, #tpu.memory_space<vmem>> -> memref<2500xi32, #tpu.memory_space<vmem>>
        %dma_start3A_1360 = arith.constant 0 : i32
        %dma_start3A_1361 = tpu.memref_slice %arg2[%add3A_1357, %dma_start3A_1360] : memref<1024x2500xi32, #tpu.memory_space<hbm>> -> memref<1x2500xi32, #tpu.memory_space<hbm>>
        %dma_start3A_1362 = tpu.memref_squeeze %dma_start3A_1361 : memref<1x2500xi32, #tpu.memory_space<hbm>> -> memref<2500xi32, #tpu.memory_space<hbm>>
        %dma_start3A_1363 = arith.constant 0 : i32
        %dma_start3A_1364 = tpu.memref_slice %arg9[%dma_start3A_1363] : memref<2528xi32, #tpu.memory_space<vmem>> -> memref<2500xi32, #tpu.memory_space<vmem>>
        %dma_start3A_1365 = arith.constant 0 : i32
        %dma_start3A_1366 = tpu.memref_slice %arg2[%add3A_1357, %dma_start3A_1365] : memref<1024x2500xi32, #tpu.memory_space<hbm>> -> memref<1x2500xi32, #tpu.memory_space<hbm>>
        %dma_start3A_1367 = tpu.memref_squeeze %dma_start3A_1366 : memref<1x2500xi32, #tpu.memory_space<hbm>> -> memref<2500xi32, #tpu.memory_space<hbm>>
        tpu.enqueue_dma source(%dma_start3A_1367 : memref<2500xi32, #tpu.memory_space<hbm>>) target(%dma_start3A_1364 : memref<2500xi32, #tpu.memory_space<vmem>>) target_semaphore(%arg11 : memref<!tpu.dma_semaphore, #tpu.memory_space<semaphore_mem>>)
      } else {
      }
      %dma_wait3A = arith.constant 0 : i32
      %dma_wait3A_124 = arith.constant 0 : i32
      %dma_wait3A_125 = tpu.memref_slice %arg6[%dma_wait3A_124] : memref<2528xi32, #tpu.memory_space<vmem>> -> memref<2500xi32, #tpu.memory_space<vmem>>
      %dma_wait3A_126 = arith.constant 0 : i32
      %dma_wait3A_127 = tpu.memref_slice %arg2[%dma_wait3A, %dma_wait3A_126] : memref<1024x2500xi32, #tpu.memory_space<hbm>> -> memref<1x2500xi32, #tpu.memory_space<hbm>>
      %dma_wait3A_128 = tpu.memref_squeeze %dma_wait3A_127 : memref<1x2500xi32, #tpu.memory_space<hbm>> -> memref<2500xi32, #tpu.memory_space<hbm>>
      %dma_wait3A_129 = arith.constant 0 : i32
      %dma_wait3A_130 = tpu.memref_slice %arg6[%dma_wait3A_129] : memref<2528xi32, #tpu.memory_space<vmem>> -> memref<2500xi32, #tpu.memory_space<vmem>>
      %dma_wait3A_131 = arith.constant 0 : i32
      %dma_wait3A_132 = tpu.memref_slice %arg2[%dma_wait3A, %dma_wait3A_131] : memref<1024x2500xi32, #tpu.memory_space<hbm>> -> memref<1x2500xi32, #tpu.memory_space<hbm>>
      %dma_wait3A_133 = tpu.memref_squeeze %dma_wait3A_132 : memref<1x2500xi32, #tpu.memory_space<hbm>> -> memref<2500xi32, #tpu.memory_space<hbm>>
      tpu.wait_dma2 semaphore(%arg11 : memref<!tpu.dma_semaphore, #tpu.memory_space<semaphore_mem>>) src(%dma_wait3A_133 : memref<2500xi32, #tpu.memory_space<hbm>>) dst(%dma_wait3A_130 : memref<2500xi32, #tpu.memory_space<vmem>>)
      %scan3A_134 = arith.constant 0 : i32
      %scan3A_135 = arith.constant 72 : i32
      %scan3A_136 = arith.addi %scan3A_134, %scan3A_135 : i32
      %scan3A_137 = arith.constant 8 : i32
      %scan3A_138:4 = scf.for %scan3A_1355 = %scan3A_134 to %scan3A_136 step %scan3A_137 iter_args(%scan3A_1356 = %broadcast_in_dim3A_33, %scan3A_1357 = %broadcast_in_dim3A_33, %scan3A_1358 = %broadcast_in_dim3A_33, %scan3A_1359 = %broadcast_in_dim3A_33) -> (vector<16xf32>, vector<16xf32>, vector<16xf32>, vector<16xf32>)  : i32 {
        %mul3A_1360 = arith.constant 32 : i32
        %mul3A_1361 = arith.muli %mul3A_1360, %scan3A_1355 : i32
        %get3A_1362 = arith.index_cast %mul3A_1361 : i32 to index
        %get3A_1363 = tpu.vector_load %arg6[%get3A_1362] {strides = array<i32>} : memref<2528xi32, #tpu.memory_space<vmem>>, vector<16xi32>,
        %gather3A_1364 = tpu.vector_load_idx %arg5[%get3A_1363] : memref<100000xi32, #tpu.memory_space<vmem>>[vector<16xi32>], vector<16xi32>,
        %add3A_1365 = arith.constant 16 : i32
        %add3A_1366 = arith.addi %mul3A_1361, %add3A_1365 : i32
        %get3A_1367 = arith.index_cast %add3A_1366 : i32 to index
        %get3A_1368 = tpu.vector_load %arg6[%get3A_1367] {strides = array<i32>} : memref<2528xi32, #tpu.memory_space<vmem>>, vector<16xi32>,
        %gather3A_1369 = tpu.vector_load_idx %arg5[%get3A_1368] : memref<100000xi32, #tpu.memory_space<vmem>>[vector<16xi32>], vector<16xi32>,
        %shift_left3A_1370 = arith.constant 16 : i32
        %shift_left3A_1371 = vector.broadcast %shift_left3A_1370 : i32 to vector<16xi32>
        %shift_left3A_1372 = arith.shli %gather3A_1364, %shift_left3A_1371 : vector<16xi32>
        %bitcast3A_1373 = vector.bitcast %shift_left3A_1372 : vector<16xi32> to vector<16xf32>
        %and3A_1374 = arith.constant -65536 : i32
        %and3A_1375 = vector.broadcast %and3A_1374 : i32 to vector<16xi32>
        %and3A_1376 = arith.andi %gather3A_1364, %and3A_1375 : vector<16xi32>
        %bitcast3A_1377 = vector.bitcast %and3A_1376 : vector<16xi32> to vector<16xf32>
        %shift_left3A_1378 = arith.constant 16 : i32
        %shift_left3A_1379 = vector.broadcast %shift_left3A_1378 : i32 to vector<16xi32>
        %shift_left3A_1380 = arith.shli %gather3A_1369, %shift_left3A_1379 : vector<16xi32>
        %bitcast3A_1381 = vector.bitcast %shift_left3A_1380 : vector<16xi32> to vector<16xf32>
        %and3A_1382 = arith.constant -65536 : i32
        %and3A_1383 = vector.broadcast %and3A_1382 : i32 to vector<16xi32>
        %and3A_1384 = arith.andi %gather3A_1369, %and3A_1383 : vector<16xi32>
        %bitcast3A_1385 = vector.bitcast %and3A_1384 : vector<16xi32> to vector<16xf32>
        %add3A_1386 = arith.addf %scan3A_1356, %bitcast3A_1373 : vector<16xf32>
        %add3A_1387 = arith.addf %scan3A_1357, %bitcast3A_1377 : vector<16xf32>
        %add3A_1388 = arith.addf %scan3A_1358, %bitcast3A_1381 : vector<16xf32>
        %add3A_1389 = arith.addf %scan3A_1359, %bitcast3A_1385 : vector<16xf32>
        %scan3A_1390 = arith.constant 1 : i32
        %scan3A_1391 = arith.addi %scan3A_1355, %scan3A_1390 : i32
        %mul3A_1392 = arith.constant 32 : i32
        %mul3A_1393 = arith.muli %mul3A_1392, %scan3A_1391 : i32
        %get3A_1394 = arith.index_cast %mul3A_1393 : i32 to index
        %get3A_1395 = tpu.vector_load %arg6[%get3A_1394] {strides = array<i32>} : memref<2528xi32, #tpu.memory_space<vmem>>, vector<16xi32>,
        %gather3A_1396 = tpu.vector_load_idx %arg5[%get3A_1395] : memref<100000xi32, #tpu.memory_space<vmem>>[vector<16xi32>], vector<16xi32>,
        %add3A_1397 = arith.constant 16 : i32
        %add3A_1398 = arith.addi %mul3A_1393, %add3A_1397 : i32
        %get3A_1399 = arith.index_cast %add3A_1398 : i32 to index
        %get3A_1400 = tpu.vector_load %arg6[%get3A_1399] {strides = array<i32>} : memref<2528xi32, #tpu.memory_space<vmem>>, vector<16xi32>,
        %gather3A_1401 = tpu.vector_load_idx %arg5[%get3A_1400] : memref<100000xi32, #tpu.memory_space<vmem>>[vector<16xi32>], vector<16xi32>,
        %shift_left3A_1402 = arith.constant 16 : i32
        %shift_left3A_1403 = vector.broadcast %shift_left3A_1402 : i32 to vector<16xi32>
        %shift_left3A_1404 = arith.shli %gather3A_1396, %shift_left3A_1403 : vector<16xi32>
        %bitcast3A_1405 = vector.bitcast %shift_left3A_1404 : vector<16xi32> to vector<16xf32>
        %and3A_1406 = arith.constant -65536 : i32
        %and3A_1407 = vector.broadcast %and3A_1406 : i32 to vector<16xi32>
        %and3A_1408 = arith.andi %gather3A_1396, %and3A_1407 : vector<16xi32>
        %bitcast3A_1409 = vector.bitcast %and3A_1408 : vector<16xi32> to vector<16xf32>
        %shift_left3A_1410 = arith.constant 16 : i32
        %shift_left3A_1411 = vector.broadcast %shift_left3A_1410 : i32 to vector<16xi32>
        %shift_left3A_1412 = arith.shli %gather3A_1401, %shift_left3A_1411 : vector<16xi32>
        %bitcast3A_1413 = vector.bitcast %shift_left3A_1412 : vector<16xi32> to vector<16xf32>
        %and3A_1414 = arith.constant -65536 : i32
        %and3A_1415 = vector.broadcast %and3A_1414 : i32 to vector<16xi32>
        %and3A_1416 = arith.andi %gather3A_1401, %and3A_1415 : vector<16xi32>
        %bitcast3A_1417 = vector.bitcast %and3A_1416 : vector<16xi32> to vector<16xf32>
        %add3A_1418 = arith.addf %add3A_1386, %bitcast3A_1405 : vector<16xf32>
        %add3A_1419 = arith.addf %add3A_1387, %bitcast3A_1409 : vector<16xf32>
        %add3A_1420 = arith.addf %add3A_1388, %bitcast3A_1413 : vector<16xf32>
        %add3A_1421 = arith.addf %add3A_1389, %bitcast3A_1417 : vector<16xf32>
        %scan3A_1422 = arith.constant 2 : i32
        %scan3A_1423 = arith.addi %scan3A_1355, %scan3A_1422 : i32
        %mul3A_1424 = arith.constant 32 : i32
        %mul3A_1425 = arith.muli %mul3A_1424, %scan3A_1423 : i32
        %get3A_1426 = arith.index_cast %mul3A_1425 : i32 to index
        %get3A_1427 = tpu.vector_load %arg6[%get3A_1426] {strides = array<i32>} : memref<2528xi32, #tpu.memory_space<vmem>>, vector<16xi32>,
        %gather3A_1428 = tpu.vector_load_idx %arg5[%get3A_1427] : memref<100000xi32, #tpu.memory_space<vmem>>[vector<16xi32>], vector<16xi32>,
        %add3A_1429 = arith.constant 16 : i32
        %add3A_1430 = arith.addi %mul3A_1425, %add3A_1429 : i32
        %get3A_1431 = arith.index_cast %add3A_1430 : i32 to index
        %get3A_1432 = tpu.vector_load %arg6[%get3A_1431] {strides = array<i32>} : memref<2528xi32, #tpu.memory_space<vmem>>, vector<16xi32>,
        %gather3A_1433 = tpu.vector_load_idx %arg5[%get3A_1432] : memref<100000xi32, #tpu.memory_space<vmem>>[vector<16xi32>], vector<16xi32>,
        %shift_left3A_1434 = arith.constant 16 : i32
        %shift_left3A_1435 = vector.broadcast %shift_left3A_1434 : i32 to vector<16xi32>
        %shift_left3A_1436 = arith.shli %gather3A_1428, %shift_left3A_1435 : vector<16xi32>
        %bitcast3A_1437 = vector.bitcast %shift_left3A_1436 : vector<16xi32> to vector<16xf32>
        %and3A_1438 = arith.constant -65536 : i32
        %and3A_1439 = vector.broadcast %and3A_1438 : i32 to vector<16xi32>
        %and3A_1440 = arith.andi %gather3A_1428, %and3A_1439 : vector<16xi32>
        %bitcast3A_1441 = vector.bitcast %and3A_1440 : vector<16xi32> to vector<16xf32>
        %shift_left3A_1442 = arith.constant 16 : i32
        %shift_left3A_1443 = vector.broadcast %shift_left3A_1442 : i32 to vector<16xi32>
        %shift_left3A_1444 = arith.shli %gather3A_1433, %shift_left3A_1443 : vector<16xi32>
        %bitcast3A_1445 = vector.bitcast %shift_left3A_1444 : vector<16xi32> to vector<16xf32>
        %and3A_1446 = arith.constant -65536 : i32
        %and3A_1447 = vector.broadcast %and3A_1446 : i32 to vector<16xi32>
        %and3A_1448 = arith.andi %gather3A_1433, %and3A_1447 : vector<16xi32>
        %bitcast3A_1449 = vector.bitcast %and3A_1448 : vector<16xi32> to vector<16xf32>
        %add3A_1450 = arith.addf %add3A_1418, %bitcast3A_1437 : vector<16xf32>
        %add3A_1451 = arith.addf %add3A_1419, %bitcast3A_1441 : vector<16xf32>
        %add3A_1452 = arith.addf %add3A_1420, %bitcast3A_1445 : vector<16xf32>
        %add3A_1453 = arith.addf %add3A_1421, %bitcast3A_1449 : vector<16xf32>
        %scan3A_1454 = arith.constant 3 : i32
        %scan3A_1455 = arith.addi %scan3A_1355, %scan3A_1454 : i32
        %mul3A_1456 = arith.constant 32 : i32
        %mul3A_1457 = arith.muli %mul3A_1456, %scan3A_1455 : i32
        %get3A_1458 = arith.index_cast %mul3A_1457 : i32 to index
        %get3A_1459 = tpu.vector_load %arg6[%get3A_1458] {strides = array<i32>} : memref<2528xi32, #tpu.memory_space<vmem>>, vector<16xi32>,
        %gather3A_1460 = tpu.vector_load_idx %arg5[%get3A_1459] : memref<100000xi32, #tpu.memory_space<vmem>>[vector<16xi32>], vector<16xi32>,
        %add3A_1461 = arith.constant 16 : i32
        %add3A_1462 = arith.addi %mul3A_1457, %add3A_1461 : i32
        %get3A_1463 = arith.index_cast %add3A_1462 : i32 to index
        %get3A_1464 = tpu.vector_load %arg6[%get3A_1463] {strides = array<i32>} : memref<2528xi32, #tpu.memory_space<vmem>>, vector<16xi32>,
        %gather3A_1465 = tpu.vector_load_idx %arg5[%get3A_1464] : memref<100000xi32, #tpu.memory_space<vmem>>[vector<16xi32>], vector<16xi32>,
        %shift_left3A_1466 = arith.constant 16 : i32
        %shift_left3A_1467 = vector.broadcast %shift_left3A_1466 : i32 to vector<16xi32>
        %shift_left3A_1468 = arith.shli %gather3A_1460, %shift_left3A_1467 : vector<16xi32>
        %bitcast3A_1469 = vector.bitcast %shift_left3A_1468 : vector<16xi32> to vector<16xf32>
        %and3A_1470 = arith.constant -65536 : i32
        %and3A_1471 = vector.broadcast %and3A_1470 : i32 to vector<16xi32>
        %and3A_1472 = arith.andi %gather3A_1460, %and3A_1471 : vector<16xi32>
        %bitcast3A_1473 = vector.bitcast %and3A_1472 : vector<16xi32> to vector<16xf32>
        %shift_left3A_1474 = arith.constant 16 : i32
        %shift_left3A_1475 = vector.broadcast %shift_left3A_1474 : i32 to vector<16xi32>
        %shift_left3A_1476 = arith.shli %gather3A_1465, %shift_left3A_1475 : vector<16xi32>
        %bitcast3A_1477 = vector.bitcast %shift_left3A_1476 : vector<16xi32> to vector<16xf32>
        %and3A_1478 = arith.constant -65536 : i32
        %and3A_1479 = vector.broadcast %and3A_1478 : i32 to vector<16xi32>
        %and3A_1480 = arith.andi %gather3A_1465, %and3A_1479 : vector<16xi32>
        %bitcast3A_1481 = vector.bitcast %and3A_1480 : vector<16xi32> to vector<16xf32>
        %add3A_1482 = arith.addf %add3A_1450, %bitcast3A_1469 : vector<16xf32>
        %add3A_1483 = arith.addf %add3A_1451, %bitcast3A_1473 : vector<16xf32>
        %add3A_1484 = arith.addf %add3A_1452, %bitcast3A_1477 : vector<16xf32>
        %add3A_1485 = arith.addf %add3A_1453, %bitcast3A_1481 : vector<16xf32>
        %scan3A_1486 = arith.constant 4 : i32
        %scan3A_1487 = arith.addi %scan3A_1355, %scan3A_1486 : i32
        %mul3A_1488 = arith.constant 32 : i32
        %mul3A_1489 = arith.muli %mul3A_1488, %scan3A_1487 : i32
        %get3A_1490 = arith.index_cast %mul3A_1489 : i32 to index
        %get3A_1491 = tpu.vector_load %arg6[%get3A_1490] {strides = array<i32>} : memref<2528xi32, #tpu.memory_space<vmem>>, vector<16xi32>,
        %gather3A_1492 = tpu.vector_load_idx %arg5[%get3A_1491] : memref<100000xi32, #tpu.memory_space<vmem>>[vector<16xi32>], vector<16xi32>,
        %add3A_1493 = arith.constant 16 : i32
        %add3A_1494 = arith.addi %mul3A_1489, %add3A_1493 : i32
        %get3A_1495 = arith.index_cast %add3A_1494 : i32 to index
        %get3A_1496 = tpu.vector_load %arg6[%get3A_1495] {strides = array<i32>} : memref<2528xi32, #tpu.memory_space<vmem>>, vector<16xi32>,
        %gather3A_1497 = tpu.vector_load_idx %arg5[%get3A_1496] : memref<100000xi32, #tpu.memory_space<vmem>>[vector<16xi32>], vector<16xi32>,
        %shift_left3A_1498 = arith.constant 16 : i32
        %shift_left3A_1499 = vector.broadcast %shift_left3A_1498 : i32 to vector<16xi32>
        %shift_left3A_1500 = arith.shli %gather3A_1492, %shift_left3A_1499 : vector<16xi32>
        %bitcast3A_1501 = vector.bitcast %shift_left3A_1500 : vector<16xi32> to vector<16xf32>
        %and3A_1502 = arith.constant -65536 : i32
        %and3A_1503 = vector.broadcast %and3A_1502 : i32 to vector<16xi32>
        %and3A_1504 = arith.andi %gather3A_1492, %and3A_1503 : vector<16xi32>
        %bitcast3A_1505 = vector.bitcast %and3A_1504 : vector<16xi32> to vector<16xf32>
        %shift_left3A_1506 = arith.constant 16 : i32
        %shift_left3A_1507 = vector.broadcast %shift_left3A_1506 : i32 to vector<16xi32>
        %shift_left3A_1508 = arith.shli %gather3A_1497, %shift_left3A_1507 : vector<16xi32>
        %bitcast3A_1509 = vector.bitcast %shift_left3A_1508 : vector<16xi32> to vector<16xf32>
        %and3A_1510 = arith.constant -65536 : i32
        %and3A_1511 = vector.broadcast %and3A_1510 : i32 to vector<16xi32>
        %and3A_1512 = arith.andi %gather3A_1497, %and3A_1511 : vector<16xi32>
        %bitcast3A_1513 = vector.bitcast %and3A_1512 : vector<16xi32> to vector<16xf32>
        %add3A_1514 = arith.addf %add3A_1482, %bitcast3A_1501 : vector<16xf32>
        %add3A_1515 = arith.addf %add3A_1483, %bitcast3A_1505 : vector<16xf32>
        %add3A_1516 = arith.addf %add3A_1484, %bitcast3A_1509 : vector<16xf32>
        %add3A_1517 = arith.addf %add3A_1485, %bitcast3A_1513 : vector<16xf32>
        %scan3A_1518 = arith.constant 5 : i32
        %scan3A_1519 = arith.addi %scan3A_1355, %scan3A_1518 : i32
        %mul3A_1520 = arith.constant 32 : i32
        %mul3A_1521 = arith.muli %mul3A_1520, %scan3A_1519 : i32
        %get3A_1522 = arith.index_cast %mul3A_1521 : i32 to index
        %get3A_1523 = tpu.vector_load %arg6[%get3A_1522] {strides = array<i32>} : memref<2528xi32, #tpu.memory_space<vmem>>, vector<16xi32>,
        %gather3A_1524 = tpu.vector_load_idx %arg5[%get3A_1523] : memref<100000xi32, #tpu.memory_space<vmem>>[vector<16xi32>], vector<16xi32>,
        %add3A_1525 = arith.constant 16 : i32
        %add3A_1526 = arith.addi %mul3A_1521, %add3A_1525 : i32
        %get3A_1527 = arith.index_cast %add3A_1526 : i32 to index
        %get3A_1528 = tpu.vector_load %arg6[%get3A_1527] {strides = array<i32>} : memref<2528xi32, #tpu.memory_space<vmem>>, vector<16xi32>,
        %gather3A_1529 = tpu.vector_load_idx %arg5[%get3A_1528] : memref<100000xi32, #tpu.memory_space<vmem>>[vector<16xi32>], vector<16xi32>,
        %shift_left3A_1530 = arith.constant 16 : i32
        %shift_left3A_1531 = vector.broadcast %shift_left3A_1530 : i32 to vector<16xi32>
        %shift_left3A_1532 = arith.shli %gather3A_1524, %shift_left3A_1531 : vector<16xi32>
        %bitcast3A_1533 = vector.bitcast %shift_left3A_1532 : vector<16xi32> to vector<16xf32>
        %and3A_1534 = arith.constant -65536 : i32
        %and3A_1535 = vector.broadcast %and3A_1534 : i32 to vector<16xi32>
        %and3A_1536 = arith.andi %gather3A_1524, %and3A_1535 : vector<16xi32>
        %bitcast3A_1537 = vector.bitcast %and3A_1536 : vector<16xi32> to vector<16xf32>
        %shift_left3A_1538 = arith.constant 16 : i32
        %shift_left3A_1539 = vector.broadcast %shift_left3A_1538 : i32 to vector<16xi32>
        %shift_left3A_1540 = arith.shli %gather3A_1529, %shift_left3A_1539 : vector<16xi32>
        %bitcast3A_1541 = vector.bitcast %shift_left3A_1540 : vector<16xi32> to vector<16xf32>
        %and3A_1542 = arith.constant -65536 : i32
        %and3A_1543 = vector.broadcast %and3A_1542 : i32 to vector<16xi32>
        %and3A_1544 = arith.andi %gather3A_1529, %and3A_1543 : vector<16xi32>
        %bitcast3A_1545 = vector.bitcast %and3A_1544 : vector<16xi32> to vector<16xf32>
        %add3A_1546 = arith.addf %add3A_1514, %bitcast3A_1533 : vector<16xf32>
        %add3A_1547 = arith.addf %add3A_1515, %bitcast3A_1537 : vector<16xf32>
        %add3A_1548 = arith.addf %add3A_1516, %bitcast3A_1541 : vector<16xf32>
        %add3A_1549 = arith.addf %add3A_1517, %bitcast3A_1545 : vector<16xf32>
        %scan3A_1550 = arith.constant 6 : i32
        %scan3A_1551 = arith.addi %scan3A_1355, %scan3A_1550 : i32
        %mul3A_1552 = arith.constant 32 : i32
        %mul3A_1553 = arith.muli %mul3A_1552, %scan3A_1551 : i32
        %get3A_1554 = arith.index_cast %mul3A_1553 : i32 to index
        %get3A_1555 = tpu.vector_load %arg6[%get3A_1554] {strides = array<i32>} : memref<2528xi32, #tpu.memory_space<vmem>>, vector<16xi32>,
        %gather3A_1556 = tpu.vector_load_idx %arg5[%get3A_1555] : memref<100000xi32, #tpu.memory_space<vmem>>[vector<16xi32>], vector<16xi32>,
        %add3A_1557 = arith.constant 16 : i32
        %add3A_1558 = arith.addi %mul3A_1553, %add3A_1557 : i32
        %get3A_1559 = arith.index_cast %add3A_1558 : i32 to index
        %get3A_1560 = tpu.vector_load %arg6[%get3A_1559] {strides = array<i32>} : memref<2528xi32, #tpu.memory_space<vmem>>, vector<16xi32>,
        %gather3A_1561 = tpu.vector_load_idx %arg5[%get3A_1560] : memref<100000xi32, #tpu.memory_space<vmem>>[vector<16xi32>], vector<16xi32>,
        %shift_left3A_1562 = arith.constant 16 : i32
        %shift_left3A_1563 = vector.broadcast %shift_left3A_1562 : i32 to vector<16xi32>
        %shift_left3A_1564 = arith.shli %gather3A_1556, %shift_left3A_1563 : vector<16xi32>
        %bitcast3A_1565 = vector.bitcast %shift_left3A_1564 : vector<16xi32> to vector<16xf32>
        %and3A_1566 = arith.constant -65536 : i32
        %and3A_1567 = vector.broadcast %and3A_1566 : i32 to vector<16xi32>
        %and3A_1568 = arith.andi %gather3A_1556, %and3A_1567 : vector<16xi32>
        %bitcast3A_1569 = vector.bitcast %and3A_1568 : vector<16xi32> to vector<16xf32>
        %shift_left3A_1570 = arith.constant 16 : i32
        %shift_left3A_1571 = vector.broadcast %shift_left3A_1570 : i32 to vector<16xi32>
        %shift_left3A_1572 = arith.shli %gather3A_1561, %shift_left3A_1571 : vector<16xi32>
        %bitcast3A_1573 = vector.bitcast %shift_left3A_1572 : vector<16xi32> to vector<16xf32>
        %and3A_1574 = arith.constant -65536 : i32
        %and3A_1575 = vector.broadcast %and3A_1574 : i32 to vector<16xi32>
        %and3A_1576 = arith.andi %gather3A_1561, %and3A_1575 : vector<16xi32>
        %bitcast3A_1577 = vector.bitcast %and3A_1576 : vector<16xi32> to vector<16xf32>
        %add3A_1578 = arith.addf %add3A_1546, %bitcast3A_1565 : vector<16xf32>
        %add3A_1579 = arith.addf %add3A_1547, %bitcast3A_1569 : vector<16xf32>
        %add3A_1580 = arith.addf %add3A_1548, %bitcast3A_1573 : vector<16xf32>
        %add3A_1581 = arith.addf %add3A_1549, %bitcast3A_1577 : vector<16xf32>
        %scan3A_1582 = arith.constant 7 : i32
        %scan3A_1583 = arith.addi %scan3A_1355, %scan3A_1582 : i32
        %mul3A_1584 = arith.constant 32 : i32
        %mul3A_1585 = arith.muli %mul3A_1584, %scan3A_1583 : i32
        %get3A_1586 = arith.index_cast %mul3A_1585 : i32 to index
        %get3A_1587 = tpu.vector_load %arg6[%get3A_1586] {strides = array<i32>} : memref<2528xi32, #tpu.memory_space<vmem>>, vector<16xi32>,
        %gather3A_1588 = tpu.vector_load_idx %arg5[%get3A_1587] : memref<100000xi32, #tpu.memory_space<vmem>>[vector<16xi32>], vector<16xi32>,
        %add3A_1589 = arith.constant 16 : i32
        %add3A_1590 = arith.addi %mul3A_1585, %add3A_1589 : i32
        %get3A_1591 = arith.index_cast %add3A_1590 : i32 to index
        %get3A_1592 = tpu.vector_load %arg6[%get3A_1591] {strides = array<i32>} : memref<2528xi32, #tpu.memory_space<vmem>>, vector<16xi32>,
        %gather3A_1593 = tpu.vector_load_idx %arg5[%get3A_1592] : memref<100000xi32, #tpu.memory_space<vmem>>[vector<16xi32>], vector<16xi32>,
        %shift_left3A_1594 = arith.constant 16 : i32
        %shift_left3A_1595 = vector.broadcast %shift_left3A_1594 : i32 to vector<16xi32>
        %shift_left3A_1596 = arith.shli %gather3A_1588, %shift_left3A_1595 : vector<16xi32>
        %bitcast3A_1597 = vector.bitcast %shift_left3A_1596 : vector<16xi32> to vector<16xf32>
        %and3A_1598 = arith.constant -65536 : i32
        %and3A_1599 = vector.broadcast %and3A_1598 : i32 to vector<16xi32>
        %and3A_1600 = arith.andi %gather3A_1588, %and3A_1599 : vector<16xi32>
        %bitcast3A_1601 = vector.bitcast %and3A_1600 : vector<16xi32> to vector<16xf32>
        %shift_left3A_1602 = arith.constant 16 : i32
        %shift_left3A_1603 = vector.broadcast %shift_left3A_1602 : i32 to vector<16xi32>
        %shift_left3A_1604 = arith.shli %gather3A_1593, %shift_left3A_1603 : vector<16xi32>
        %bitcast3A_1605 = vector.bitcast %shift_left3A_1604 : vector<16xi32> to vector<16xf32>
        %and3A_1606 = arith.constant -65536 : i32
        %and3A_1607 = vector.broadcast %and3A_1606 : i32 to vector<16xi32>
        %and3A_1608 = arith.andi %gather3A_1593, %and3A_1607 : vector<16xi32>
        %bitcast3A_1609 = vector.bitcast %and3A_1608 : vector<16xi32> to vector<16xf32>
        %add3A_1610 = arith.addf %add3A_1578, %bitcast3A_1597 : vector<16xf32>
        %add3A_1611 = arith.addf %add3A_1579, %bitcast3A_1601 : vector<16xf32>
        %add3A_1612 = arith.addf %add3A_1580, %bitcast3A_1605 : vector<16xf32>
        %add3A_1613 = arith.addf %add3A_1581, %bitcast3A_1609 : vector<16xf32>
        scf.yield %add3A_1610, %add3A_1611, %add3A_1612, %add3A_1613 : vector<16xf32>, vector<16xf32>, vector<16xf32>, vector<16xf32>
      }
      %scan3A_139 = arith.constant 72 : i32
      %scan3A_140 = arith.addi %scan3A_134, %scan3A_139 : i32
      %mul3A_141 = arith.constant 32 : i32
      %mul3A_142 = arith.muli %mul3A_141, %scan3A_140 : i32
      %get3A = arith.index_cast %mul3A_142 : i32 to index
      %get3A_143 = tpu.vector_load %arg6[%get3A] {strides = array<i32>} : memref<2528xi32, #tpu.memory_space<vmem>>, vector<16xi32>,
      %gather3A_144 = tpu.vector_load_idx %arg5[%get3A_143] : memref<100000xi32, #tpu.memory_space<vmem>>[vector<16xi32>], vector<16xi32>,
      %add3A_145 = arith.constant 16 : i32
      %add3A_146 = arith.addi %mul3A_142, %add3A_145 : i32
      %get3A_147 = arith.index_cast %add3A_146 : i32 to index
      %get3A_148 = tpu.vector_load %arg6[%get3A_147] {strides = array<i32>} : memref<2528xi32, #tpu.memory_space<vmem>>, vector<16xi32>,
      %gather3A_149 = tpu.vector_load_idx %arg5[%get3A_148] : memref<100000xi32, #tpu.memory_space<vmem>>[vector<16xi32>], vector<16xi32>,
      %shift_left3A_150 = arith.constant 16 : i32
      %shift_left3A_151 = vector.broadcast %shift_left3A_150 : i32 to vector<16xi32>
      %shift_left3A_152 = arith.shli %gather3A_144, %shift_left3A_151 : vector<16xi32>
      %bitcast3A_153 = vector.bitcast %shift_left3A_152 : vector<16xi32> to vector<16xf32>
      %and3A_154 = arith.constant -65536 : i32
      %and3A_155 = vector.broadcast %and3A_154 : i32 to vector<16xi32>
      %and3A_156 = arith.andi %gather3A_144, %and3A_155 : vector<16xi32>
      %bitcast3A_157 = vector.bitcast %and3A_156 : vector<16xi32> to vector<16xf32>
      %shift_left3A_158 = arith.constant 16 : i32
      %shift_left3A_159 = vector.broadcast %shift_left3A_158 : i32 to vector<16xi32>
      %shift_left3A_160 = arith.shli %gather3A_149, %shift_left3A_159 : vector<16xi32>
      %bitcast3A_161 = vector.bitcast %shift_left3A_160 : vector<16xi32> to vector<16xf32>
      %and3A_162 = arith.constant -65536 : i32
      %and3A_163 = vector.broadcast %and3A_162 : i32 to vector<16xi32>
      %and3A_164 = arith.andi %gather3A_149, %and3A_163 : vector<16xi32>
      %bitcast3A_165 = vector.bitcast %and3A_164 : vector<16xi32> to vector<16xf32>
      %add3A_166 = arith.addf %scan3A_138#0, %bitcast3A_153 : vector<16xf32>
      %add3A_167 = arith.addf %scan3A_138#1, %bitcast3A_157 : vector<16xf32>
      %add3A_168 = arith.addf %scan3A_138#2, %bitcast3A_161 : vector<16xf32>
      %add3A_169 = arith.addf %scan3A_138#3, %bitcast3A_165 : vector<16xf32>
      %scan3A_170 = arith.constant 73 : i32
      %scan3A_171 = arith.addi %scan3A_134, %scan3A_170 : i32
      %mul3A_172 = arith.constant 32 : i32
      %mul3A_173 = arith.muli %mul3A_172, %scan3A_171 : i32
      %get3A_174 = arith.index_cast %mul3A_173 : i32 to index
      %get3A_175 = tpu.vector_load %arg6[%get3A_174] {strides = array<i32>} : memref<2528xi32, #tpu.memory_space<vmem>>, vector<16xi32>,
      %gather3A_176 = tpu.vector_load_idx %arg5[%get3A_175] : memref<100000xi32, #tpu.memory_space<vmem>>[vector<16xi32>], vector<16xi32>,
      %add3A_177 = arith.constant 16 : i32
      %add3A_178 = arith.addi %mul3A_173, %add3A_177 : i32
      %get3A_179 = arith.index_cast %add3A_178 : i32 to index
      %get3A_180 = tpu.vector_load %arg6[%get3A_179] {strides = array<i32>} : memref<2528xi32, #tpu.memory_space<vmem>>, vector<16xi32>,
      %gather3A_181 = tpu.vector_load_idx %arg5[%get3A_180] : memref<100000xi32, #tpu.memory_space<vmem>>[vector<16xi32>], vector<16xi32>,
      %shift_left3A_182 = arith.constant 16 : i32
      %shift_left3A_183 = vector.broadcast %shift_left3A_182 : i32 to vector<16xi32>
      %shift_left3A_184 = arith.shli %gather3A_176, %shift_left3A_183 : vector<16xi32>
      %bitcast3A_185 = vector.bitcast %shift_left3A_184 : vector<16xi32> to vector<16xf32>
      %and3A_186 = arith.constant -65536 : i32
      %and3A_187 = vector.broadcast %and3A_186 : i32 to vector<16xi32>
      %and3A_188 = arith.andi %gather3A_176, %and3A_187 : vector<16xi32>
      %bitcast3A_189 = vector.bitcast %and3A_188 : vector<16xi32> to vector<16xf32>
      %shift_left3A_190 = arith.constant 16 : i32
      %shift_left3A_191 = vector.broadcast %shift_left3A_190 : i32 to vector<16xi32>
      %shift_left3A_192 = arith.shli %gather3A_181, %shift_left3A_191 : vector<16xi32>
      %bitcast3A_193 = vector.bitcast %shift_left3A_192 : vector<16xi32> to vector<16xf32>
      %and3A_194 = arith.constant -65536 : i32
      %and3A_195 = vector.broadcast %and3A_194 : i32 to vector<16xi32>
      %and3A_196 = arith.andi %gather3A_181, %and3A_195 : vector<16xi32>
      %bitcast3A_197 = vector.bitcast %and3A_196 : vector<16xi32> to vector<16xf32>
      %add3A_198 = arith.addf %add3A_166, %bitcast3A_185 : vector<16xf32>
      %add3A_199 = arith.addf %add3A_167, %bitcast3A_189 : vector<16xf32>
      %add3A_200 = arith.addf %add3A_168, %bitcast3A_193 : vector<16xf32>
      %add3A_201 = arith.addf %add3A_169, %bitcast3A_197 : vector<16xf32>
      %scan3A_202 = arith.constant 74 : i32
      %scan3A_203 = arith.addi %scan3A_134, %scan3A_202 : i32
      %mul3A_204 = arith.constant 32 : i32
      %mul3A_205 = arith.muli %mul3A_204, %scan3A_203 : i32
      %get3A_206 = arith.index_cast %mul3A_205 : i32 to index
      %get3A_207 = tpu.vector_load %arg6[%get3A_206] {strides = array<i32>} : memref<2528xi32, #tpu.memory_space<vmem>>, vector<16xi32>,
      %gather3A_208 = tpu.vector_load_idx %arg5[%get3A_207] : memref<100000xi32, #tpu.memory_space<vmem>>[vector<16xi32>], vector<16xi32>,
      %add3A_209 = arith.constant 16 : i32
      %add3A_210 = arith.addi %mul3A_205, %add3A_209 : i32
      %get3A_211 = arith.index_cast %add3A_210 : i32 to index
      %get3A_212 = tpu.vector_load %arg6[%get3A_211] {strides = array<i32>} : memref<2528xi32, #tpu.memory_space<vmem>>, vector<16xi32>,
      %gather3A_213 = tpu.vector_load_idx %arg5[%get3A_212] : memref<100000xi32, #tpu.memory_space<vmem>>[vector<16xi32>], vector<16xi32>,
      %shift_left3A_214 = arith.constant 16 : i32
      %shift_left3A_215 = vector.broadcast %shift_left3A_214 : i32 to vector<16xi32>
      %shift_left3A_216 = arith.shli %gather3A_208, %shift_left3A_215 : vector<16xi32>
      %bitcast3A_217 = vector.bitcast %shift_left3A_216 : vector<16xi32> to vector<16xf32>
      %and3A_218 = arith.constant -65536 : i32
      %and3A_219 = vector.broadcast %and3A_218 : i32 to vector<16xi32>
      %and3A_220 = arith.andi %gather3A_208, %and3A_219 : vector<16xi32>
      %bitcast3A_221 = vector.bitcast %and3A_220 : vector<16xi32> to vector<16xf32>
      %shift_left3A_222 = arith.constant 16 : i32
      %shift_left3A_223 = vector.broadcast %shift_left3A_222 : i32 to vector<16xi32>
      %shift_left3A_224 = arith.shli %gather3A_213, %shift_left3A_223 : vector<16xi32>
      %bitcast3A_225 = vector.bitcast %shift_left3A_224 : vector<16xi32> to vector<16xf32>
      %and3A_226 = arith.constant -65536 : i32
      %and3A_227 = vector.broadcast %and3A_226 : i32 to vector<16xi32>
      %and3A_228 = arith.andi %gather3A_213, %and3A_227 : vector<16xi32>
      %bitcast3A_229 = vector.bitcast %and3A_228 : vector<16xi32> to vector<16xf32>
      %add3A_230 = arith.addf %add3A_198, %bitcast3A_217 : vector<16xf32>
      %add3A_231 = arith.addf %add3A_199, %bitcast3A_221 : vector<16xf32>
      %add3A_232 = arith.addf %add3A_200, %bitcast3A_225 : vector<16xf32>
      %add3A_233 = arith.addf %add3A_201, %bitcast3A_229 : vector<16xf32>
      %scan3A_234 = arith.constant 75 : i32
      %scan3A_235 = arith.addi %scan3A_134, %scan3A_234 : i32
      %mul3A_236 = arith.constant 32 : i32
      %mul3A_237 = arith.muli %mul3A_236, %scan3A_235 : i32
      %get3A_238 = arith.index_cast %mul3A_237 : i32 to index
      %get3A_239 = tpu.vector_load %arg6[%get3A_238] {strides = array<i32>} : memref<2528xi32, #tpu.memory_space<vmem>>, vector<16xi32>,
      %gather3A_240 = tpu.vector_load_idx %arg5[%get3A_239] : memref<100000xi32, #tpu.memory_space<vmem>>[vector<16xi32>], vector<16xi32>,
      %add3A_241 = arith.constant 16 : i32
      %add3A_242 = arith.addi %mul3A_237, %add3A_241 : i32
      %get3A_243 = arith.index_cast %add3A_242 : i32 to index
      %get3A_244 = tpu.vector_load %arg6[%get3A_243] {strides = array<i32>} : memref<2528xi32, #tpu.memory_space<vmem>>, vector<16xi32>,
      %gather3A_245 = tpu.vector_load_idx %arg5[%get3A_244] : memref<100000xi32, #tpu.memory_space<vmem>>[vector<16xi32>], vector<16xi32>,
      %shift_left3A_246 = arith.constant 16 : i32
      %shift_left3A_247 = vector.broadcast %shift_left3A_246 : i32 to vector<16xi32>
      %shift_left3A_248 = arith.shli %gather3A_240, %shift_left3A_247 : vector<16xi32>
      %bitcast3A_249 = vector.bitcast %shift_left3A_248 : vector<16xi32> to vector<16xf32>
      %and3A_250 = arith.constant -65536 : i32
      %and3A_251 = vector.broadcast %and3A_250 : i32 to vector<16xi32>
      %and3A_252 = arith.andi %gather3A_240, %and3A_251 : vector<16xi32>
      %bitcast3A_253 = vector.bitcast %and3A_252 : vector<16xi32> to vector<16xf32>
      %shift_left3A_254 = arith.constant 16 : i32
      %shift_left3A_255 = vector.broadcast %shift_left3A_254 : i32 to vector<16xi32>
      %shift_left3A_256 = arith.shli %gather3A_245, %shift_left3A_255 : vector<16xi32>
      %bitcast3A_257 = vector.bitcast %shift_left3A_256 : vector<16xi32> to vector<16xf32>
      %and3A_258 = arith.constant -65536 : i32
      %and3A_259 = vector.broadcast %and3A_258 : i32 to vector<16xi32>
      %and3A_260 = arith.andi %gather3A_245, %and3A_259 : vector<16xi32>
      %bitcast3A_261 = vector.bitcast %and3A_260 : vector<16xi32> to vector<16xf32>
      %add3A_262 = arith.addf %add3A_230, %bitcast3A_249 : vector<16xf32>
      %add3A_263 = arith.addf %add3A_231, %bitcast3A_253 : vector<16xf32>
      %add3A_264 = arith.addf %add3A_232, %bitcast3A_257 : vector<16xf32>
      %add3A_265 = arith.addf %add3A_233, %bitcast3A_261 : vector<16xf32>
      %scan3A_266 = arith.constant 76 : i32
      %scan3A_267 = arith.addi %scan3A_134, %scan3A_266 : i32
      %mul3A_268 = arith.constant 32 : i32
      %mul3A_269 = arith.muli %mul3A_268, %scan3A_267 : i32
      %get3A_270 = arith.index_cast %mul3A_269 : i32 to index
      %get3A_271 = tpu.vector_load %arg6[%get3A_270] {strides = array<i32>} : memref<2528xi32, #tpu.memory_space<vmem>>, vector<16xi32>,
      %gather3A_272 = tpu.vector_load_idx %arg5[%get3A_271] : memref<100000xi32, #tpu.memory_space<vmem>>[vector<16xi32>], vector<16xi32>,
      %add3A_273 = arith.constant 16 : i32
      %add3A_274 = arith.addi %mul3A_269, %add3A_273 : i32
      %get3A_275 = arith.index_cast %add3A_274 : i32 to index
      %get3A_276 = tpu.vector_load %arg6[%get3A_275] {strides = array<i32>} : memref<2528xi32, #tpu.memory_space<vmem>>, vector<16xi32>,
      %gather3A_277 = tpu.vector_load_idx %arg5[%get3A_276] : memref<100000xi32, #tpu.memory_space<vmem>>[vector<16xi32>], vector<16xi32>,
      %shift_left3A_278 = arith.constant 16 : i32
      %shift_left3A_279 = vector.broadcast %shift_left3A_278 : i32 to vector<16xi32>
      %shift_left3A_280 = arith.shli %gather3A_272, %shift_left3A_279 : vector<16xi32>
      %bitcast3A_281 = vector.bitcast %shift_left3A_280 : vector<16xi32> to vector<16xf32>
      %and3A_282 = arith.constant -65536 : i32
      %and3A_283 = vector.broadcast %and3A_282 : i32 to vector<16xi32>
      %and3A_284 = arith.andi %gather3A_272, %and3A_283 : vector<16xi32>
      %bitcast3A_285 = vector.bitcast %and3A_284 : vector<16xi32> to vector<16xf32>
      %shift_left3A_286 = arith.constant 16 : i32
      %shift_left3A_287 = vector.broadcast %shift_left3A_286 : i32 to vector<16xi32>
      %shift_left3A_288 = arith.shli %gather3A_277, %shift_left3A_287 : vector<16xi32>
      %bitcast3A_289 = vector.bitcast %shift_left3A_288 : vector<16xi32> to vector<16xf32>
      %and3A_290 = arith.constant -65536 : i32
      %and3A_291 = vector.broadcast %and3A_290 : i32 to vector<16xi32>
      %and3A_292 = arith.andi %gather3A_277, %and3A_291 : vector<16xi32>
      %bitcast3A_293 = vector.bitcast %and3A_292 : vector<16xi32> to vector<16xf32>
      %add3A_294 = arith.addf %add3A_262, %bitcast3A_281 : vector<16xf32>
      %add3A_295 = arith.addf %add3A_263, %bitcast3A_285 : vector<16xf32>
      %add3A_296 = arith.addf %add3A_264, %bitcast3A_289 : vector<16xf32>
      %add3A_297 = arith.addf %add3A_265, %bitcast3A_293 : vector<16xf32>
      %scan3A_298 = arith.constant 77 : i32
      %scan3A_299 = arith.addi %scan3A_134, %scan3A_298 : i32
      %mul3A_300 = arith.constant 32 : i32
      %mul3A_301 = arith.muli %mul3A_300, %scan3A_299 : i32
      %get3A_302 = arith.index_cast %mul3A_301 : i32 to index
      %get3A_303 = tpu.vector_load %arg6[%get3A_302] {strides = array<i32>} : memref<2528xi32, #tpu.memory_space<vmem>>, vector<16xi32>,
      %gather3A_304 = tpu.vector_load_idx %arg5[%get3A_303] : memref<100000xi32, #tpu.memory_space<vmem>>[vector<16xi32>], vector<16xi32>,
      %add3A_305 = arith.constant 16 : i32
      %add3A_306 = arith.addi %mul3A_301, %add3A_305 : i32
      %get3A_307 = arith.index_cast %add3A_306 : i32 to index
      %get3A_308 = tpu.vector_load %arg6[%get3A_307] {strides = array<i32>} : memref<2528xi32, #tpu.memory_space<vmem>>, vector<16xi32>,
      %gather3A_309 = tpu.vector_load_idx %arg5[%get3A_308] : memref<100000xi32, #tpu.memory_space<vmem>>[vector<16xi32>], vector<16xi32>,
      %shift_left3A_310 = arith.constant 16 : i32
      %shift_left3A_311 = vector.broadcast %shift_left3A_310 : i32 to vector<16xi32>
      %shift_left3A_312 = arith.shli %gather3A_304, %shift_left3A_311 : vector<16xi32>
      %bitcast3A_313 = vector.bitcast %shift_left3A_312 : vector<16xi32> to vector<16xf32>
      %and3A_314 = arith.constant -65536 : i32
      %and3A_315 = vector.broadcast %and3A_314 : i32 to vector<16xi32>
      %and3A_316 = arith.andi %gather3A_304, %and3A_315 : vector<16xi32>
      %bitcast3A_317 = vector.bitcast %and3A_316 : vector<16xi32> to vector<16xf32>
      %shift_left3A_318 = arith.constant 16 : i32
      %shift_left3A_319 = vector.broadcast %shift_left3A_318 : i32 to vector<16xi32>
      %shift_left3A_320 = arith.shli %gather3A_309, %shift_left3A_319 : vector<16xi32>
      %bitcast3A_321 = vector.bitcast %shift_left3A_320 : vector<16xi32> to vector<16xf32>
      %and3A_322 = arith.constant -65536 : i32
      %and3A_323 = vector.broadcast %and3A_322 : i32 to vector<16xi32>
      %and3A_324 = arith.andi %gather3A_309, %and3A_323 : vector<16xi32>
      %bitcast3A_325 = vector.bitcast %and3A_324 : vector<16xi32> to vector<16xf32>
      %add3A_326 = arith.addf %add3A_294, %bitcast3A_313 : vector<16xf32>
      %add3A_327 = arith.addf %add3A_295, %bitcast3A_317 : vector<16xf32>
      %add3A_328 = arith.addf %add3A_296, %bitcast3A_321 : vector<16xf32>
      %add3A_329 = arith.addf %add3A_297, %bitcast3A_325 : vector<16xf32>
      %scan3A_330 = arith.constant 78 : i32
      %scan3A_331 = arith.addi %scan3A_134, %scan3A_330 : i32
      %mul3A_332 = arith.constant 32 : i32
      %mul3A_333 = arith.muli %mul3A_332, %scan3A_331 : i32
      %get3A_334 = arith.index_cast %mul3A_333 : i32 to index
      %get3A_335 = tpu.vector_load %arg6[%get3A_334] {strides = array<i32>} : memref<2528xi32, #tpu.memory_space<vmem>>, vector<16xi32>,
      %gather3A_336 = tpu.vector_load_idx %arg5[%get3A_335] : memref<100000xi32, #tpu.memory_space<vmem>>[vector<16xi32>], vector<16xi32>,
      %add3A_337 = arith.constant 16 : i32
      %add3A_338 = arith.addi %mul3A_333, %add3A_337 : i32
      %get3A_339 = arith.index_cast %add3A_338 : i32 to index
      %get3A_340 = tpu.vector_load %arg6[%get3A_339] {strides = array<i32>} : memref<2528xi32, #tpu.memory_space<vmem>>, vector<16xi32>,
      %gather3A_341 = tpu.vector_load_idx %arg5[%get3A_340] : memref<100000xi32, #tpu.memory_space<vmem>>[vector<16xi32>], vector<16xi32>,
      %shift_left3A_342 = arith.constant 16 : i32
      %shift_left3A_343 = vector.broadcast %shift_left3A_342 : i32 to vector<16xi32>
      %shift_left3A_344 = arith.shli %gather3A_336, %shift_left3A_343 : vector<16xi32>
      %bitcast3A_345 = vector.bitcast %shift_left3A_344 : vector<16xi32> to vector<16xf32>
      %and3A_346 = arith.constant -65536 : i32
      %and3A_347 = vector.broadcast %and3A_346 : i32 to vector<16xi32>
      %and3A_348 = arith.andi %gather3A_336, %and3A_347 : vector<16xi32>
      %bitcast3A_349 = vector.bitcast %and3A_348 : vector<16xi32> to vector<16xf32>
      %shift_left3A_350 = arith.constant 16 : i32
      %shift_left3A_351 = vector.broadcast %shift_left3A_350 : i32 to vector<16xi32>
      %shift_left3A_352 = arith.shli %gather3A_341, %shift_left3A_351 : vector<16xi32>
      %bitcast3A_353 = vector.bitcast %shift_left3A_352 : vector<16xi32> to vector<16xf32>
      %and3A_354 = arith.constant -65536 : i32
      %and3A_355 = vector.broadcast %and3A_354 : i32 to vector<16xi32>
      %and3A_356 = arith.andi %gather3A_341, %and3A_355 : vector<16xi32>
      %bitcast3A_357 = vector.bitcast %and3A_356 : vector<16xi32> to vector<16xf32>
      %add3A_358 = arith.addf %add3A_326, %bitcast3A_345 : vector<16xf32>
      %add3A_359 = arith.addf %add3A_327, %bitcast3A_349 : vector<16xf32>
      %add3A_360 = arith.addf %add3A_328, %bitcast3A_353 : vector<16xf32>
      %add3A_361 = arith.addf %add3A_329, %bitcast3A_357 : vector<16xf32>
      %scan3A_362 = arith.constant 79 : i32
      %add3A_363 = arith.addf %add3A_358, %add3A_360 : vector<16xf32>
      %add3A_364 = arith.addf %add3A_359, %add3A_361 : vector<16xf32>
      %jit3A_365 = arith.constant 16 : i32
      %eq3A_366 = arith.constant 0 : i32
      %eq3A_367 = arith.cmpi eq, %jit3A_365, %eq3A_366 : i32
      %jit3A_368 = arith.constant 1 : i32
      %select_n3A_369 = arith.select %eq3A_367, %jit3A_368, %jit3A_365 : i32
      %rem3A_370 = arith.remsi %add3A_118, %select_n3A_369 : i32
      %ne3A_371 = arith.constant 0 : i32
      %ne3A_372 = arith.cmpi ne, %rem3A_370, %ne3A_371 : i32
      %lt3A_373 = arith.constant 0 : i32
      %lt3A_374 = arith.cmpi slt, %rem3A_370, %lt3A_373 : i32
      %lt3A_375 = arith.constant 0 : i32
      %lt3A_376 = arith.cmpi slt, %select_n3A_369, %lt3A_375 : i32
      %ne3A_377 = arith.xori %lt3A_374, %lt3A_376 : i1
      %and3A_378 = arith.andi %ne3A_377, %ne3A_372 : i1
      %add3A_379 = arith.addi %rem3A_370, %select_n3A_369 : i32
      %select_n3A_380 = arith.select %and3A_378, %add3A_379, %rem3A_370 : i32
      %eq3A_381 = vector.broadcast %select_n3A_380 : i32 to vector<16xi32>
      %eq3A_382 = arith.cmpi eq, %iota3A, %eq3A_381 : vector<16xi32>
      %reduce_sum3A_383 = arith.constant true
      %reduce_sum3A_384 = vector.broadcast %reduce_sum3A_383 : i1 to vector<16xi1>
      %reduce_sum3A_385 = tpu.scan <sum>, %add3A_363 masked %reduce_sum3A_384 : vector<16xf32>, vector<16xi1> -> vector<16xf32>
      %reduce_sum3A_386 = vector.extract %reduce_sum3A_385[15] : f32 from vector<16xf32>
      %sub3A_387 = arith.subf %reduce_sum3A_386, %mul3A_57 : f32
      %mul3A_388 = arith.constant 4.000000e-04 : f32
      %mul3A_389 = arith.mulf %sub3A_387, %mul3A_388 : f32
      %broadcast_in_dim3A_390 = vector.broadcast %mul3A_389 : f32 to vector<16xf32>
      %select_n3A_391 = arith.select %eq3A_382, %broadcast_in_dim3A_390, %scan3A_113 : vector<16xi1>, vector<16xf32>
      %reduce_sum3A_392 = arith.constant true
      %reduce_sum3A_393 = vector.broadcast %reduce_sum3A_392 : i1 to vector<16xi1>
      %reduce_sum3A_394 = tpu.scan <sum>, %add3A_364 masked %reduce_sum3A_393 : vector<16xf32>, vector<16xi1> -> vector<16xf32>
      %reduce_sum3A_395 = vector.extract %reduce_sum3A_394[15] : f32 from vector<16xf32>
      %sub3A_396 = arith.subf %reduce_sum3A_395, %mul3A_67 : f32
      %mul3A_397 = arith.constant 4.000000e-04 : f32
      %mul3A_398 = arith.mulf %sub3A_396, %mul3A_397 : f32
      %broadcast_in_dim3A_399 = vector.broadcast %mul3A_398 : f32 to vector<16xf32>
      %select_n3A_400 = arith.select %eq3A_382, %broadcast_in_dim3A_399, %scan3A_114 : vector<16xi1>, vector<16xf32>
      %jit3A_401 = arith.constant 16 : i32
      %eq3A_402 = arith.constant 0 : i32
      %eq3A_403 = arith.cmpi eq, %jit3A_401, %eq3A_402 : i32
      %jit3A_404 = arith.constant 1 : i32
      %select_n3A_405 = arith.select %eq3A_403, %jit3A_404, %jit3A_401 : i32
      %rem3A_406 = arith.remsi %add3A_118, %select_n3A_405 : i32
      %ne3A_407 = arith.constant 0 : i32
      %ne3A_408 = arith.cmpi ne, %rem3A_406, %ne3A_407 : i32
      %lt3A_409 = arith.constant 0 : i32
      %lt3A_410 = arith.cmpi slt, %rem3A_406, %lt3A_409 : i32
      %lt3A_411 = arith.constant 0 : i32
      %lt3A_412 = arith.cmpi slt, %select_n3A_405, %lt3A_411 : i32
      %ne3A_413 = arith.xori %lt3A_410, %lt3A_412 : i1
      %and3A_414 = arith.andi %ne3A_413, %ne3A_408 : i1
      %add3A_415 = arith.addi %rem3A_406, %select_n3A_405 : i32
      %select_n3A_416 = arith.select %and3A_414, %add3A_415, %rem3A_406 : i32
      %eq3A_417 = arith.constant 15 : i32
      %eq3A_418 = arith.cmpi eq, %select_n3A_416, %eq3A_417 : i32
      %convert_element_type3A_419 = arith.extui %eq3A_418 : i1 to i32
      %cond3A_420 = arith.constant 0 : i32
      %cond3A_421 = arith.cmpi ne, %convert_element_type3A_419, %cond3A_420 : i32
      scf.if %cond3A_421 {
        %sub3A_1355 = arith.constant 15 : i32
        %sub3A_1356 = arith.subi %add3A_118, %sub3A_1355 : i32
        %swap3A_1357 = arith.constant 0 : i32
        %swap3A_1358 = arith.index_cast %swap3A_1357 : i32 to index
        %swap3A_1359 = arith.index_cast %sub3A_1356 : i32 to index
        %swap3A_1360 = tpu.vector_load %arg10[%swap3A_1358, %swap3A_1359] {strides = array<i32>} : memref<2x256xf32, #tpu.memory_space<vmem>>, vector<16xf32>,
        tpu.vector_store %arg10[%swap3A_1358, %swap3A_1359], %select_n3A_391 {strides = array<i32>} : memref<2x256xf32, #tpu.memory_space<vmem>>, vector<16xf32>,
        %sub3A_1361 = arith.constant 15 : i32
        %sub3A_1362 = arith.subi %add3A_118, %sub3A_1361 : i32
        %swap3A_1363 = arith.constant 1 : i32
        %swap3A_1364 = arith.index_cast %swap3A_1363 : i32 to index
        %swap3A_1365 = arith.index_cast %sub3A_1362 : i32 to index
        %swap3A_1366 = tpu.vector_load %arg10[%swap3A_1364, %swap3A_1365] {strides = array<i32>} : memref<2x256xf32, #tpu.memory_space<vmem>>, vector<16xf32>,
        tpu.vector_store %arg10[%swap3A_1364, %swap3A_1365], %select_n3A_400 {strides = array<i32>} : memref<2x256xf32, #tpu.memory_space<vmem>>, vector<16xf32>,
      } else {
      }
      %mul3A_422 = arith.constant 4 : i32
      %mul3A_423 = arith.muli %mul3A_422, %scan3A_112 : i32
      %add3A_424 = arith.constant 1 : i32
      %add3A_425 = arith.addi %mul3A_423, %add3A_424 : i32
      %add3A_426 = arith.constant 3 : i32
      %add3A_427 = arith.addi %add3A_425, %add3A_426 : i32
      %lt3A_428 = arith.constant 256 : i32
      %lt3A_429 = arith.cmpi slt, %add3A_427, %lt3A_428 : i32
      %convert_element_type3A_430 = arith.extui %lt3A_429 : i1 to i32
      %cond3A_431 = arith.constant 0 : i32
      %cond3A_432 = arith.cmpi ne, %convert_element_type3A_430, %cond3A_431 : i32
      scf.if %cond3A_432 {
        %add3A_1355 = arith.constant 3 : i32
        %add3A_1356 = arith.addi %add3A_425, %add3A_1355 : i32
        %add3A_1357 = arith.addi %mul3A_32, %add3A_1356 : i32
        %dma_start3A_1358 = arith.constant 0 : i32
        %dma_start3A_1359 = tpu.memref_slice %arg6[%dma_start3A_1358] : memref<2528xi32, #tpu.memory_space<vmem>> -> memref<2500xi32, #tpu.memory_space<vmem>>
        %dma_start3A_1360 = arith.constant 0 : i32
        %dma_start3A_1361 = tpu.memref_slice %arg2[%add3A_1357, %dma_start3A_1360] : memref<1024x2500xi32, #tpu.memory_space<hbm>> -> memref<1x2500xi32, #tpu.memory_space<hbm>>
        %dma_start3A_1362 = tpu.memref_squeeze %dma_start3A_1361 : memref<1x2500xi32, #tpu.memory_space<hbm>> -> memref<2500xi32, #tpu.memory_space<hbm>>
        %dma_start3A_1363 = arith.constant 0 : i32
        %dma_start3A_1364 = tpu.memref_slice %arg6[%dma_start3A_1363] : memref<2528xi32, #tpu.memory_space<vmem>> -> memref<2500xi32, #tpu.memory_space<vmem>>
        %dma_start3A_1365 = arith.constant 0 : i32
        %dma_start3A_1366 = tpu.memref_slice %arg2[%add3A_1357, %dma_start3A_1365] : memref<1024x2500xi32, #tpu.memory_space<hbm>> -> memref<1x2500xi32, #tpu.memory_space<hbm>>
        %dma_start3A_1367 = tpu.memref_squeeze %dma_start3A_1366 : memref<1x2500xi32, #tpu.memory_space<hbm>> -> memref<2500xi32, #tpu.memory_space<hbm>>
        tpu.enqueue_dma source(%dma_start3A_1367 : memref<2500xi32, #tpu.memory_space<hbm>>) target(%dma_start3A_1364 : memref<2500xi32, #tpu.memory_space<vmem>>) target_semaphore(%arg11 : memref<!tpu.dma_semaphore, #tpu.memory_space<semaphore_mem>>)
      } else {
      }
      %dma_wait3A_433 = arith.constant 0 : i32
      %dma_wait3A_434 = arith.constant 0 : i32
      %dma_wait3A_435 = tpu.memref_slice %arg7[%dma_wait3A_434] : memref<2528xi32, #tpu.memory_space<vmem>> -> memref<2500xi32, #tpu.memory_space<vmem>>
      %dma_wait3A_436 = arith.constant 0 : i32
      %dma_wait3A_437 = tpu.memref_slice %arg2[%dma_wait3A_433, %dma_wait3A_436] : memref<1024x2500xi32, #tpu.memory_space<hbm>> -> memref<1x2500xi32, #tpu.memory_space<hbm>>
      %dma_wait3A_438 = tpu.memref_squeeze %dma_wait3A_437 : memref<1x2500xi32, #tpu.memory_space<hbm>> -> memref<2500xi32, #tpu.memory_space<hbm>>
      %dma_wait3A_439 = arith.constant 0 : i32
      %dma_wait3A_440 = tpu.memref_slice %arg7[%dma_wait3A_439] : memref<2528xi32, #tpu.memory_space<vmem>> -> memref<2500xi32, #tpu.memory_space<vmem>>
      %dma_wait3A_441 = arith.constant 0 : i32
      %dma_wait3A_442 = tpu.memref_slice %arg2[%dma_wait3A_433, %dma_wait3A_441] : memref<1024x2500xi32, #tpu.memory_space<hbm>> -> memref<1x2500xi32, #tpu.memory_space<hbm>>
      %dma_wait3A_443 = tpu.memref_squeeze %dma_wait3A_442 : memref<1x2500xi32, #tpu.memory_space<hbm>> -> memref<2500xi32, #tpu.memory_space<hbm>>
      tpu.wait_dma2 semaphore(%arg11 : memref<!tpu.dma_semaphore, #tpu.memory_space<semaphore_mem>>) src(%dma_wait3A_443 : memref<2500xi32, #tpu.memory_space<hbm>>) dst(%dma_wait3A_440 : memref<2500xi32, #tpu.memory_space<vmem>>)
      %scan3A_444 = arith.constant 0 : i32
      %scan3A_445 = arith.constant 72 : i32
      %scan3A_446 = arith.addi %scan3A_444, %scan3A_445 : i32
      %scan3A_447 = arith.constant 8 : i32
      %scan3A_448:4 = scf.for %scan3A_1355 = %scan3A_444 to %scan3A_446 step %scan3A_447 iter_args(%scan3A_1356 = %broadcast_in_dim3A_33, %scan3A_1357 = %broadcast_in_dim3A_33, %scan3A_1358 = %broadcast_in_dim3A_33, %scan3A_1359 = %broadcast_in_dim3A_33) -> (vector<16xf32>, vector<16xf32>, vector<16xf32>, vector<16xf32>)  : i32 {
        %mul3A_1360 = arith.constant 32 : i32
        %mul3A_1361 = arith.muli %mul3A_1360, %scan3A_1355 : i32
        %get3A_1362 = arith.index_cast %mul3A_1361 : i32 to index
        %get3A_1363 = tpu.vector_load %arg7[%get3A_1362] {strides = array<i32>} : memref<2528xi32, #tpu.memory_space<vmem>>, vector<16xi32>,
        %gather3A_1364 = tpu.vector_load_idx %arg5[%get3A_1363] : memref<100000xi32, #tpu.memory_space<vmem>>[vector<16xi32>], vector<16xi32>,
        %add3A_1365 = arith.constant 16 : i32
        %add3A_1366 = arith.addi %mul3A_1361, %add3A_1365 : i32
        %get3A_1367 = arith.index_cast %add3A_1366 : i32 to index
        %get3A_1368 = tpu.vector_load %arg7[%get3A_1367] {strides = array<i32>} : memref<2528xi32, #tpu.memory_space<vmem>>, vector<16xi32>,
        %gather3A_1369 = tpu.vector_load_idx %arg5[%get3A_1368] : memref<100000xi32, #tpu.memory_space<vmem>>[vector<16xi32>], vector<16xi32>,
        %shift_left3A_1370 = arith.constant 16 : i32
        %shift_left3A_1371 = vector.broadcast %shift_left3A_1370 : i32 to vector<16xi32>
        %shift_left3A_1372 = arith.shli %gather3A_1364, %shift_left3A_1371 : vector<16xi32>
        %bitcast3A_1373 = vector.bitcast %shift_left3A_1372 : vector<16xi32> to vector<16xf32>
        %and3A_1374 = arith.constant -65536 : i32
        %and3A_1375 = vector.broadcast %and3A_1374 : i32 to vector<16xi32>
        %and3A_1376 = arith.andi %gather3A_1364, %and3A_1375 : vector<16xi32>
        %bitcast3A_1377 = vector.bitcast %and3A_1376 : vector<16xi32> to vector<16xf32>
        %shift_left3A_1378 = arith.constant 16 : i32
        %shift_left3A_1379 = vector.broadcast %shift_left3A_1378 : i32 to vector<16xi32>
        %shift_left3A_1380 = arith.shli %gather3A_1369, %shift_left3A_1379 : vector<16xi32>
        %bitcast3A_1381 = vector.bitcast %shift_left3A_1380 : vector<16xi32> to vector<16xf32>
        %and3A_1382 = arith.constant -65536 : i32
        %and3A_1383 = vector.broadcast %and3A_1382 : i32 to vector<16xi32>
        %and3A_1384 = arith.andi %gather3A_1369, %and3A_1383 : vector<16xi32>
        %bitcast3A_1385 = vector.bitcast %and3A_1384 : vector<16xi32> to vector<16xf32>
        %add3A_1386 = arith.addf %scan3A_1356, %bitcast3A_1373 : vector<16xf32>
        %add3A_1387 = arith.addf %scan3A_1357, %bitcast3A_1377 : vector<16xf32>
        %add3A_1388 = arith.addf %scan3A_1358, %bitcast3A_1381 : vector<16xf32>
        %add3A_1389 = arith.addf %scan3A_1359, %bitcast3A_1385 : vector<16xf32>
        %scan3A_1390 = arith.constant 1 : i32
        %scan3A_1391 = arith.addi %scan3A_1355, %scan3A_1390 : i32
        %mul3A_1392 = arith.constant 32 : i32
        %mul3A_1393 = arith.muli %mul3A_1392, %scan3A_1391 : i32
        %get3A_1394 = arith.index_cast %mul3A_1393 : i32 to index
        %get3A_1395 = tpu.vector_load %arg7[%get3A_1394] {strides = array<i32>} : memref<2528xi32, #tpu.memory_space<vmem>>, vector<16xi32>,
        %gather3A_1396 = tpu.vector_load_idx %arg5[%get3A_1395] : memref<100000xi32, #tpu.memory_space<vmem>>[vector<16xi32>], vector<16xi32>,
        %add3A_1397 = arith.constant 16 : i32
        %add3A_1398 = arith.addi %mul3A_1393, %add3A_1397 : i32
        %get3A_1399 = arith.index_cast %add3A_1398 : i32 to index
        %get3A_1400 = tpu.vector_load %arg7[%get3A_1399] {strides = array<i32>} : memref<2528xi32, #tpu.memory_space<vmem>>, vector<16xi32>,
        %gather3A_1401 = tpu.vector_load_idx %arg5[%get3A_1400] : memref<100000xi32, #tpu.memory_space<vmem>>[vector<16xi32>], vector<16xi32>,
        %shift_left3A_1402 = arith.constant 16 : i32
        %shift_left3A_1403 = vector.broadcast %shift_left3A_1402 : i32 to vector<16xi32>
        %shift_left3A_1404 = arith.shli %gather3A_1396, %shift_left3A_1403 : vector<16xi32>
        %bitcast3A_1405 = vector.bitcast %shift_left3A_1404 : vector<16xi32> to vector<16xf32>
        %and3A_1406 = arith.constant -65536 : i32
        %and3A_1407 = vector.broadcast %and3A_1406 : i32 to vector<16xi32>
        %and3A_1408 = arith.andi %gather3A_1396, %and3A_1407 : vector<16xi32>
        %bitcast3A_1409 = vector.bitcast %and3A_1408 : vector<16xi32> to vector<16xf32>
        %shift_left3A_1410 = arith.constant 16 : i32
        %shift_left3A_1411 = vector.broadcast %shift_left3A_1410 : i32 to vector<16xi32>
        %shift_left3A_1412 = arith.shli %gather3A_1401, %shift_left3A_1411 : vector<16xi32>
        %bitcast3A_1413 = vector.bitcast %shift_left3A_1412 : vector<16xi32> to vector<16xf32>
        %and3A_1414 = arith.constant -65536 : i32
        %and3A_1415 = vector.broadcast %and3A_1414 : i32 to vector<16xi32>
        %and3A_1416 = arith.andi %gather3A_1401, %and3A_1415 : vector<16xi32>
        %bitcast3A_1417 = vector.bitcast %and3A_1416 : vector<16xi32> to vector<16xf32>
        %add3A_1418 = arith.addf %add3A_1386, %bitcast3A_1405 : vector<16xf32>
        %add3A_1419 = arith.addf %add3A_1387, %bitcast3A_1409 : vector<16xf32>
        %add3A_1420 = arith.addf %add3A_1388, %bitcast3A_1413 : vector<16xf32>
        %add3A_1421 = arith.addf %add3A_1389, %bitcast3A_1417 : vector<16xf32>
        %scan3A_1422 = arith.constant 2 : i32
        %scan3A_1423 = arith.addi %scan3A_1355, %scan3A_1422 : i32
        %mul3A_1424 = arith.constant 32 : i32
        %mul3A_1425 = arith.muli %mul3A_1424, %scan3A_1423 : i32
        %get3A_1426 = arith.index_cast %mul3A_1425 : i32 to index
        %get3A_1427 = tpu.vector_load %arg7[%get3A_1426] {strides = array<i32>} : memref<2528xi32, #tpu.memory_space<vmem>>, vector<16xi32>,
        %gather3A_1428 = tpu.vector_load_idx %arg5[%get3A_1427] : memref<100000xi32, #tpu.memory_space<vmem>>[vector<16xi32>], vector<16xi32>,
        %add3A_1429 = arith.constant 16 : i32
        %add3A_1430 = arith.addi %mul3A_1425, %add3A_1429 : i32
        %get3A_1431 = arith.index_cast %add3A_1430 : i32 to index
        %get3A_1432 = tpu.vector_load %arg7[%get3A_1431] {strides = array<i32>} : memref<2528xi32, #tpu.memory_space<vmem>>, vector<16xi32>,
        %gather3A_1433 = tpu.vector_load_idx %arg5[%get3A_1432] : memref<100000xi32, #tpu.memory_space<vmem>>[vector<16xi32>], vector<16xi32>,
        %shift_left3A_1434 = arith.constant 16 : i32
        %shift_left3A_1435 = vector.broadcast %shift_left3A_1434 : i32 to vector<16xi32>
        %shift_left3A_1436 = arith.shli %gather3A_1428, %shift_left3A_1435 : vector<16xi32>
        %bitcast3A_1437 = vector.bitcast %shift_left3A_1436 : vector<16xi32> to vector<16xf32>
        %and3A_1438 = arith.constant -65536 : i32
        %and3A_1439 = vector.broadcast %and3A_1438 : i32 to vector<16xi32>
        %and3A_1440 = arith.andi %gather3A_1428, %and3A_1439 : vector<16xi32>
        %bitcast3A_1441 = vector.bitcast %and3A_1440 : vector<16xi32> to vector<16xf32>
        %shift_left3A_1442 = arith.constant 16 : i32
        %shift_left3A_1443 = vector.broadcast %shift_left3A_1442 : i32 to vector<16xi32>
        %shift_left3A_1444 = arith.shli %gather3A_1433, %shift_left3A_1443 : vector<16xi32>
        %bitcast3A_1445 = vector.bitcast %shift_left3A_1444 : vector<16xi32> to vector<16xf32>
        %and3A_1446 = arith.constant -65536 : i32
        %and3A_1447 = vector.broadcast %and3A_1446 : i32 to vector<16xi32>
        %and3A_1448 = arith.andi %gather3A_1433, %and3A_1447 : vector<16xi32>
        %bitcast3A_1449 = vector.bitcast %and3A_1448 : vector<16xi32> to vector<16xf32>
        %add3A_1450 = arith.addf %add3A_1418, %bitcast3A_1437 : vector<16xf32>
        %add3A_1451 = arith.addf %add3A_1419, %bitcast3A_1441 : vector<16xf32>
        %add3A_1452 = arith.addf %add3A_1420, %bitcast3A_1445 : vector<16xf32>
        %add3A_1453 = arith.addf %add3A_1421, %bitcast3A_1449 : vector<16xf32>
        %scan3A_1454 = arith.constant 3 : i32
        %scan3A_1455 = arith.addi %scan3A_1355, %scan3A_1454 : i32
        %mul3A_1456 = arith.constant 32 : i32
        %mul3A_1457 = arith.muli %mul3A_1456, %scan3A_1455 : i32
        %get3A_1458 = arith.index_cast %mul3A_1457 : i32 to index
        %get3A_1459 = tpu.vector_load %arg7[%get3A_1458] {strides = array<i32>} : memref<2528xi32, #tpu.memory_space<vmem>>, vector<16xi32>,
        %gather3A_1460 = tpu.vector_load_idx %arg5[%get3A_1459] : memref<100000xi32, #tpu.memory_space<vmem>>[vector<16xi32>], vector<16xi32>,
        %add3A_1461 = arith.constant 16 : i32
        %add3A_1462 = arith.addi %mul3A_1457, %add3A_1461 : i32
        %get3A_1463 = arith.index_cast %add3A_1462 : i32 to index
        %get3A_1464 = tpu.vector_load %arg7[%get3A_1463] {strides = array<i32>} : memref<2528xi32, #tpu.memory_space<vmem>>, vector<16xi32>,
        %gather3A_1465 = tpu.vector_load_idx %arg5[%get3A_1464] : memref<100000xi32, #tpu.memory_space<vmem>>[vector<16xi32>], vector<16xi32>,
        %shift_left3A_1466 = arith.constant 16 : i32
        %shift_left3A_1467 = vector.broadcast %shift_left3A_1466 : i32 to vector<16xi32>
        %shift_left3A_1468 = arith.shli %gather3A_1460, %shift_left3A_1467 : vector<16xi32>
        %bitcast3A_1469 = vector.bitcast %shift_left3A_1468 : vector<16xi32> to vector<16xf32>
        %and3A_1470 = arith.constant -65536 : i32
        %and3A_1471 = vector.broadcast %and3A_1470 : i32 to vector<16xi32>
        %and3A_1472 = arith.andi %gather3A_1460, %and3A_1471 : vector<16xi32>
        %bitcast3A_1473 = vector.bitcast %and3A_1472 : vector<16xi32> to vector<16xf32>
        %shift_left3A_1474 = arith.constant 16 : i32
        %shift_left3A_1475 = vector.broadcast %shift_left3A_1474 : i32 to vector<16xi32>
        %shift_left3A_1476 = arith.shli %gather3A_1465, %shift_left3A_1475 : vector<16xi32>
        %bitcast3A_1477 = vector.bitcast %shift_left3A_1476 : vector<16xi32> to vector<16xf32>
        %and3A_1478 = arith.constant -65536 : i32
        %and3A_1479 = vector.broadcast %and3A_1478 : i32 to vector<16xi32>
        %and3A_1480 = arith.andi %gather3A_1465, %and3A_1479 : vector<16xi32>
        %bitcast3A_1481 = vector.bitcast %and3A_1480 : vector<16xi32> to vector<16xf32>
        %add3A_1482 = arith.addf %add3A_1450, %bitcast3A_1469 : vector<16xf32>
        %add3A_1483 = arith.addf %add3A_1451, %bitcast3A_1473 : vector<16xf32>
        %add3A_1484 = arith.addf %add3A_1452, %bitcast3A_1477 : vector<16xf32>
        %add3A_1485 = arith.addf %add3A_1453, %bitcast3A_1481 : vector<16xf32>
        %scan3A_1486 = arith.constant 4 : i32
        %scan3A_1487 = arith.addi %scan3A_1355, %scan3A_1486 : i32
        %mul3A_1488 = arith.constant 32 : i32
        %mul3A_1489 = arith.muli %mul3A_1488, %scan3A_1487 : i32
        %get3A_1490 = arith.index_cast %mul3A_1489 : i32 to index
        %get3A_1491 = tpu.vector_load %arg7[%get3A_1490] {strides = array<i32>} : memref<2528xi32, #tpu.memory_space<vmem>>, vector<16xi32>,
        %gather3A_1492 = tpu.vector_load_idx %arg5[%get3A_1491] : memref<100000xi32, #tpu.memory_space<vmem>>[vector<16xi32>], vector<16xi32>,
        %add3A_1493 = arith.constant 16 : i32
        %add3A_1494 = arith.addi %mul3A_1489, %add3A_1493 : i32
        %get3A_1495 = arith.index_cast %add3A_1494 : i32 to index
        %get3A_1496 = tpu.vector_load %arg7[%get3A_1495] {strides = array<i32>} : memref<2528xi32, #tpu.memory_space<vmem>>, vector<16xi32>,
        %gather3A_1497 = tpu.vector_load_idx %arg5[%get3A_1496] : memref<100000xi32, #tpu.memory_space<vmem>>[vector<16xi32>], vector<16xi32>,
        %shift_left3A_1498 = arith.constant 16 : i32
        %shift_left3A_1499 = vector.broadcast %shift_left3A_1498 : i32 to vector<16xi32>
        %shift_left3A_1500 = arith.shli %gather3A_1492, %shift_left3A_1499 : vector<16xi32>
        %bitcast3A_1501 = vector.bitcast %shift_left3A_1500 : vector<16xi32> to vector<16xf32>
        %and3A_1502 = arith.constant -65536 : i32
        %and3A_1503 = vector.broadcast %and3A_1502 : i32 to vector<16xi32>
        %and3A_1504 = arith.andi %gather3A_1492, %and3A_1503 : vector<16xi32>
        %bitcast3A_1505 = vector.bitcast %and3A_1504 : vector<16xi32> to vector<16xf32>
        %shift_left3A_1506 = arith.constant 16 : i32
        %shift_left3A_1507 = vector.broadcast %shift_left3A_1506 : i32 to vector<16xi32>
        %shift_left3A_1508 = arith.shli %gather3A_1497, %shift_left3A_1507 : vector<16xi32>
        %bitcast3A_1509 = vector.bitcast %shift_left3A_1508 : vector<16xi32> to vector<16xf32>
        %and3A_1510 = arith.constant -65536 : i32
        %and3A_1511 = vector.broadcast %and3A_1510 : i32 to vector<16xi32>
        %and3A_1512 = arith.andi %gather3A_1497, %and3A_1511 : vector<16xi32>
        %bitcast3A_1513 = vector.bitcast %and3A_1512 : vector<16xi32> to vector<16xf32>
        %add3A_1514 = arith.addf %add3A_1482, %bitcast3A_1501 : vector<16xf32>
        %add3A_1515 = arith.addf %add3A_1483, %bitcast3A_1505 : vector<16xf32>
        %add3A_1516 = arith.addf %add3A_1484, %bitcast3A_1509 : vector<16xf32>
        %add3A_1517 = arith.addf %add3A_1485, %bitcast3A_1513 : vector<16xf32>
        %scan3A_1518 = arith.constant 5 : i32
        %scan3A_1519 = arith.addi %scan3A_1355, %scan3A_1518 : i32
        %mul3A_1520 = arith.constant 32 : i32
        %mul3A_1521 = arith.muli %mul3A_1520, %scan3A_1519 : i32
        %get3A_1522 = arith.index_cast %mul3A_1521 : i32 to index
        %get3A_1523 = tpu.vector_load %arg7[%get3A_1522] {strides = array<i32>} : memref<2528xi32, #tpu.memory_space<vmem>>, vector<16xi32>,
        %gather3A_1524 = tpu.vector_load_idx %arg5[%get3A_1523] : memref<100000xi32, #tpu.memory_space<vmem>>[vector<16xi32>], vector<16xi32>,
        %add3A_1525 = arith.constant 16 : i32
        %add3A_1526 = arith.addi %mul3A_1521, %add3A_1525 : i32
        %get3A_1527 = arith.index_cast %add3A_1526 : i32 to index
        %get3A_1528 = tpu.vector_load %arg7[%get3A_1527] {strides = array<i32>} : memref<2528xi32, #tpu.memory_space<vmem>>, vector<16xi32>,
        %gather3A_1529 = tpu.vector_load_idx %arg5[%get3A_1528] : memref<100000xi32, #tpu.memory_space<vmem>>[vector<16xi32>], vector<16xi32>,
        %shift_left3A_1530 = arith.constant 16 : i32
        %shift_left3A_1531 = vector.broadcast %shift_left3A_1530 : i32 to vector<16xi32>
        %shift_left3A_1532 = arith.shli %gather3A_1524, %shift_left3A_1531 : vector<16xi32>
        %bitcast3A_1533 = vector.bitcast %shift_left3A_1532 : vector<16xi32> to vector<16xf32>
        %and3A_1534 = arith.constant -65536 : i32
        %and3A_1535 = vector.broadcast %and3A_1534 : i32 to vector<16xi32>
        %and3A_1536 = arith.andi %gather3A_1524, %and3A_1535 : vector<16xi32>
        %bitcast3A_1537 = vector.bitcast %and3A_1536 : vector<16xi32> to vector<16xf32>
        %shift_left3A_1538 = arith.constant 16 : i32
        %shift_left3A_1539 = vector.broadcast %shift_left3A_1538 : i32 to vector<16xi32>
        %shift_left3A_1540 = arith.shli %gather3A_1529, %shift_left3A_1539 : vector<16xi32>
        %bitcast3A_1541 = vector.bitcast %shift_left3A_1540 : vector<16xi32> to vector<16xf32>
        %and3A_1542 = arith.constant -65536 : i32
        %and3A_1543 = vector.broadcast %and3A_1542 : i32 to vector<16xi32>
        %and3A_1544 = arith.andi %gather3A_1529, %and3A_1543 : vector<16xi32>
        %bitcast3A_1545 = vector.bitcast %and3A_1544 : vector<16xi32> to vector<16xf32>
        %add3A_1546 = arith.addf %add3A_1514, %bitcast3A_1533 : vector<16xf32>
        %add3A_1547 = arith.addf %add3A_1515, %bitcast3A_1537 : vector<16xf32>
        %add3A_1548 = arith.addf %add3A_1516, %bitcast3A_1541 : vector<16xf32>
        %add3A_1549 = arith.addf %add3A_1517, %bitcast3A_1545 : vector<16xf32>
        %scan3A_1550 = arith.constant 6 : i32
        %scan3A_1551 = arith.addi %scan3A_1355, %scan3A_1550 : i32
        %mul3A_1552 = arith.constant 32 : i32
        %mul3A_1553 = arith.muli %mul3A_1552, %scan3A_1551 : i32
        %get3A_1554 = arith.index_cast %mul3A_1553 : i32 to index
        %get3A_1555 = tpu.vector_load %arg7[%get3A_1554] {strides = array<i32>} : memref<2528xi32, #tpu.memory_space<vmem>>, vector<16xi32>,
        %gather3A_1556 = tpu.vector_load_idx %arg5[%get3A_1555] : memref<100000xi32, #tpu.memory_space<vmem>>[vector<16xi32>], vector<16xi32>,
        %add3A_1557 = arith.constant 16 : i32
        %add3A_1558 = arith.addi %mul3A_1553, %add3A_1557 : i32
        %get3A_1559 = arith.index_cast %add3A_1558 : i32 to index
        %get3A_1560 = tpu.vector_load %arg7[%get3A_1559] {strides = array<i32>} : memref<2528xi32, #tpu.memory_space<vmem>>, vector<16xi32>,
        %gather3A_1561 = tpu.vector_load_idx %arg5[%get3A_1560] : memref<100000xi32, #tpu.memory_space<vmem>>[vector<16xi32>], vector<16xi32>,
        %shift_left3A_1562 = arith.constant 16 : i32
        %shift_left3A_1563 = vector.broadcast %shift_left3A_1562 : i32 to vector<16xi32>
        %shift_left3A_1564 = arith.shli %gather3A_1556, %shift_left3A_1563 : vector<16xi32>
        %bitcast3A_1565 = vector.bitcast %shift_left3A_1564 : vector<16xi32> to vector<16xf32>
        %and3A_1566 = arith.constant -65536 : i32
        %and3A_1567 = vector.broadcast %and3A_1566 : i32 to vector<16xi32>
        %and3A_1568 = arith.andi %gather3A_1556, %and3A_1567 : vector<16xi32>
        %bitcast3A_1569 = vector.bitcast %and3A_1568 : vector<16xi32> to vector<16xf32>
        %shift_left3A_1570 = arith.constant 16 : i32
        %shift_left3A_1571 = vector.broadcast %shift_left3A_1570 : i32 to vector<16xi32>
        %shift_left3A_1572 = arith.shli %gather3A_1561, %shift_left3A_1571 : vector<16xi32>
        %bitcast3A_1573 = vector.bitcast %shift_left3A_1572 : vector<16xi32> to vector<16xf32>
        %and3A_1574 = arith.constant -65536 : i32
        %and3A_1575 = vector.broadcast %and3A_1574 : i32 to vector<16xi32>
        %and3A_1576 = arith.andi %gather3A_1561, %and3A_1575 : vector<16xi32>
        %bitcast3A_1577 = vector.bitcast %and3A_1576 : vector<16xi32> to vector<16xf32>
        %add3A_1578 = arith.addf %add3A_1546, %bitcast3A_1565 : vector<16xf32>
        %add3A_1579 = arith.addf %add3A_1547, %bitcast3A_1569 : vector<16xf32>
        %add3A_1580 = arith.addf %add3A_1548, %bitcast3A_1573 : vector<16xf32>
        %add3A_1581 = arith.addf %add3A_1549, %bitcast3A_1577 : vector<16xf32>
        %scan3A_1582 = arith.constant 7 : i32
        %scan3A_1583 = arith.addi %scan3A_1355, %scan3A_1582 : i32
        %mul3A_1584 = arith.constant 32 : i32
        %mul3A_1585 = arith.muli %mul3A_1584, %scan3A_1583 : i32
        %get3A_1586 = arith.index_cast %mul3A_1585 : i32 to index
        %get3A_1587 = tpu.vector_load %arg7[%get3A_1586] {strides = array<i32>} : memref<2528xi32, #tpu.memory_space<vmem>>, vector<16xi32>,
        %gather3A_1588 = tpu.vector_load_idx %arg5[%get3A_1587] : memref<100000xi32, #tpu.memory_space<vmem>>[vector<16xi32>], vector<16xi32>,
        %add3A_1589 = arith.constant 16 : i32
        %add3A_1590 = arith.addi %mul3A_1585, %add3A_1589 : i32
        %get3A_1591 = arith.index_cast %add3A_1590 : i32 to index
        %get3A_1592 = tpu.vector_load %arg7[%get3A_1591] {strides = array<i32>} : memref<2528xi32, #tpu.memory_space<vmem>>, vector<16xi32>,
        %gather3A_1593 = tpu.vector_load_idx %arg5[%get3A_1592] : memref<100000xi32, #tpu.memory_space<vmem>>[vector<16xi32>], vector<16xi32>,
        %shift_left3A_1594 = arith.constant 16 : i32
        %shift_left3A_1595 = vector.broadcast %shift_left3A_1594 : i32 to vector<16xi32>
        %shift_left3A_1596 = arith.shli %gather3A_1588, %shift_left3A_1595 : vector<16xi32>
        %bitcast3A_1597 = vector.bitcast %shift_left3A_1596 : vector<16xi32> to vector<16xf32>
        %and3A_1598 = arith.constant -65536 : i32
        %and3A_1599 = vector.broadcast %and3A_1598 : i32 to vector<16xi32>
        %and3A_1600 = arith.andi %gather3A_1588, %and3A_1599 : vector<16xi32>
        %bitcast3A_1601 = vector.bitcast %and3A_1600 : vector<16xi32> to vector<16xf32>
        %shift_left3A_1602 = arith.constant 16 : i32
        %shift_left3A_1603 = vector.broadcast %shift_left3A_1602 : i32 to vector<16xi32>
        %shift_left3A_1604 = arith.shli %gather3A_1593, %shift_left3A_1603 : vector<16xi32>
        %bitcast3A_1605 = vector.bitcast %shift_left3A_1604 : vector<16xi32> to vector<16xf32>
        %and3A_1606 = arith.constant -65536 : i32
        %and3A_1607 = vector.broadcast %and3A_1606 : i32 to vector<16xi32>
        %and3A_1608 = arith.andi %gather3A_1593, %and3A_1607 : vector<16xi32>
        %bitcast3A_1609 = vector.bitcast %and3A_1608 : vector<16xi32> to vector<16xf32>
        %add3A_1610 = arith.addf %add3A_1578, %bitcast3A_1597 : vector<16xf32>
        %add3A_1611 = arith.addf %add3A_1579, %bitcast3A_1601 : vector<16xf32>
        %add3A_1612 = arith.addf %add3A_1580, %bitcast3A_1605 : vector<16xf32>
        %add3A_1613 = arith.addf %add3A_1581, %bitcast3A_1609 : vector<16xf32>
        scf.yield %add3A_1610, %add3A_1611, %add3A_1612, %add3A_1613 : vector<16xf32>, vector<16xf32>, vector<16xf32>, vector<16xf32>
      }
      %scan3A_449 = arith.constant 72 : i32
      %scan3A_450 = arith.addi %scan3A_444, %scan3A_449 : i32
      %mul3A_451 = arith.constant 32 : i32
      %mul3A_452 = arith.muli %mul3A_451, %scan3A_450 : i32
      %get3A_453 = arith.index_cast %mul3A_452 : i32 to index
      %get3A_454 = tpu.vector_load %arg7[%get3A_453] {strides = array<i32>} : memref<2528xi32, #tpu.memory_space<vmem>>, vector<16xi32>,
      %gather3A_455 = tpu.vector_load_idx %arg5[%get3A_454] : memref<100000xi32, #tpu.memory_space<vmem>>[vector<16xi32>], vector<16xi32>,
      %add3A_456 = arith.constant 16 : i32
      %add3A_457 = arith.addi %mul3A_452, %add3A_456 : i32
      %get3A_458 = arith.index_cast %add3A_457 : i32 to index
      %get3A_459 = tpu.vector_load %arg7[%get3A_458] {strides = array<i32>} : memref<2528xi32, #tpu.memory_space<vmem>>, vector<16xi32>,
      %gather3A_460 = tpu.vector_load_idx %arg5[%get3A_459] : memref<100000xi32, #tpu.memory_space<vmem>>[vector<16xi32>], vector<16xi32>,
      %shift_left3A_461 = arith.constant 16 : i32
      %shift_left3A_462 = vector.broadcast %shift_left3A_461 : i32 to vector<16xi32>
      %shift_left3A_463 = arith.shli %gather3A_455, %shift_left3A_462 : vector<16xi32>
      %bitcast3A_464 = vector.bitcast %shift_left3A_463 : vector<16xi32> to vector<16xf32>
      %and3A_465 = arith.constant -65536 : i32
      %and3A_466 = vector.broadcast %and3A_465 : i32 to vector<16xi32>
      %and3A_467 = arith.andi %gather3A_455, %and3A_466 : vector<16xi32>
      %bitcast3A_468 = vector.bitcast %and3A_467 : vector<16xi32> to vector<16xf32>
      %shift_left3A_469 = arith.constant 16 : i32
      %shift_left3A_470 = vector.broadcast %shift_left3A_469 : i32 to vector<16xi32>
      %shift_left3A_471 = arith.shli %gather3A_460, %shift_left3A_470 : vector<16xi32>
      %bitcast3A_472 = vector.bitcast %shift_left3A_471 : vector<16xi32> to vector<16xf32>
      %and3A_473 = arith.constant -65536 : i32
      %and3A_474 = vector.broadcast %and3A_473 : i32 to vector<16xi32>
      %and3A_475 = arith.andi %gather3A_460, %and3A_474 : vector<16xi32>
      %bitcast3A_476 = vector.bitcast %and3A_475 : vector<16xi32> to vector<16xf32>
      %add3A_477 = arith.addf %scan3A_448#0, %bitcast3A_464 : vector<16xf32>
      %add3A_478 = arith.addf %scan3A_448#1, %bitcast3A_468 : vector<16xf32>
      %add3A_479 = arith.addf %scan3A_448#2, %bitcast3A_472 : vector<16xf32>
      %add3A_480 = arith.addf %scan3A_448#3, %bitcast3A_476 : vector<16xf32>
      %scan3A_481 = arith.constant 73 : i32
      %scan3A_482 = arith.addi %scan3A_444, %scan3A_481 : i32
      %mul3A_483 = arith.constant 32 : i32
      %mul3A_484 = arith.muli %mul3A_483, %scan3A_482 : i32
      %get3A_485 = arith.index_cast %mul3A_484 : i32 to index
      %get3A_486 = tpu.vector_load %arg7[%get3A_485] {strides = array<i32>} : memref<2528xi32, #tpu.memory_space<vmem>>, vector<16xi32>,
      %gather3A_487 = tpu.vector_load_idx %arg5[%get3A_486] : memref<100000xi32, #tpu.memory_space<vmem>>[vector<16xi32>], vector<16xi32>,
      %add3A_488 = arith.constant 16 : i32
      %add3A_489 = arith.addi %mul3A_484, %add3A_488 : i32
      %get3A_490 = arith.index_cast %add3A_489 : i32 to index
      %get3A_491 = tpu.vector_load %arg7[%get3A_490] {strides = array<i32>} : memref<2528xi32, #tpu.memory_space<vmem>>, vector<16xi32>,
      %gather3A_492 = tpu.vector_load_idx %arg5[%get3A_491] : memref<100000xi32, #tpu.memory_space<vmem>>[vector<16xi32>], vector<16xi32>,
      %shift_left3A_493 = arith.constant 16 : i32
      %shift_left3A_494 = vector.broadcast %shift_left3A_493 : i32 to vector<16xi32>
      %shift_left3A_495 = arith.shli %gather3A_487, %shift_left3A_494 : vector<16xi32>
      %bitcast3A_496 = vector.bitcast %shift_left3A_495 : vector<16xi32> to vector<16xf32>
      %and3A_497 = arith.constant -65536 : i32
      %and3A_498 = vector.broadcast %and3A_497 : i32 to vector<16xi32>
      %and3A_499 = arith.andi %gather3A_487, %and3A_498 : vector<16xi32>
      %bitcast3A_500 = vector.bitcast %and3A_499 : vector<16xi32> to vector<16xf32>
      %shift_left3A_501 = arith.constant 16 : i32
      %shift_left3A_502 = vector.broadcast %shift_left3A_501 : i32 to vector<16xi32>
      %shift_left3A_503 = arith.shli %gather3A_492, %shift_left3A_502 : vector<16xi32>
      %bitcast3A_504 = vector.bitcast %shift_left3A_503 : vector<16xi32> to vector<16xf32>
      %and3A_505 = arith.constant -65536 : i32
      %and3A_506 = vector.broadcast %and3A_505 : i32 to vector<16xi32>
      %and3A_507 = arith.andi %gather3A_492, %and3A_506 : vector<16xi32>
      %bitcast3A_508 = vector.bitcast %and3A_507 : vector<16xi32> to vector<16xf32>
      %add3A_509 = arith.addf %add3A_477, %bitcast3A_496 : vector<16xf32>
      %add3A_510 = arith.addf %add3A_478, %bitcast3A_500 : vector<16xf32>
      %add3A_511 = arith.addf %add3A_479, %bitcast3A_504 : vector<16xf32>
      %add3A_512 = arith.addf %add3A_480, %bitcast3A_508 : vector<16xf32>
      %scan3A_513 = arith.constant 74 : i32
      %scan3A_514 = arith.addi %scan3A_444, %scan3A_513 : i32
      %mul3A_515 = arith.constant 32 : i32
      %mul3A_516 = arith.muli %mul3A_515, %scan3A_514 : i32
      %get3A_517 = arith.index_cast %mul3A_516 : i32 to index
      %get3A_518 = tpu.vector_load %arg7[%get3A_517] {strides = array<i32>} : memref<2528xi32, #tpu.memory_space<vmem>>, vector<16xi32>,
      %gather3A_519 = tpu.vector_load_idx %arg5[%get3A_518] : memref<100000xi32, #tpu.memory_space<vmem>>[vector<16xi32>], vector<16xi32>,
      %add3A_520 = arith.constant 16 : i32
      %add3A_521 = arith.addi %mul3A_516, %add3A_520 : i32
      %get3A_522 = arith.index_cast %add3A_521 : i32 to index
      %get3A_523 = tpu.vector_load %arg7[%get3A_522] {strides = array<i32>} : memref<2528xi32, #tpu.memory_space<vmem>>, vector<16xi32>,
      %gather3A_524 = tpu.vector_load_idx %arg5[%get3A_523] : memref<100000xi32, #tpu.memory_space<vmem>>[vector<16xi32>], vector<16xi32>,
      %shift_left3A_525 = arith.constant 16 : i32
      %shift_left3A_526 = vector.broadcast %shift_left3A_525 : i32 to vector<16xi32>
      %shift_left3A_527 = arith.shli %gather3A_519, %shift_left3A_526 : vector<16xi32>
      %bitcast3A_528 = vector.bitcast %shift_left3A_527 : vector<16xi32> to vector<16xf32>
      %and3A_529 = arith.constant -65536 : i32
      %and3A_530 = vector.broadcast %and3A_529 : i32 to vector<16xi32>
      %and3A_531 = arith.andi %gather3A_519, %and3A_530 : vector<16xi32>
      %bitcast3A_532 = vector.bitcast %and3A_531 : vector<16xi32> to vector<16xf32>
      %shift_left3A_533 = arith.constant 16 : i32
      %shift_left3A_534 = vector.broadcast %shift_left3A_533 : i32 to vector<16xi32>
      %shift_left3A_535 = arith.shli %gather3A_524, %shift_left3A_534 : vector<16xi32>
      %bitcast3A_536 = vector.bitcast %shift_left3A_535 : vector<16xi32> to vector<16xf32>
      %and3A_537 = arith.constant -65536 : i32
      %and3A_538 = vector.broadcast %and3A_537 : i32 to vector<16xi32>
      %and3A_539 = arith.andi %gather3A_524, %and3A_538 : vector<16xi32>
      %bitcast3A_540 = vector.bitcast %and3A_539 : vector<16xi32> to vector<16xf32>
      %add3A_541 = arith.addf %add3A_509, %bitcast3A_528 : vector<16xf32>
      %add3A_542 = arith.addf %add3A_510, %bitcast3A_532 : vector<16xf32>
      %add3A_543 = arith.addf %add3A_511, %bitcast3A_536 : vector<16xf32>
      %add3A_544 = arith.addf %add3A_512, %bitcast3A_540 : vector<16xf32>
      %scan3A_545 = arith.constant 75 : i32
      %scan3A_546 = arith.addi %scan3A_444, %scan3A_545 : i32
      %mul3A_547 = arith.constant 32 : i32
      %mul3A_548 = arith.muli %mul3A_547, %scan3A_546 : i32
      %get3A_549 = arith.index_cast %mul3A_548 : i32 to index
      %get3A_550 = tpu.vector_load %arg7[%get3A_549] {strides = array<i32>} : memref<2528xi32, #tpu.memory_space<vmem>>, vector<16xi32>,
      %gather3A_551 = tpu.vector_load_idx %arg5[%get3A_550] : memref<100000xi32, #tpu.memory_space<vmem>>[vector<16xi32>], vector<16xi32>,
      %add3A_552 = arith.constant 16 : i32
      %add3A_553 = arith.addi %mul3A_548, %add3A_552 : i32
      %get3A_554 = arith.index_cast %add3A_553 : i32 to index
      %get3A_555 = tpu.vector_load %arg7[%get3A_554] {strides = array<i32>} : memref<2528xi32, #tpu.memory_space<vmem>>, vector<16xi32>,
      %gather3A_556 = tpu.vector_load_idx %arg5[%get3A_555] : memref<100000xi32, #tpu.memory_space<vmem>>[vector<16xi32>], vector<16xi32>,
      %shift_left3A_557 = arith.constant 16 : i32
      %shift_left3A_558 = vector.broadcast %shift_left3A_557 : i32 to vector<16xi32>
      %shift_left3A_559 = arith.shli %gather3A_551, %shift_left3A_558 : vector<16xi32>
      %bitcast3A_560 = vector.bitcast %shift_left3A_559 : vector<16xi32> to vector<16xf32>
      %and3A_561 = arith.constant -65536 : i32
      %and3A_562 = vector.broadcast %and3A_561 : i32 to vector<16xi32>
      %and3A_563 = arith.andi %gather3A_551, %and3A_562 : vector<16xi32>
      %bitcast3A_564 = vector.bitcast %and3A_563 : vector<16xi32> to vector<16xf32>
      %shift_left3A_565 = arith.constant 16 : i32
      %shift_left3A_566 = vector.broadcast %shift_left3A_565 : i32 to vector<16xi32>
      %shift_left3A_567 = arith.shli %gather3A_556, %shift_left3A_566 : vector<16xi32>
      %bitcast3A_568 = vector.bitcast %shift_left3A_567 : vector<16xi32> to vector<16xf32>
      %and3A_569 = arith.constant -65536 : i32
      %and3A_570 = vector.broadcast %and3A_569 : i32 to vector<16xi32>
      %and3A_571 = arith.andi %gather3A_556, %and3A_570 : vector<16xi32>
      %bitcast3A_572 = vector.bitcast %and3A_571 : vector<16xi32> to vector<16xf32>
      %add3A_573 = arith.addf %add3A_541, %bitcast3A_560 : vector<16xf32>
      %add3A_574 = arith.addf %add3A_542, %bitcast3A_564 : vector<16xf32>
      %add3A_575 = arith.addf %add3A_543, %bitcast3A_568 : vector<16xf32>
      %add3A_576 = arith.addf %add3A_544, %bitcast3A_572 : vector<16xf32>
      %scan3A_577 = arith.constant 76 : i32
      %scan3A_578 = arith.addi %scan3A_444, %scan3A_577 : i32
      %mul3A_579 = arith.constant 32 : i32
      %mul3A_580 = arith.muli %mul3A_579, %scan3A_578 : i32
      %get3A_581 = arith.index_cast %mul3A_580 : i32 to index
      %get3A_582 = tpu.vector_load %arg7[%get3A_581] {strides = array<i32>} : memref<2528xi32, #tpu.memory_space<vmem>>, vector<16xi32>,
      %gather3A_583 = tpu.vector_load_idx %arg5[%get3A_582] : memref<100000xi32, #tpu.memory_space<vmem>>[vector<16xi32>], vector<16xi32>,
      %add3A_584 = arith.constant 16 : i32
      %add3A_585 = arith.addi %mul3A_580, %add3A_584 : i32
      %get3A_586 = arith.index_cast %add3A_585 : i32 to index
      %get3A_587 = tpu.vector_load %arg7[%get3A_586] {strides = array<i32>} : memref<2528xi32, #tpu.memory_space<vmem>>, vector<16xi32>,
      %gather3A_588 = tpu.vector_load_idx %arg5[%get3A_587] : memref<100000xi32, #tpu.memory_space<vmem>>[vector<16xi32>], vector<16xi32>,
      %shift_left3A_589 = arith.constant 16 : i32
      %shift_left3A_590 = vector.broadcast %shift_left3A_589 : i32 to vector<16xi32>
      %shift_left3A_591 = arith.shli %gather3A_583, %shift_left3A_590 : vector<16xi32>
      %bitcast3A_592 = vector.bitcast %shift_left3A_591 : vector<16xi32> to vector<16xf32>
      %and3A_593 = arith.constant -65536 : i32
      %and3A_594 = vector.broadcast %and3A_593 : i32 to vector<16xi32>
      %and3A_595 = arith.andi %gather3A_583, %and3A_594 : vector<16xi32>
      %bitcast3A_596 = vector.bitcast %and3A_595 : vector<16xi32> to vector<16xf32>
      %shift_left3A_597 = arith.constant 16 : i32
      %shift_left3A_598 = vector.broadcast %shift_left3A_597 : i32 to vector<16xi32>
      %shift_left3A_599 = arith.shli %gather3A_588, %shift_left3A_598 : vector<16xi32>
      %bitcast3A_600 = vector.bitcast %shift_left3A_599 : vector<16xi32> to vector<16xf32>
      %and3A_601 = arith.constant -65536 : i32
      %and3A_602 = vector.broadcast %and3A_601 : i32 to vector<16xi32>
      %and3A_603 = arith.andi %gather3A_588, %and3A_602 : vector<16xi32>
      %bitcast3A_604 = vector.bitcast %and3A_603 : vector<16xi32> to vector<16xf32>
      %add3A_605 = arith.addf %add3A_573, %bitcast3A_592 : vector<16xf32>
      %add3A_606 = arith.addf %add3A_574, %bitcast3A_596 : vector<16xf32>
      %add3A_607 = arith.addf %add3A_575, %bitcast3A_600 : vector<16xf32>
      %add3A_608 = arith.addf %add3A_576, %bitcast3A_604 : vector<16xf32>
      %scan3A_609 = arith.constant 77 : i32
      %scan3A_610 = arith.addi %scan3A_444, %scan3A_609 : i32
      %mul3A_611 = arith.constant 32 : i32
      %mul3A_612 = arith.muli %mul3A_611, %scan3A_610 : i32
      %get3A_613 = arith.index_cast %mul3A_612 : i32 to index
      %get3A_614 = tpu.vector_load %arg7[%get3A_613] {strides = array<i32>} : memref<2528xi32, #tpu.memory_space<vmem>>, vector<16xi32>,
      %gather3A_615 = tpu.vector_load_idx %arg5[%get3A_614] : memref<100000xi32, #tpu.memory_space<vmem>>[vector<16xi32>], vector<16xi32>,
      %add3A_616 = arith.constant 16 : i32
      %add3A_617 = arith.addi %mul3A_612, %add3A_616 : i32
      %get3A_618 = arith.index_cast %add3A_617 : i32 to index
      %get3A_619 = tpu.vector_load %arg7[%get3A_618] {strides = array<i32>} : memref<2528xi32, #tpu.memory_space<vmem>>, vector<16xi32>,
      %gather3A_620 = tpu.vector_load_idx %arg5[%get3A_619] : memref<100000xi32, #tpu.memory_space<vmem>>[vector<16xi32>], vector<16xi32>,
      %shift_left3A_621 = arith.constant 16 : i32
      %shift_left3A_622 = vector.broadcast %shift_left3A_621 : i32 to vector<16xi32>
      %shift_left3A_623 = arith.shli %gather3A_615, %shift_left3A_622 : vector<16xi32>
      %bitcast3A_624 = vector.bitcast %shift_left3A_623 : vector<16xi32> to vector<16xf32>
      %and3A_625 = arith.constant -65536 : i32
      %and3A_626 = vector.broadcast %and3A_625 : i32 to vector<16xi32>
      %and3A_627 = arith.andi %gather3A_615, %and3A_626 : vector<16xi32>
      %bitcast3A_628 = vector.bitcast %and3A_627 : vector<16xi32> to vector<16xf32>
      %shift_left3A_629 = arith.constant 16 : i32
      %shift_left3A_630 = vector.broadcast %shift_left3A_629 : i32 to vector<16xi32>
      %shift_left3A_631 = arith.shli %gather3A_620, %shift_left3A_630 : vector<16xi32>
      %bitcast3A_632 = vector.bitcast %shift_left3A_631 : vector<16xi32> to vector<16xf32>
      %and3A_633 = arith.constant -65536 : i32
      %and3A_634 = vector.broadcast %and3A_633 : i32 to vector<16xi32>
      %and3A_635 = arith.andi %gather3A_620, %and3A_634 : vector<16xi32>
      %bitcast3A_636 = vector.bitcast %and3A_635 : vector<16xi32> to vector<16xf32>
      %add3A_637 = arith.addf %add3A_605, %bitcast3A_624 : vector<16xf32>
      %add3A_638 = arith.addf %add3A_606, %bitcast3A_628 : vector<16xf32>
      %add3A_639 = arith.addf %add3A_607, %bitcast3A_632 : vector<16xf32>
      %add3A_640 = arith.addf %add3A_608, %bitcast3A_636 : vector<16xf32>
      %scan3A_641 = arith.constant 78 : i32
      %scan3A_642 = arith.addi %scan3A_444, %scan3A_641 : i32
      %mul3A_643 = arith.constant 32 : i32
      %mul3A_644 = arith.muli %mul3A_643, %scan3A_642 : i32
      %get3A_645 = arith.index_cast %mul3A_644 : i32 to index
      %get3A_646 = tpu.vector_load %arg7[%get3A_645] {strides = array<i32>} : memref<2528xi32, #tpu.memory_space<vmem>>, vector<16xi32>,
      %gather3A_647 = tpu.vector_load_idx %arg5[%get3A_646] : memref<100000xi32, #tpu.memory_space<vmem>>[vector<16xi32>], vector<16xi32>,
      %add3A_648 = arith.constant 16 : i32
      %add3A_649 = arith.addi %mul3A_644, %add3A_648 : i32
      %get3A_650 = arith.index_cast %add3A_649 : i32 to index
      %get3A_651 = tpu.vector_load %arg7[%get3A_650] {strides = array<i32>} : memref<2528xi32, #tpu.memory_space<vmem>>, vector<16xi32>,
      %gather3A_652 = tpu.vector_load_idx %arg5[%get3A_651] : memref<100000xi32, #tpu.memory_space<vmem>>[vector<16xi32>], vector<16xi32>,
      %shift_left3A_653 = arith.constant 16 : i32
      %shift_left3A_654 = vector.broadcast %shift_left3A_653 : i32 to vector<16xi32>
      %shift_left3A_655 = arith.shli %gather3A_647, %shift_left3A_654 : vector<16xi32>
      %bitcast3A_656 = vector.bitcast %shift_left3A_655 : vector<16xi32> to vector<16xf32>
      %and3A_657 = arith.constant -65536 : i32
      %and3A_658 = vector.broadcast %and3A_657 : i32 to vector<16xi32>
      %and3A_659 = arith.andi %gather3A_647, %and3A_658 : vector<16xi32>
      %bitcast3A_660 = vector.bitcast %and3A_659 : vector<16xi32> to vector<16xf32>
      %shift_left3A_661 = arith.constant 16 : i32
      %shift_left3A_662 = vector.broadcast %shift_left3A_661 : i32 to vector<16xi32>
      %shift_left3A_663 = arith.shli %gather3A_652, %shift_left3A_662 : vector<16xi32>
      %bitcast3A_664 = vector.bitcast %shift_left3A_663 : vector<16xi32> to vector<16xf32>
      %and3A_665 = arith.constant -65536 : i32
      %and3A_666 = vector.broadcast %and3A_665 : i32 to vector<16xi32>
      %and3A_667 = arith.andi %gather3A_652, %and3A_666 : vector<16xi32>
      %bitcast3A_668 = vector.bitcast %and3A_667 : vector<16xi32> to vector<16xf32>
      %add3A_669 = arith.addf %add3A_637, %bitcast3A_656 : vector<16xf32>
      %add3A_670 = arith.addf %add3A_638, %bitcast3A_660 : vector<16xf32>
      %add3A_671 = arith.addf %add3A_639, %bitcast3A_664 : vector<16xf32>
      %add3A_672 = arith.addf %add3A_640, %bitcast3A_668 : vector<16xf32>
      %scan3A_673 = arith.constant 79 : i32
      %add3A_674 = arith.addf %add3A_669, %add3A_671 : vector<16xf32>
      %add3A_675 = arith.addf %add3A_670, %add3A_672 : vector<16xf32>
      %jit3A_676 = arith.constant 16 : i32
      %eq3A_677 = arith.constant 0 : i32
      %eq3A_678 = arith.cmpi eq, %jit3A_676, %eq3A_677 : i32
      %jit3A_679 = arith.constant 1 : i32
      %select_n3A_680 = arith.select %eq3A_678, %jit3A_679, %jit3A_676 : i32
      %rem3A_681 = arith.remsi %add3A_425, %select_n3A_680 : i32
      %ne3A_682 = arith.constant 0 : i32
      %ne3A_683 = arith.cmpi ne, %rem3A_681, %ne3A_682 : i32
      %lt3A_684 = arith.constant 0 : i32
      %lt3A_685 = arith.cmpi slt, %rem3A_681, %lt3A_684 : i32
      %lt3A_686 = arith.constant 0 : i32
      %lt3A_687 = arith.cmpi slt, %select_n3A_680, %lt3A_686 : i32
      %ne3A_688 = arith.xori %lt3A_685, %lt3A_687 : i1
      %and3A_689 = arith.andi %ne3A_688, %ne3A_683 : i1
      %add3A_690 = arith.addi %rem3A_681, %select_n3A_680 : i32
      %select_n3A_691 = arith.select %and3A_689, %add3A_690, %rem3A_681 : i32
      %eq3A_692 = vector.broadcast %select_n3A_691 : i32 to vector<16xi32>
      %eq3A_693 = arith.cmpi eq, %iota3A, %eq3A_692 : vector<16xi32>
      %reduce_sum3A_694 = arith.constant true
      %reduce_sum3A_695 = vector.broadcast %reduce_sum3A_694 : i1 to vector<16xi1>
      %reduce_sum3A_696 = tpu.scan <sum>, %add3A_674 masked %reduce_sum3A_695 : vector<16xf32>, vector<16xi1> -> vector<16xf32>
      %reduce_sum3A_697 = vector.extract %reduce_sum3A_696[15] : f32 from vector<16xf32>
      %sub3A_698 = arith.subf %reduce_sum3A_697, %mul3A_57 : f32
      %mul3A_699 = arith.constant 4.000000e-04 : f32
      %mul3A_700 = arith.mulf %sub3A_698, %mul3A_699 : f32
      %broadcast_in_dim3A_701 = vector.broadcast %mul3A_700 : f32 to vector<16xf32>
      %select_n3A_702 = arith.select %eq3A_693, %broadcast_in_dim3A_701, %select_n3A_391 : vector<16xi1>, vector<16xf32>
      %reduce_sum3A_703 = arith.constant true
      %reduce_sum3A_704 = vector.broadcast %reduce_sum3A_703 : i1 to vector<16xi1>
      %reduce_sum3A_705 = tpu.scan <sum>, %add3A_675 masked %reduce_sum3A_704 : vector<16xf32>, vector<16xi1> -> vector<16xf32>
      %reduce_sum3A_706 = vector.extract %reduce_sum3A_705[15] : f32 from vector<16xf32>
      %sub3A_707 = arith.subf %reduce_sum3A_706, %mul3A_67 : f32
      %mul3A_708 = arith.constant 4.000000e-04 : f32
      %mul3A_709 = arith.mulf %sub3A_707, %mul3A_708 : f32
      %broadcast_in_dim3A_710 = vector.broadcast %mul3A_709 : f32 to vector<16xf32>
      %select_n3A_711 = arith.select %eq3A_693, %broadcast_in_dim3A_710, %select_n3A_400 : vector<16xi1>, vector<16xf32>
      %jit3A_712 = arith.constant 16 : i32
      %eq3A_713 = arith.constant 0 : i32
      %eq3A_714 = arith.cmpi eq, %jit3A_712, %eq3A_713 : i32
      %jit3A_715 = arith.constant 1 : i32
      %select_n3A_716 = arith.select %eq3A_714, %jit3A_715, %jit3A_712 : i32
      %rem3A_717 = arith.remsi %add3A_425, %select_n3A_716 : i32
      %ne3A_718 = arith.constant 0 : i32
      %ne3A_719 = arith.cmpi ne, %rem3A_717, %ne3A_718 : i32
      %lt3A_720 = arith.constant 0 : i32
      %lt3A_721 = arith.cmpi slt, %rem3A_717, %lt3A_720 : i32
      %lt3A_722 = arith.constant 0 : i32
      %lt3A_723 = arith.cmpi slt, %select_n3A_716, %lt3A_722 : i32
      %ne3A_724 = arith.xori %lt3A_721, %lt3A_723 : i1
      %and3A_725 = arith.andi %ne3A_724, %ne3A_719 : i1
      %add3A_726 = arith.addi %rem3A_717, %select_n3A_716 : i32
      %select_n3A_727 = arith.select %and3A_725, %add3A_726, %rem3A_717 : i32
      %eq3A_728 = arith.constant 15 : i32
      %eq3A_729 = arith.cmpi eq, %select_n3A_727, %eq3A_728 : i32
      %convert_element_type3A_730 = arith.extui %eq3A_729 : i1 to i32
      %cond3A_731 = arith.constant 0 : i32
      %cond3A_732 = arith.cmpi ne, %convert_element_type3A_730, %cond3A_731 : i32
      scf.if %cond3A_732 {
        %sub3A_1355 = arith.constant 15 : i32
        %sub3A_1356 = arith.subi %add3A_425, %sub3A_1355 : i32
        %swap3A_1357 = arith.constant 0 : i32
        %swap3A_1358 = arith.index_cast %swap3A_1357 : i32 to index
        %swap3A_1359 = arith.index_cast %sub3A_1356 : i32 to index
        %swap3A_1360 = tpu.vector_load %arg10[%swap3A_1358, %swap3A_1359] {strides = array<i32>} : memref<2x256xf32, #tpu.memory_space<vmem>>, vector<16xf32>,
        tpu.vector_store %arg10[%swap3A_1358, %swap3A_1359], %select_n3A_702 {strides = array<i32>} : memref<2x256xf32, #tpu.memory_space<vmem>>, vector<16xf32>,
        %sub3A_1361 = arith.constant 15 : i32
        %sub3A_1362 = arith.subi %add3A_425, %sub3A_1361 : i32
        %swap3A_1363 = arith.constant 1 : i32
        %swap3A_1364 = arith.index_cast %swap3A_1363 : i32 to index
        %swap3A_1365 = arith.index_cast %sub3A_1362 : i32 to index
        %swap3A_1366 = tpu.vector_load %arg10[%swap3A_1364, %swap3A_1365] {strides = array<i32>} : memref<2x256xf32, #tpu.memory_space<vmem>>, vector<16xf32>,
        tpu.vector_store %arg10[%swap3A_1364, %swap3A_1365], %select_n3A_711 {strides = array<i32>} : memref<2x256xf32, #tpu.memory_space<vmem>>, vector<16xf32>,
      } else {
      }
      %mul3A_733 = arith.constant 4 : i32
      %mul3A_734 = arith.muli %mul3A_733, %scan3A_112 : i32
      %add3A_735 = arith.constant 2 : i32
      %add3A_736 = arith.addi %mul3A_734, %add3A_735 : i32
      %add3A_737 = arith.constant 3 : i32
      %add3A_738 = arith.addi %add3A_736, %add3A_737 : i32
      %lt3A_739 = arith.constant 256 : i32
      %lt3A_740 = arith.cmpi slt, %add3A_738, %lt3A_739 : i32
      %convert_element_type3A_741 = arith.extui %lt3A_740 : i1 to i32
      %cond3A_742 = arith.constant 0 : i32
      %cond3A_743 = arith.cmpi ne, %convert_element_type3A_741, %cond3A_742 : i32
      scf.if %cond3A_743 {
        %add3A_1355 = arith.constant 3 : i32
        %add3A_1356 = arith.addi %add3A_736, %add3A_1355 : i32
        %add3A_1357 = arith.addi %mul3A_32, %add3A_1356 : i32
        %dma_start3A_1358 = arith.constant 0 : i32
        %dma_start3A_1359 = tpu.memref_slice %arg7[%dma_start3A_1358] : memref<2528xi32, #tpu.memory_space<vmem>> -> memref<2500xi32, #tpu.memory_space<vmem>>
        %dma_start3A_1360 = arith.constant 0 : i32
        %dma_start3A_1361 = tpu.memref_slice %arg2[%add3A_1357, %dma_start3A_1360] : memref<1024x2500xi32, #tpu.memory_space<hbm>> -> memref<1x2500xi32, #tpu.memory_space<hbm>>
        %dma_start3A_1362 = tpu.memref_squeeze %dma_start3A_1361 : memref<1x2500xi32, #tpu.memory_space<hbm>> -> memref<2500xi32, #tpu.memory_space<hbm>>
        %dma_start3A_1363 = arith.constant 0 : i32
        %dma_start3A_1364 = tpu.memref_slice %arg7[%dma_start3A_1363] : memref<2528xi32, #tpu.memory_space<vmem>> -> memref<2500xi32, #tpu.memory_space<vmem>>
        %dma_start3A_1365 = arith.constant 0 : i32
        %dma_start3A_1366 = tpu.memref_slice %arg2[%add3A_1357, %dma_start3A_1365] : memref<1024x2500xi32, #tpu.memory_space<hbm>> -> memref<1x2500xi32, #tpu.memory_space<hbm>>
        %dma_start3A_1367 = tpu.memref_squeeze %dma_start3A_1366 : memref<1x2500xi32, #tpu.memory_space<hbm>> -> memref<2500xi32, #tpu.memory_space<hbm>>
        tpu.enqueue_dma source(%dma_start3A_1367 : memref<2500xi32, #tpu.memory_space<hbm>>) target(%dma_start3A_1364 : memref<2500xi32, #tpu.memory_space<vmem>>) target_semaphore(%arg11 : memref<!tpu.dma_semaphore, #tpu.memory_space<semaphore_mem>>)
      } else {
      }
      %dma_wait3A_744 = arith.constant 0 : i32
      %dma_wait3A_745 = arith.constant 0 : i32
      %dma_wait3A_746 = tpu.memref_slice %arg8[%dma_wait3A_745] : memref<2528xi32, #tpu.memory_space<vmem>> -> memref<2500xi32, #tpu.memory_space<vmem>>
      %dma_wait3A_747 = arith.constant 0 : i32
      %dma_wait3A_748 = tpu.memref_slice %arg2[%dma_wait3A_744, %dma_wait3A_747] : memref<1024x2500xi32, #tpu.memory_space<hbm>> -> memref<1x2500xi32, #tpu.memory_space<hbm>>
      %dma_wait3A_749 = tpu.memref_squeeze %dma_wait3A_748 : memref<1x2500xi32, #tpu.memory_space<hbm>> -> memref<2500xi32, #tpu.memory_space<hbm>>
      %dma_wait3A_750 = arith.constant 0 : i32
      %dma_wait3A_751 = tpu.memref_slice %arg8[%dma_wait3A_750] : memref<2528xi32, #tpu.memory_space<vmem>> -> memref<2500xi32, #tpu.memory_space<vmem>>
      %dma_wait3A_752 = arith.constant 0 : i32
      %dma_wait3A_753 = tpu.memref_slice %arg2[%dma_wait3A_744, %dma_wait3A_752] : memref<1024x2500xi32, #tpu.memory_space<hbm>> -> memref<1x2500xi32, #tpu.memory_space<hbm>>
      %dma_wait3A_754 = tpu.memref_squeeze %dma_wait3A_753 : memref<1x2500xi32, #tpu.memory_space<hbm>> -> memref<2500xi32, #tpu.memory_space<hbm>>
      tpu.wait_dma2 semaphore(%arg11 : memref<!tpu.dma_semaphore, #tpu.memory_space<semaphore_mem>>) src(%dma_wait3A_754 : memref<2500xi32, #tpu.memory_space<hbm>>) dst(%dma_wait3A_751 : memref<2500xi32, #tpu.memory_space<vmem>>)
      %scan3A_755 = arith.constant 0 : i32
      %scan3A_756 = arith.constant 72 : i32
      %scan3A_757 = arith.addi %scan3A_755, %scan3A_756 : i32
      %scan3A_758 = arith.constant 8 : i32
      %scan3A_759:4 = scf.for %scan3A_1355 = %scan3A_755 to %scan3A_757 step %scan3A_758 iter_args(%scan3A_1356 = %broadcast_in_dim3A_33, %scan3A_1357 = %broadcast_in_dim3A_33, %scan3A_1358 = %broadcast_in_dim3A_33, %scan3A_1359 = %broadcast_in_dim3A_33) -> (vector<16xf32>, vector<16xf32>, vector<16xf32>, vector<16xf32>)  : i32 {
        %mul3A_1360 = arith.constant 32 : i32
        %mul3A_1361 = arith.muli %mul3A_1360, %scan3A_1355 : i32
        %get3A_1362 = arith.index_cast %mul3A_1361 : i32 to index
        %get3A_1363 = tpu.vector_load %arg8[%get3A_1362] {strides = array<i32>} : memref<2528xi32, #tpu.memory_space<vmem>>, vector<16xi32>,
        %gather3A_1364 = tpu.vector_load_idx %arg5[%get3A_1363] : memref<100000xi32, #tpu.memory_space<vmem>>[vector<16xi32>], vector<16xi32>,
        %add3A_1365 = arith.constant 16 : i32
        %add3A_1366 = arith.addi %mul3A_1361, %add3A_1365 : i32
        %get3A_1367 = arith.index_cast %add3A_1366 : i32 to index
        %get3A_1368 = tpu.vector_load %arg8[%get3A_1367] {strides = array<i32>} : memref<2528xi32, #tpu.memory_space<vmem>>, vector<16xi32>,
        %gather3A_1369 = tpu.vector_load_idx %arg5[%get3A_1368] : memref<100000xi32, #tpu.memory_space<vmem>>[vector<16xi32>], vector<16xi32>,
        %shift_left3A_1370 = arith.constant 16 : i32
        %shift_left3A_1371 = vector.broadcast %shift_left3A_1370 : i32 to vector<16xi32>
        %shift_left3A_1372 = arith.shli %gather3A_1364, %shift_left3A_1371 : vector<16xi32>
        %bitcast3A_1373 = vector.bitcast %shift_left3A_1372 : vector<16xi32> to vector<16xf32>
        %and3A_1374 = arith.constant -65536 : i32
        %and3A_1375 = vector.broadcast %and3A_1374 : i32 to vector<16xi32>
        %and3A_1376 = arith.andi %gather3A_1364, %and3A_1375 : vector<16xi32>
        %bitcast3A_1377 = vector.bitcast %and3A_1376 : vector<16xi32> to vector<16xf32>
        %shift_left3A_1378 = arith.constant 16 : i32
        %shift_left3A_1379 = vector.broadcast %shift_left3A_1378 : i32 to vector<16xi32>
        %shift_left3A_1380 = arith.shli %gather3A_1369, %shift_left3A_1379 : vector<16xi32>
        %bitcast3A_1381 = vector.bitcast %shift_left3A_1380 : vector<16xi32> to vector<16xf32>
        %and3A_1382 = arith.constant -65536 : i32
        %and3A_1383 = vector.broadcast %and3A_1382 : i32 to vector<16xi32>
        %and3A_1384 = arith.andi %gather3A_1369, %and3A_1383 : vector<16xi32>
        %bitcast3A_1385 = vector.bitcast %and3A_1384 : vector<16xi32> to vector<16xf32>
        %add3A_1386 = arith.addf %scan3A_1356, %bitcast3A_1373 : vector<16xf32>
        %add3A_1387 = arith.addf %scan3A_1357, %bitcast3A_1377 : vector<16xf32>
        %add3A_1388 = arith.addf %scan3A_1358, %bitcast3A_1381 : vector<16xf32>
        %add3A_1389 = arith.addf %scan3A_1359, %bitcast3A_1385 : vector<16xf32>
        %scan3A_1390 = arith.constant 1 : i32
        %scan3A_1391 = arith.addi %scan3A_1355, %scan3A_1390 : i32
        %mul3A_1392 = arith.constant 32 : i32
        %mul3A_1393 = arith.muli %mul3A_1392, %scan3A_1391 : i32
        %get3A_1394 = arith.index_cast %mul3A_1393 : i32 to index
        %get3A_1395 = tpu.vector_load %arg8[%get3A_1394] {strides = array<i32>} : memref<2528xi32, #tpu.memory_space<vmem>>, vector<16xi32>,
        %gather3A_1396 = tpu.vector_load_idx %arg5[%get3A_1395] : memref<100000xi32, #tpu.memory_space<vmem>>[vector<16xi32>], vector<16xi32>,
        %add3A_1397 = arith.constant 16 : i32
        %add3A_1398 = arith.addi %mul3A_1393, %add3A_1397 : i32
        %get3A_1399 = arith.index_cast %add3A_1398 : i32 to index
        %get3A_1400 = tpu.vector_load %arg8[%get3A_1399] {strides = array<i32>} : memref<2528xi32, #tpu.memory_space<vmem>>, vector<16xi32>,
        %gather3A_1401 = tpu.vector_load_idx %arg5[%get3A_1400] : memref<100000xi32, #tpu.memory_space<vmem>>[vector<16xi32>], vector<16xi32>,
        %shift_left3A_1402 = arith.constant 16 : i32
        %shift_left3A_1403 = vector.broadcast %shift_left3A_1402 : i32 to vector<16xi32>
        %shift_left3A_1404 = arith.shli %gather3A_1396, %shift_left3A_1403 : vector<16xi32>
        %bitcast3A_1405 = vector.bitcast %shift_left3A_1404 : vector<16xi32> to vector<16xf32>
        %and3A_1406 = arith.constant -65536 : i32
        %and3A_1407 = vector.broadcast %and3A_1406 : i32 to vector<16xi32>
        %and3A_1408 = arith.andi %gather3A_1396, %and3A_1407 : vector<16xi32>
        %bitcast3A_1409 = vector.bitcast %and3A_1408 : vector<16xi32> to vector<16xf32>
        %shift_left3A_1410 = arith.constant 16 : i32
        %shift_left3A_1411 = vector.broadcast %shift_left3A_1410 : i32 to vector<16xi32>
        %shift_left3A_1412 = arith.shli %gather3A_1401, %shift_left3A_1411 : vector<16xi32>
        %bitcast3A_1413 = vector.bitcast %shift_left3A_1412 : vector<16xi32> to vector<16xf32>
        %and3A_1414 = arith.constant -65536 : i32
        %and3A_1415 = vector.broadcast %and3A_1414 : i32 to vector<16xi32>
        %and3A_1416 = arith.andi %gather3A_1401, %and3A_1415 : vector<16xi32>
        %bitcast3A_1417 = vector.bitcast %and3A_1416 : vector<16xi32> to vector<16xf32>
        %add3A_1418 = arith.addf %add3A_1386, %bitcast3A_1405 : vector<16xf32>
        %add3A_1419 = arith.addf %add3A_1387, %bitcast3A_1409 : vector<16xf32>
        %add3A_1420 = arith.addf %add3A_1388, %bitcast3A_1413 : vector<16xf32>
        %add3A_1421 = arith.addf %add3A_1389, %bitcast3A_1417 : vector<16xf32>
        %scan3A_1422 = arith.constant 2 : i32
        %scan3A_1423 = arith.addi %scan3A_1355, %scan3A_1422 : i32
        %mul3A_1424 = arith.constant 32 : i32
        %mul3A_1425 = arith.muli %mul3A_1424, %scan3A_1423 : i32
        %get3A_1426 = arith.index_cast %mul3A_1425 : i32 to index
        %get3A_1427 = tpu.vector_load %arg8[%get3A_1426] {strides = array<i32>} : memref<2528xi32, #tpu.memory_space<vmem>>, vector<16xi32>,
        %gather3A_1428 = tpu.vector_load_idx %arg5[%get3A_1427] : memref<100000xi32, #tpu.memory_space<vmem>>[vector<16xi32>], vector<16xi32>,
        %add3A_1429 = arith.constant 16 : i32
        %add3A_1430 = arith.addi %mul3A_1425, %add3A_1429 : i32
        %get3A_1431 = arith.index_cast %add3A_1430 : i32 to index
        %get3A_1432 = tpu.vector_load %arg8[%get3A_1431] {strides = array<i32>} : memref<2528xi32, #tpu.memory_space<vmem>>, vector<16xi32>,
        %gather3A_1433 = tpu.vector_load_idx %arg5[%get3A_1432] : memref<100000xi32, #tpu.memory_space<vmem>>[vector<16xi32>], vector<16xi32>,
        %shift_left3A_1434 = arith.constant 16 : i32
        %shift_left3A_1435 = vector.broadcast %shift_left3A_1434 : i32 to vector<16xi32>
        %shift_left3A_1436 = arith.shli %gather3A_1428, %shift_left3A_1435 : vector<16xi32>
        %bitcast3A_1437 = vector.bitcast %shift_left3A_1436 : vector<16xi32> to vector<16xf32>
        %and3A_1438 = arith.constant -65536 : i32
        %and3A_1439 = vector.broadcast %and3A_1438 : i32 to vector<16xi32>
        %and3A_1440 = arith.andi %gather3A_1428, %and3A_1439 : vector<16xi32>
        %bitcast3A_1441 = vector.bitcast %and3A_1440 : vector<16xi32> to vector<16xf32>
        %shift_left3A_1442 = arith.constant 16 : i32
        %shift_left3A_1443 = vector.broadcast %shift_left3A_1442 : i32 to vector<16xi32>
        %shift_left3A_1444 = arith.shli %gather3A_1433, %shift_left3A_1443 : vector<16xi32>
        %bitcast3A_1445 = vector.bitcast %shift_left3A_1444 : vector<16xi32> to vector<16xf32>
        %and3A_1446 = arith.constant -65536 : i32
        %and3A_1447 = vector.broadcast %and3A_1446 : i32 to vector<16xi32>
        %and3A_1448 = arith.andi %gather3A_1433, %and3A_1447 : vector<16xi32>
        %bitcast3A_1449 = vector.bitcast %and3A_1448 : vector<16xi32> to vector<16xf32>
        %add3A_1450 = arith.addf %add3A_1418, %bitcast3A_1437 : vector<16xf32>
        %add3A_1451 = arith.addf %add3A_1419, %bitcast3A_1441 : vector<16xf32>
        %add3A_1452 = arith.addf %add3A_1420, %bitcast3A_1445 : vector<16xf32>
        %add3A_1453 = arith.addf %add3A_1421, %bitcast3A_1449 : vector<16xf32>
        %scan3A_1454 = arith.constant 3 : i32
        %scan3A_1455 = arith.addi %scan3A_1355, %scan3A_1454 : i32
        %mul3A_1456 = arith.constant 32 : i32
        %mul3A_1457 = arith.muli %mul3A_1456, %scan3A_1455 : i32
        %get3A_1458 = arith.index_cast %mul3A_1457 : i32 to index
        %get3A_1459 = tpu.vector_load %arg8[%get3A_1458] {strides = array<i32>} : memref<2528xi32, #tpu.memory_space<vmem>>, vector<16xi32>,
        %gather3A_1460 = tpu.vector_load_idx %arg5[%get3A_1459] : memref<100000xi32, #tpu.memory_space<vmem>>[vector<16xi32>], vector<16xi32>,
        %add3A_1461 = arith.constant 16 : i32
        %add3A_1462 = arith.addi %mul3A_1457, %add3A_1461 : i32
        %get3A_1463 = arith.index_cast %add3A_1462 : i32 to index
        %get3A_1464 = tpu.vector_load %arg8[%get3A_1463] {strides = array<i32>} : memref<2528xi32, #tpu.memory_space<vmem>>, vector<16xi32>,
        %gather3A_1465 = tpu.vector_load_idx %arg5[%get3A_1464] : memref<100000xi32, #tpu.memory_space<vmem>>[vector<16xi32>], vector<16xi32>,
        %shift_left3A_1466 = arith.constant 16 : i32
        %shift_left3A_1467 = vector.broadcast %shift_left3A_1466 : i32 to vector<16xi32>
        %shift_left3A_1468 = arith.shli %gather3A_1460, %shift_left3A_1467 : vector<16xi32>
        %bitcast3A_1469 = vector.bitcast %shift_left3A_1468 : vector<16xi32> to vector<16xf32>
        %and3A_1470 = arith.constant -65536 : i32
        %and3A_1471 = vector.broadcast %and3A_1470 : i32 to vector<16xi32>
        %and3A_1472 = arith.andi %gather3A_1460, %and3A_1471 : vector<16xi32>
        %bitcast3A_1473 = vector.bitcast %and3A_1472 : vector<16xi32> to vector<16xf32>
        %shift_left3A_1474 = arith.constant 16 : i32
        %shift_left3A_1475 = vector.broadcast %shift_left3A_1474 : i32 to vector<16xi32>
        %shift_left3A_1476 = arith.shli %gather3A_1465, %shift_left3A_1475 : vector<16xi32>
        %bitcast3A_1477 = vector.bitcast %shift_left3A_1476 : vector<16xi32> to vector<16xf32>
        %and3A_1478 = arith.constant -65536 : i32
        %and3A_1479 = vector.broadcast %and3A_1478 : i32 to vector<16xi32>
        %and3A_1480 = arith.andi %gather3A_1465, %and3A_1479 : vector<16xi32>
        %bitcast3A_1481 = vector.bitcast %and3A_1480 : vector<16xi32> to vector<16xf32>
        %add3A_1482 = arith.addf %add3A_1450, %bitcast3A_1469 : vector<16xf32>
        %add3A_1483 = arith.addf %add3A_1451, %bitcast3A_1473 : vector<16xf32>
        %add3A_1484 = arith.addf %add3A_1452, %bitcast3A_1477 : vector<16xf32>
        %add3A_1485 = arith.addf %add3A_1453, %bitcast3A_1481 : vector<16xf32>
        %scan3A_1486 = arith.constant 4 : i32
        %scan3A_1487 = arith.addi %scan3A_1355, %scan3A_1486 : i32
        %mul3A_1488 = arith.constant 32 : i32
        %mul3A_1489 = arith.muli %mul3A_1488, %scan3A_1487 : i32
        %get3A_1490 = arith.index_cast %mul3A_1489 : i32 to index
        %get3A_1491 = tpu.vector_load %arg8[%get3A_1490] {strides = array<i32>} : memref<2528xi32, #tpu.memory_space<vmem>>, vector<16xi32>,
        %gather3A_1492 = tpu.vector_load_idx %arg5[%get3A_1491] : memref<100000xi32, #tpu.memory_space<vmem>>[vector<16xi32>], vector<16xi32>,
        %add3A_1493 = arith.constant 16 : i32
        %add3A_1494 = arith.addi %mul3A_1489, %add3A_1493 : i32
        %get3A_1495 = arith.index_cast %add3A_1494 : i32 to index
        %get3A_1496 = tpu.vector_load %arg8[%get3A_1495] {strides = array<i32>} : memref<2528xi32, #tpu.memory_space<vmem>>, vector<16xi32>,
        %gather3A_1497 = tpu.vector_load_idx %arg5[%get3A_1496] : memref<100000xi32, #tpu.memory_space<vmem>>[vector<16xi32>], vector<16xi32>,
        %shift_left3A_1498 = arith.constant 16 : i32
        %shift_left3A_1499 = vector.broadcast %shift_left3A_1498 : i32 to vector<16xi32>
        %shift_left3A_1500 = arith.shli %gather3A_1492, %shift_left3A_1499 : vector<16xi32>
        %bitcast3A_1501 = vector.bitcast %shift_left3A_1500 : vector<16xi32> to vector<16xf32>
        %and3A_1502 = arith.constant -65536 : i32
        %and3A_1503 = vector.broadcast %and3A_1502 : i32 to vector<16xi32>
        %and3A_1504 = arith.andi %gather3A_1492, %and3A_1503 : vector<16xi32>
        %bitcast3A_1505 = vector.bitcast %and3A_1504 : vector<16xi32> to vector<16xf32>
        %shift_left3A_1506 = arith.constant 16 : i32
        %shift_left3A_1507 = vector.broadcast %shift_left3A_1506 : i32 to vector<16xi32>
        %shift_left3A_1508 = arith.shli %gather3A_1497, %shift_left3A_1507 : vector<16xi32>
        %bitcast3A_1509 = vector.bitcast %shift_left3A_1508 : vector<16xi32> to vector<16xf32>
        %and3A_1510 = arith.constant -65536 : i32
        %and3A_1511 = vector.broadcast %and3A_1510 : i32 to vector<16xi32>
        %and3A_1512 = arith.andi %gather3A_1497, %and3A_1511 : vector<16xi32>
        %bitcast3A_1513 = vector.bitcast %and3A_1512 : vector<16xi32> to vector<16xf32>
        %add3A_1514 = arith.addf %add3A_1482, %bitcast3A_1501 : vector<16xf32>
        %add3A_1515 = arith.addf %add3A_1483, %bitcast3A_1505 : vector<16xf32>
        %add3A_1516 = arith.addf %add3A_1484, %bitcast3A_1509 : vector<16xf32>
        %add3A_1517 = arith.addf %add3A_1485, %bitcast3A_1513 : vector<16xf32>
        %scan3A_1518 = arith.constant 5 : i32
        %scan3A_1519 = arith.addi %scan3A_1355, %scan3A_1518 : i32
        %mul3A_1520 = arith.constant 32 : i32
        %mul3A_1521 = arith.muli %mul3A_1520, %scan3A_1519 : i32
        %get3A_1522 = arith.index_cast %mul3A_1521 : i32 to index
        %get3A_1523 = tpu.vector_load %arg8[%get3A_1522] {strides = array<i32>} : memref<2528xi32, #tpu.memory_space<vmem>>, vector<16xi32>,
        %gather3A_1524 = tpu.vector_load_idx %arg5[%get3A_1523] : memref<100000xi32, #tpu.memory_space<vmem>>[vector<16xi32>], vector<16xi32>,
        %add3A_1525 = arith.constant 16 : i32
        %add3A_1526 = arith.addi %mul3A_1521, %add3A_1525 : i32
        %get3A_1527 = arith.index_cast %add3A_1526 : i32 to index
        %get3A_1528 = tpu.vector_load %arg8[%get3A_1527] {strides = array<i32>} : memref<2528xi32, #tpu.memory_space<vmem>>, vector<16xi32>,
        %gather3A_1529 = tpu.vector_load_idx %arg5[%get3A_1528] : memref<100000xi32, #tpu.memory_space<vmem>>[vector<16xi32>], vector<16xi32>,
        %shift_left3A_1530 = arith.constant 16 : i32
        %shift_left3A_1531 = vector.broadcast %shift_left3A_1530 : i32 to vector<16xi32>
        %shift_left3A_1532 = arith.shli %gather3A_1524, %shift_left3A_1531 : vector<16xi32>
        %bitcast3A_1533 = vector.bitcast %shift_left3A_1532 : vector<16xi32> to vector<16xf32>
        %and3A_1534 = arith.constant -65536 : i32
        %and3A_1535 = vector.broadcast %and3A_1534 : i32 to vector<16xi32>
        %and3A_1536 = arith.andi %gather3A_1524, %and3A_1535 : vector<16xi32>
        %bitcast3A_1537 = vector.bitcast %and3A_1536 : vector<16xi32> to vector<16xf32>
        %shift_left3A_1538 = arith.constant 16 : i32
        %shift_left3A_1539 = vector.broadcast %shift_left3A_1538 : i32 to vector<16xi32>
        %shift_left3A_1540 = arith.shli %gather3A_1529, %shift_left3A_1539 : vector<16xi32>
        %bitcast3A_1541 = vector.bitcast %shift_left3A_1540 : vector<16xi32> to vector<16xf32>
        %and3A_1542 = arith.constant -65536 : i32
        %and3A_1543 = vector.broadcast %and3A_1542 : i32 to vector<16xi32>
        %and3A_1544 = arith.andi %gather3A_1529, %and3A_1543 : vector<16xi32>
        %bitcast3A_1545 = vector.bitcast %and3A_1544 : vector<16xi32> to vector<16xf32>
        %add3A_1546 = arith.addf %add3A_1514, %bitcast3A_1533 : vector<16xf32>
        %add3A_1547 = arith.addf %add3A_1515, %bitcast3A_1537 : vector<16xf32>
        %add3A_1548 = arith.addf %add3A_1516, %bitcast3A_1541 : vector<16xf32>
        %add3A_1549 = arith.addf %add3A_1517, %bitcast3A_1545 : vector<16xf32>
        %scan3A_1550 = arith.constant 6 : i32
        %scan3A_1551 = arith.addi %scan3A_1355, %scan3A_1550 : i32
        %mul3A_1552 = arith.constant 32 : i32
        %mul3A_1553 = arith.muli %mul3A_1552, %scan3A_1551 : i32
        %get3A_1554 = arith.index_cast %mul3A_1553 : i32 to index
        %get3A_1555 = tpu.vector_load %arg8[%get3A_1554] {strides = array<i32>} : memref<2528xi32, #tpu.memory_space<vmem>>, vector<16xi32>,
        %gather3A_1556 = tpu.vector_load_idx %arg5[%get3A_1555] : memref<100000xi32, #tpu.memory_space<vmem>>[vector<16xi32>], vector<16xi32>,
        %add3A_1557 = arith.constant 16 : i32
        %add3A_1558 = arith.addi %mul3A_1553, %add3A_1557 : i32
        %get3A_1559 = arith.index_cast %add3A_1558 : i32 to index
        %get3A_1560 = tpu.vector_load %arg8[%get3A_1559] {strides = array<i32>} : memref<2528xi32, #tpu.memory_space<vmem>>, vector<16xi32>,
        %gather3A_1561 = tpu.vector_load_idx %arg5[%get3A_1560] : memref<100000xi32, #tpu.memory_space<vmem>>[vector<16xi32>], vector<16xi32>,
        %shift_left3A_1562 = arith.constant 16 : i32
        %shift_left3A_1563 = vector.broadcast %shift_left3A_1562 : i32 to vector<16xi32>
        %shift_left3A_1564 = arith.shli %gather3A_1556, %shift_left3A_1563 : vector<16xi32>
        %bitcast3A_1565 = vector.bitcast %shift_left3A_1564 : vector<16xi32> to vector<16xf32>
        %and3A_1566 = arith.constant -65536 : i32
        %and3A_1567 = vector.broadcast %and3A_1566 : i32 to vector<16xi32>
        %and3A_1568 = arith.andi %gather3A_1556, %and3A_1567 : vector<16xi32>
        %bitcast3A_1569 = vector.bitcast %and3A_1568 : vector<16xi32> to vector<16xf32>
        %shift_left3A_1570 = arith.constant 16 : i32
        %shift_left3A_1571 = vector.broadcast %shift_left3A_1570 : i32 to vector<16xi32>
        %shift_left3A_1572 = arith.shli %gather3A_1561, %shift_left3A_1571 : vector<16xi32>
        %bitcast3A_1573 = vector.bitcast %shift_left3A_1572 : vector<16xi32> to vector<16xf32>
        %and3A_1574 = arith.constant -65536 : i32
        %and3A_1575 = vector.broadcast %and3A_1574 : i32 to vector<16xi32>
        %and3A_1576 = arith.andi %gather3A_1561, %and3A_1575 : vector<16xi32>
        %bitcast3A_1577 = vector.bitcast %and3A_1576 : vector<16xi32> to vector<16xf32>
        %add3A_1578 = arith.addf %add3A_1546, %bitcast3A_1565 : vector<16xf32>
        %add3A_1579 = arith.addf %add3A_1547, %bitcast3A_1569 : vector<16xf32>
        %add3A_1580 = arith.addf %add3A_1548, %bitcast3A_1573 : vector<16xf32>
        %add3A_1581 = arith.addf %add3A_1549, %bitcast3A_1577 : vector<16xf32>
        %scan3A_1582 = arith.constant 7 : i32
        %scan3A_1583 = arith.addi %scan3A_1355, %scan3A_1582 : i32
        %mul3A_1584 = arith.constant 32 : i32
        %mul3A_1585 = arith.muli %mul3A_1584, %scan3A_1583 : i32
        %get3A_1586 = arith.index_cast %mul3A_1585 : i32 to index
        %get3A_1587 = tpu.vector_load %arg8[%get3A_1586] {strides = array<i32>} : memref<2528xi32, #tpu.memory_space<vmem>>, vector<16xi32>,
        %gather3A_1588 = tpu.vector_load_idx %arg5[%get3A_1587] : memref<100000xi32, #tpu.memory_space<vmem>>[vector<16xi32>], vector<16xi32>,
        %add3A_1589 = arith.constant 16 : i32
        %add3A_1590 = arith.addi %mul3A_1585, %add3A_1589 : i32
        %get3A_1591 = arith.index_cast %add3A_1590 : i32 to index
        %get3A_1592 = tpu.vector_load %arg8[%get3A_1591] {strides = array<i32>} : memref<2528xi32, #tpu.memory_space<vmem>>, vector<16xi32>,
        %gather3A_1593 = tpu.vector_load_idx %arg5[%get3A_1592] : memref<100000xi32, #tpu.memory_space<vmem>>[vector<16xi32>], vector<16xi32>,
        %shift_left3A_1594 = arith.constant 16 : i32
        %shift_left3A_1595 = vector.broadcast %shift_left3A_1594 : i32 to vector<16xi32>
        %shift_left3A_1596 = arith.shli %gather3A_1588, %shift_left3A_1595 : vector<16xi32>
        %bitcast3A_1597 = vector.bitcast %shift_left3A_1596 : vector<16xi32> to vector<16xf32>
        %and3A_1598 = arith.constant -65536 : i32
        %and3A_1599 = vector.broadcast %and3A_1598 : i32 to vector<16xi32>
        %and3A_1600 = arith.andi %gather3A_1588, %and3A_1599 : vector<16xi32>
        %bitcast3A_1601 = vector.bitcast %and3A_1600 : vector<16xi32> to vector<16xf32>
        %shift_left3A_1602 = arith.constant 16 : i32
        %shift_left3A_1603 = vector.broadcast %shift_left3A_1602 : i32 to vector<16xi32>
        %shift_left3A_1604 = arith.shli %gather3A_1593, %shift_left3A_1603 : vector<16xi32>
        %bitcast3A_1605 = vector.bitcast %shift_left3A_1604 : vector<16xi32> to vector<16xf32>
        %and3A_1606 = arith.constant -65536 : i32
        %and3A_1607 = vector.broadcast %and3A_1606 : i32 to vector<16xi32>
        %and3A_1608 = arith.andi %gather3A_1593, %and3A_1607 : vector<16xi32>
        %bitcast3A_1609 = vector.bitcast %and3A_1608 : vector<16xi32> to vector<16xf32>
        %add3A_1610 = arith.addf %add3A_1578, %bitcast3A_1597 : vector<16xf32>
        %add3A_1611 = arith.addf %add3A_1579, %bitcast3A_1601 : vector<16xf32>
        %add3A_1612 = arith.addf %add3A_1580, %bitcast3A_1605 : vector<16xf32>
        %add3A_1613 = arith.addf %add3A_1581, %bitcast3A_1609 : vector<16xf32>
        scf.yield %add3A_1610, %add3A_1611, %add3A_1612, %add3A_1613 : vector<16xf32>, vector<16xf32>, vector<16xf32>, vector<16xf32>
      }
      %scan3A_760 = arith.constant 72 : i32
      %scan3A_761 = arith.addi %scan3A_755, %scan3A_760 : i32
      %mul3A_762 = arith.constant 32 : i32
      %mul3A_763 = arith.muli %mul3A_762, %scan3A_761 : i32
      %get3A_764 = arith.index_cast %mul3A_763 : i32 to index
      %get3A_765 = tpu.vector_load %arg8[%get3A_764] {strides = array<i32>} : memref<2528xi32, #tpu.memory_space<vmem>>, vector<16xi32>,
      %gather3A_766 = tpu.vector_load_idx %arg5[%get3A_765] : memref<100000xi32, #tpu.memory_space<vmem>>[vector<16xi32>], vector<16xi32>,
      %add3A_767 = arith.constant 16 : i32
      %add3A_768 = arith.addi %mul3A_763, %add3A_767 : i32
      %get3A_769 = arith.index_cast %add3A_768 : i32 to index
      %get3A_770 = tpu.vector_load %arg8[%get3A_769] {strides = array<i32>} : memref<2528xi32, #tpu.memory_space<vmem>>, vector<16xi32>,
      %gather3A_771 = tpu.vector_load_idx %arg5[%get3A_770] : memref<100000xi32, #tpu.memory_space<vmem>>[vector<16xi32>], vector<16xi32>,
      %shift_left3A_772 = arith.constant 16 : i32
      %shift_left3A_773 = vector.broadcast %shift_left3A_772 : i32 to vector<16xi32>
      %shift_left3A_774 = arith.shli %gather3A_766, %shift_left3A_773 : vector<16xi32>
      %bitcast3A_775 = vector.bitcast %shift_left3A_774 : vector<16xi32> to vector<16xf32>
      %and3A_776 = arith.constant -65536 : i32
      %and3A_777 = vector.broadcast %and3A_776 : i32 to vector<16xi32>
      %and3A_778 = arith.andi %gather3A_766, %and3A_777 : vector<16xi32>
      %bitcast3A_779 = vector.bitcast %and3A_778 : vector<16xi32> to vector<16xf32>
      %shift_left3A_780 = arith.constant 16 : i32
      %shift_left3A_781 = vector.broadcast %shift_left3A_780 : i32 to vector<16xi32>
      %shift_left3A_782 = arith.shli %gather3A_771, %shift_left3A_781 : vector<16xi32>
      %bitcast3A_783 = vector.bitcast %shift_left3A_782 : vector<16xi32> to vector<16xf32>
      %and3A_784 = arith.constant -65536 : i32
      %and3A_785 = vector.broadcast %and3A_784 : i32 to vector<16xi32>
      %and3A_786 = arith.andi %gather3A_771, %and3A_785 : vector<16xi32>
      %bitcast3A_787 = vector.bitcast %and3A_786 : vector<16xi32> to vector<16xf32>
      %add3A_788 = arith.addf %scan3A_759#0, %bitcast3A_775 : vector<16xf32>
      %add3A_789 = arith.addf %scan3A_759#1, %bitcast3A_779 : vector<16xf32>
      %add3A_790 = arith.addf %scan3A_759#2, %bitcast3A_783 : vector<16xf32>
      %add3A_791 = arith.addf %scan3A_759#3, %bitcast3A_787 : vector<16xf32>
      %scan3A_792 = arith.constant 73 : i32
      %scan3A_793 = arith.addi %scan3A_755, %scan3A_792 : i32
      %mul3A_794 = arith.constant 32 : i32
      %mul3A_795 = arith.muli %mul3A_794, %scan3A_793 : i32
      %get3A_796 = arith.index_cast %mul3A_795 : i32 to index
      %get3A_797 = tpu.vector_load %arg8[%get3A_796] {strides = array<i32>} : memref<2528xi32, #tpu.memory_space<vmem>>, vector<16xi32>,
      %gather3A_798 = tpu.vector_load_idx %arg5[%get3A_797] : memref<100000xi32, #tpu.memory_space<vmem>>[vector<16xi32>], vector<16xi32>,
      %add3A_799 = arith.constant 16 : i32
      %add3A_800 = arith.addi %mul3A_795, %add3A_799 : i32
      %get3A_801 = arith.index_cast %add3A_800 : i32 to index
      %get3A_802 = tpu.vector_load %arg8[%get3A_801] {strides = array<i32>} : memref<2528xi32, #tpu.memory_space<vmem>>, vector<16xi32>,
      %gather3A_803 = tpu.vector_load_idx %arg5[%get3A_802] : memref<100000xi32, #tpu.memory_space<vmem>>[vector<16xi32>], vector<16xi32>,
      %shift_left3A_804 = arith.constant 16 : i32
      %shift_left3A_805 = vector.broadcast %shift_left3A_804 : i32 to vector<16xi32>
      %shift_left3A_806 = arith.shli %gather3A_798, %shift_left3A_805 : vector<16xi32>
      %bitcast3A_807 = vector.bitcast %shift_left3A_806 : vector<16xi32> to vector<16xf32>
      %and3A_808 = arith.constant -65536 : i32
      %and3A_809 = vector.broadcast %and3A_808 : i32 to vector<16xi32>
      %and3A_810 = arith.andi %gather3A_798, %and3A_809 : vector<16xi32>
      %bitcast3A_811 = vector.bitcast %and3A_810 : vector<16xi32> to vector<16xf32>
      %shift_left3A_812 = arith.constant 16 : i32
      %shift_left3A_813 = vector.broadcast %shift_left3A_812 : i32 to vector<16xi32>
      %shift_left3A_814 = arith.shli %gather3A_803, %shift_left3A_813 : vector<16xi32>
      %bitcast3A_815 = vector.bitcast %shift_left3A_814 : vector<16xi32> to vector<16xf32>
      %and3A_816 = arith.constant -65536 : i32
      %and3A_817 = vector.broadcast %and3A_816 : i32 to vector<16xi32>
      %and3A_818 = arith.andi %gather3A_803, %and3A_817 : vector<16xi32>
      %bitcast3A_819 = vector.bitcast %and3A_818 : vector<16xi32> to vector<16xf32>
      %add3A_820 = arith.addf %add3A_788, %bitcast3A_807 : vector<16xf32>
      %add3A_821 = arith.addf %add3A_789, %bitcast3A_811 : vector<16xf32>
      %add3A_822 = arith.addf %add3A_790, %bitcast3A_815 : vector<16xf32>
      %add3A_823 = arith.addf %add3A_791, %bitcast3A_819 : vector<16xf32>
      %scan3A_824 = arith.constant 74 : i32
      %scan3A_825 = arith.addi %scan3A_755, %scan3A_824 : i32
      %mul3A_826 = arith.constant 32 : i32
      %mul3A_827 = arith.muli %mul3A_826, %scan3A_825 : i32
      %get3A_828 = arith.index_cast %mul3A_827 : i32 to index
      %get3A_829 = tpu.vector_load %arg8[%get3A_828] {strides = array<i32>} : memref<2528xi32, #tpu.memory_space<vmem>>, vector<16xi32>,
      %gather3A_830 = tpu.vector_load_idx %arg5[%get3A_829] : memref<100000xi32, #tpu.memory_space<vmem>>[vector<16xi32>], vector<16xi32>,
      %add3A_831 = arith.constant 16 : i32
      %add3A_832 = arith.addi %mul3A_827, %add3A_831 : i32
      %get3A_833 = arith.index_cast %add3A_832 : i32 to index
      %get3A_834 = tpu.vector_load %arg8[%get3A_833] {strides = array<i32>} : memref<2528xi32, #tpu.memory_space<vmem>>, vector<16xi32>,
      %gather3A_835 = tpu.vector_load_idx %arg5[%get3A_834] : memref<100000xi32, #tpu.memory_space<vmem>>[vector<16xi32>], vector<16xi32>,
      %shift_left3A_836 = arith.constant 16 : i32
      %shift_left3A_837 = vector.broadcast %shift_left3A_836 : i32 to vector<16xi32>
      %shift_left3A_838 = arith.shli %gather3A_830, %shift_left3A_837 : vector<16xi32>
      %bitcast3A_839 = vector.bitcast %shift_left3A_838 : vector<16xi32> to vector<16xf32>
      %and3A_840 = arith.constant -65536 : i32
      %and3A_841 = vector.broadcast %and3A_840 : i32 to vector<16xi32>
      %and3A_842 = arith.andi %gather3A_830, %and3A_841 : vector<16xi32>
      %bitcast3A_843 = vector.bitcast %and3A_842 : vector<16xi32> to vector<16xf32>
      %shift_left3A_844 = arith.constant 16 : i32
      %shift_left3A_845 = vector.broadcast %shift_left3A_844 : i32 to vector<16xi32>
      %shift_left3A_846 = arith.shli %gather3A_835, %shift_left3A_845 : vector<16xi32>
      %bitcast3A_847 = vector.bitcast %shift_left3A_846 : vector<16xi32> to vector<16xf32>
      %and3A_848 = arith.constant -65536 : i32
      %and3A_849 = vector.broadcast %and3A_848 : i32 to vector<16xi32>
      %and3A_850 = arith.andi %gather3A_835, %and3A_849 : vector<16xi32>
      %bitcast3A_851 = vector.bitcast %and3A_850 : vector<16xi32> to vector<16xf32>
      %add3A_852 = arith.addf %add3A_820, %bitcast3A_839 : vector<16xf32>
      %add3A_853 = arith.addf %add3A_821, %bitcast3A_843 : vector<16xf32>
      %add3A_854 = arith.addf %add3A_822, %bitcast3A_847 : vector<16xf32>
      %add3A_855 = arith.addf %add3A_823, %bitcast3A_851 : vector<16xf32>
      %scan3A_856 = arith.constant 75 : i32
      %scan3A_857 = arith.addi %scan3A_755, %scan3A_856 : i32
      %mul3A_858 = arith.constant 32 : i32
      %mul3A_859 = arith.muli %mul3A_858, %scan3A_857 : i32
      %get3A_860 = arith.index_cast %mul3A_859 : i32 to index
      %get3A_861 = tpu.vector_load %arg8[%get3A_860] {strides = array<i32>} : memref<2528xi32, #tpu.memory_space<vmem>>, vector<16xi32>,
      %gather3A_862 = tpu.vector_load_idx %arg5[%get3A_861] : memref<100000xi32, #tpu.memory_space<vmem>>[vector<16xi32>], vector<16xi32>,
      %add3A_863 = arith.constant 16 : i32
      %add3A_864 = arith.addi %mul3A_859, %add3A_863 : i32
      %get3A_865 = arith.index_cast %add3A_864 : i32 to index
      %get3A_866 = tpu.vector_load %arg8[%get3A_865] {strides = array<i32>} : memref<2528xi32, #tpu.memory_space<vmem>>, vector<16xi32>,
      %gather3A_867 = tpu.vector_load_idx %arg5[%get3A_866] : memref<100000xi32, #tpu.memory_space<vmem>>[vector<16xi32>], vector<16xi32>,
      %shift_left3A_868 = arith.constant 16 : i32
      %shift_left3A_869 = vector.broadcast %shift_left3A_868 : i32 to vector<16xi32>
      %shift_left3A_870 = arith.shli %gather3A_862, %shift_left3A_869 : vector<16xi32>
      %bitcast3A_871 = vector.bitcast %shift_left3A_870 : vector<16xi32> to vector<16xf32>
      %and3A_872 = arith.constant -65536 : i32
      %and3A_873 = vector.broadcast %and3A_872 : i32 to vector<16xi32>
      %and3A_874 = arith.andi %gather3A_862, %and3A_873 : vector<16xi32>
      %bitcast3A_875 = vector.bitcast %and3A_874 : vector<16xi32> to vector<16xf32>
      %shift_left3A_876 = arith.constant 16 : i32
      %shift_left3A_877 = vector.broadcast %shift_left3A_876 : i32 to vector<16xi32>
      %shift_left3A_878 = arith.shli %gather3A_867, %shift_left3A_877 : vector<16xi32>
      %bitcast3A_879 = vector.bitcast %shift_left3A_878 : vector<16xi32> to vector<16xf32>
      %and3A_880 = arith.constant -65536 : i32
      %and3A_881 = vector.broadcast %and3A_880 : i32 to vector<16xi32>
      %and3A_882 = arith.andi %gather3A_867, %and3A_881 : vector<16xi32>
      %bitcast3A_883 = vector.bitcast %and3A_882 : vector<16xi32> to vector<16xf32>
      %add3A_884 = arith.addf %add3A_852, %bitcast3A_871 : vector<16xf32>
      %add3A_885 = arith.addf %add3A_853, %bitcast3A_875 : vector<16xf32>
      %add3A_886 = arith.addf %add3A_854, %bitcast3A_879 : vector<16xf32>
      %add3A_887 = arith.addf %add3A_855, %bitcast3A_883 : vector<16xf32>
      %scan3A_888 = arith.constant 76 : i32
      %scan3A_889 = arith.addi %scan3A_755, %scan3A_888 : i32
      %mul3A_890 = arith.constant 32 : i32
      %mul3A_891 = arith.muli %mul3A_890, %scan3A_889 : i32
      %get3A_892 = arith.index_cast %mul3A_891 : i32 to index
      %get3A_893 = tpu.vector_load %arg8[%get3A_892] {strides = array<i32>} : memref<2528xi32, #tpu.memory_space<vmem>>, vector<16xi32>,
      %gather3A_894 = tpu.vector_load_idx %arg5[%get3A_893] : memref<100000xi32, #tpu.memory_space<vmem>>[vector<16xi32>], vector<16xi32>,
      %add3A_895 = arith.constant 16 : i32
      %add3A_896 = arith.addi %mul3A_891, %add3A_895 : i32
      %get3A_897 = arith.index_cast %add3A_896 : i32 to index
      %get3A_898 = tpu.vector_load %arg8[%get3A_897] {strides = array<i32>} : memref<2528xi32, #tpu.memory_space<vmem>>, vector<16xi32>,
      %gather3A_899 = tpu.vector_load_idx %arg5[%get3A_898] : memref<100000xi32, #tpu.memory_space<vmem>>[vector<16xi32>], vector<16xi32>,
      %shift_left3A_900 = arith.constant 16 : i32
      %shift_left3A_901 = vector.broadcast %shift_left3A_900 : i32 to vector<16xi32>
      %shift_left3A_902 = arith.shli %gather3A_894, %shift_left3A_901 : vector<16xi32>
      %bitcast3A_903 = vector.bitcast %shift_left3A_902 : vector<16xi32> to vector<16xf32>
      %and3A_904 = arith.constant -65536 : i32
      %and3A_905 = vector.broadcast %and3A_904 : i32 to vector<16xi32>
      %and3A_906 = arith.andi %gather3A_894, %and3A_905 : vector<16xi32>
      %bitcast3A_907 = vector.bitcast %and3A_906 : vector<16xi32> to vector<16xf32>
      %shift_left3A_908 = arith.constant 16 : i32
      %shift_left3A_909 = vector.broadcast %shift_left3A_908 : i32 to vector<16xi32>
      %shift_left3A_910 = arith.shli %gather3A_899, %shift_left3A_909 : vector<16xi32>
      %bitcast3A_911 = vector.bitcast %shift_left3A_910 : vector<16xi32> to vector<16xf32>
      %and3A_912 = arith.constant -65536 : i32
      %and3A_913 = vector.broadcast %and3A_912 : i32 to vector<16xi32>
      %and3A_914 = arith.andi %gather3A_899, %and3A_913 : vector<16xi32>
      %bitcast3A_915 = vector.bitcast %and3A_914 : vector<16xi32> to vector<16xf32>
      %add3A_916 = arith.addf %add3A_884, %bitcast3A_903 : vector<16xf32>
      %add3A_917 = arith.addf %add3A_885, %bitcast3A_907 : vector<16xf32>
      %add3A_918 = arith.addf %add3A_886, %bitcast3A_911 : vector<16xf32>
      %add3A_919 = arith.addf %add3A_887, %bitcast3A_915 : vector<16xf32>
      %scan3A_920 = arith.constant 77 : i32
      %scan3A_921 = arith.addi %scan3A_755, %scan3A_920 : i32
      %mul3A_922 = arith.constant 32 : i32
      %mul3A_923 = arith.muli %mul3A_922, %scan3A_921 : i32
      %get3A_924 = arith.index_cast %mul3A_923 : i32 to index
      %get3A_925 = tpu.vector_load %arg8[%get3A_924] {strides = array<i32>} : memref<2528xi32, #tpu.memory_space<vmem>>, vector<16xi32>,
      %gather3A_926 = tpu.vector_load_idx %arg5[%get3A_925] : memref<100000xi32, #tpu.memory_space<vmem>>[vector<16xi32>], vector<16xi32>,
      %add3A_927 = arith.constant 16 : i32
      %add3A_928 = arith.addi %mul3A_923, %add3A_927 : i32
      %get3A_929 = arith.index_cast %add3A_928 : i32 to index
      %get3A_930 = tpu.vector_load %arg8[%get3A_929] {strides = array<i32>} : memref<2528xi32, #tpu.memory_space<vmem>>, vector<16xi32>,
      %gather3A_931 = tpu.vector_load_idx %arg5[%get3A_930] : memref<100000xi32, #tpu.memory_space<vmem>>[vector<16xi32>], vector<16xi32>,
      %shift_left3A_932 = arith.constant 16 : i32
      %shift_left3A_933 = vector.broadcast %shift_left3A_932 : i32 to vector<16xi32>
      %shift_left3A_934 = arith.shli %gather3A_926, %shift_left3A_933 : vector<16xi32>
      %bitcast3A_935 = vector.bitcast %shift_left3A_934 : vector<16xi32> to vector<16xf32>
      %and3A_936 = arith.constant -65536 : i32
      %and3A_937 = vector.broadcast %and3A_936 : i32 to vector<16xi32>
      %and3A_938 = arith.andi %gather3A_926, %and3A_937 : vector<16xi32>
      %bitcast3A_939 = vector.bitcast %and3A_938 : vector<16xi32> to vector<16xf32>
      %shift_left3A_940 = arith.constant 16 : i32
      %shift_left3A_941 = vector.broadcast %shift_left3A_940 : i32 to vector<16xi32>
      %shift_left3A_942 = arith.shli %gather3A_931, %shift_left3A_941 : vector<16xi32>
      %bitcast3A_943 = vector.bitcast %shift_left3A_942 : vector<16xi32> to vector<16xf32>
      %and3A_944 = arith.constant -65536 : i32
      %and3A_945 = vector.broadcast %and3A_944 : i32 to vector<16xi32>
      %and3A_946 = arith.andi %gather3A_931, %and3A_945 : vector<16xi32>
      %bitcast3A_947 = vector.bitcast %and3A_946 : vector<16xi32> to vector<16xf32>
      %add3A_948 = arith.addf %add3A_916, %bitcast3A_935 : vector<16xf32>
      %add3A_949 = arith.addf %add3A_917, %bitcast3A_939 : vector<16xf32>
      %add3A_950 = arith.addf %add3A_918, %bitcast3A_943 : vector<16xf32>
      %add3A_951 = arith.addf %add3A_919, %bitcast3A_947 : vector<16xf32>
      %scan3A_952 = arith.constant 78 : i32
      %scan3A_953 = arith.addi %scan3A_755, %scan3A_952 : i32
      %mul3A_954 = arith.constant 32 : i32
      %mul3A_955 = arith.muli %mul3A_954, %scan3A_953 : i32
      %get3A_956 = arith.index_cast %mul3A_955 : i32 to index
      %get3A_957 = tpu.vector_load %arg8[%get3A_956] {strides = array<i32>} : memref<2528xi32, #tpu.memory_space<vmem>>, vector<16xi32>,
      %gather3A_958 = tpu.vector_load_idx %arg5[%get3A_957] : memref<100000xi32, #tpu.memory_space<vmem>>[vector<16xi32>], vector<16xi32>,
      %add3A_959 = arith.constant 16 : i32
      %add3A_960 = arith.addi %mul3A_955, %add3A_959 : i32
      %get3A_961 = arith.index_cast %add3A_960 : i32 to index
      %get3A_962 = tpu.vector_load %arg8[%get3A_961] {strides = array<i32>} : memref<2528xi32, #tpu.memory_space<vmem>>, vector<16xi32>,
      %gather3A_963 = tpu.vector_load_idx %arg5[%get3A_962] : memref<100000xi32, #tpu.memory_space<vmem>>[vector<16xi32>], vector<16xi32>,
      %shift_left3A_964 = arith.constant 16 : i32
      %shift_left3A_965 = vector.broadcast %shift_left3A_964 : i32 to vector<16xi32>
      %shift_left3A_966 = arith.shli %gather3A_958, %shift_left3A_965 : vector<16xi32>
      %bitcast3A_967 = vector.bitcast %shift_left3A_966 : vector<16xi32> to vector<16xf32>
      %and3A_968 = arith.constant -65536 : i32
      %and3A_969 = vector.broadcast %and3A_968 : i32 to vector<16xi32>
      %and3A_970 = arith.andi %gather3A_958, %and3A_969 : vector<16xi32>
      %bitcast3A_971 = vector.bitcast %and3A_970 : vector<16xi32> to vector<16xf32>
      %shift_left3A_972 = arith.constant 16 : i32
      %shift_left3A_973 = vector.broadcast %shift_left3A_972 : i32 to vector<16xi32>
      %shift_left3A_974 = arith.shli %gather3A_963, %shift_left3A_973 : vector<16xi32>
      %bitcast3A_975 = vector.bitcast %shift_left3A_974 : vector<16xi32> to vector<16xf32>
      %and3A_976 = arith.constant -65536 : i32
      %and3A_977 = vector.broadcast %and3A_976 : i32 to vector<16xi32>
      %and3A_978 = arith.andi %gather3A_963, %and3A_977 : vector<16xi32>
      %bitcast3A_979 = vector.bitcast %and3A_978 : vector<16xi32> to vector<16xf32>
      %add3A_980 = arith.addf %add3A_948, %bitcast3A_967 : vector<16xf32>
      %add3A_981 = arith.addf %add3A_949, %bitcast3A_971 : vector<16xf32>
      %add3A_982 = arith.addf %add3A_950, %bitcast3A_975 : vector<16xf32>
      %add3A_983 = arith.addf %add3A_951, %bitcast3A_979 : vector<16xf32>
      %scan3A_984 = arith.constant 79 : i32
      %add3A_985 = arith.addf %add3A_980, %add3A_982 : vector<16xf32>
      %add3A_986 = arith.addf %add3A_981, %add3A_983 : vector<16xf32>
      %jit3A_987 = arith.constant 16 : i32
      %eq3A_988 = arith.constant 0 : i32
      %eq3A_989 = arith.cmpi eq, %jit3A_987, %eq3A_988 : i32
      %jit3A_990 = arith.constant 1 : i32
      %select_n3A_991 = arith.select %eq3A_989, %jit3A_990, %jit3A_987 : i32
      %rem3A_992 = arith.remsi %add3A_736, %select_n3A_991 : i32
      %ne3A_993 = arith.constant 0 : i32
      %ne3A_994 = arith.cmpi ne, %rem3A_992, %ne3A_993 : i32
      %lt3A_995 = arith.constant 0 : i32
      %lt3A_996 = arith.cmpi slt, %rem3A_992, %lt3A_995 : i32
      %lt3A_997 = arith.constant 0 : i32
      %lt3A_998 = arith.cmpi slt, %select_n3A_991, %lt3A_997 : i32
      %ne3A_999 = arith.xori %lt3A_996, %lt3A_998 : i1
      %and3A_1000 = arith.andi %ne3A_999, %ne3A_994 : i1
      %add3A_1001 = arith.addi %rem3A_992, %select_n3A_991 : i32
      %select_n3A_1002 = arith.select %and3A_1000, %add3A_1001, %rem3A_992 : i32
      %eq3A_1003 = vector.broadcast %select_n3A_1002 : i32 to vector<16xi32>
      %eq3A_1004 = arith.cmpi eq, %iota3A, %eq3A_1003 : vector<16xi32>
      %reduce_sum3A_1005 = arith.constant true
      %reduce_sum3A_1006 = vector.broadcast %reduce_sum3A_1005 : i1 to vector<16xi1>
      %reduce_sum3A_1007 = tpu.scan <sum>, %add3A_985 masked %reduce_sum3A_1006 : vector<16xf32>, vector<16xi1> -> vector<16xf32>
      %reduce_sum3A_1008 = vector.extract %reduce_sum3A_1007[15] : f32 from vector<16xf32>
      %sub3A_1009 = arith.subf %reduce_sum3A_1008, %mul3A_57 : f32
      %mul3A_1010 = arith.constant 4.000000e-04 : f32
      %mul3A_1011 = arith.mulf %sub3A_1009, %mul3A_1010 : f32
      %broadcast_in_dim3A_1012 = vector.broadcast %mul3A_1011 : f32 to vector<16xf32>
      %select_n3A_1013 = arith.select %eq3A_1004, %broadcast_in_dim3A_1012, %select_n3A_702 : vector<16xi1>, vector<16xf32>
      %reduce_sum3A_1014 = arith.constant true
      %reduce_sum3A_1015 = vector.broadcast %reduce_sum3A_1014 : i1 to vector<16xi1>
      %reduce_sum3A_1016 = tpu.scan <sum>, %add3A_986 masked %reduce_sum3A_1015 : vector<16xf32>, vector<16xi1> -> vector<16xf32>
      %reduce_sum3A_1017 = vector.extract %reduce_sum3A_1016[15] : f32 from vector<16xf32>
      %sub3A_1018 = arith.subf %reduce_sum3A_1017, %mul3A_67 : f32
      %mul3A_1019 = arith.constant 4.000000e-04 : f32
      %mul3A_1020 = arith.mulf %sub3A_1018, %mul3A_1019 : f32
      %broadcast_in_dim3A_1021 = vector.broadcast %mul3A_1020 : f32 to vector<16xf32>
      %select_n3A_1022 = arith.select %eq3A_1004, %broadcast_in_dim3A_1021, %select_n3A_711 : vector<16xi1>, vector<16xf32>
      %jit3A_1023 = arith.constant 16 : i32
      %eq3A_1024 = arith.constant 0 : i32
      %eq3A_1025 = arith.cmpi eq, %jit3A_1023, %eq3A_1024 : i32
      %jit3A_1026 = arith.constant 1 : i32
      %select_n3A_1027 = arith.select %eq3A_1025, %jit3A_1026, %jit3A_1023 : i32
      %rem3A_1028 = arith.remsi %add3A_736, %select_n3A_1027 : i32
      %ne3A_1029 = arith.constant 0 : i32
      %ne3A_1030 = arith.cmpi ne, %rem3A_1028, %ne3A_1029 : i32
      %lt3A_1031 = arith.constant 0 : i32
      %lt3A_1032 = arith.cmpi slt, %rem3A_1028, %lt3A_1031 : i32
      %lt3A_1033 = arith.constant 0 : i32
      %lt3A_1034 = arith.cmpi slt, %select_n3A_1027, %lt3A_1033 : i32
      %ne3A_1035 = arith.xori %lt3A_1032, %lt3A_1034 : i1
      %and3A_1036 = arith.andi %ne3A_1035, %ne3A_1030 : i1
      %add3A_1037 = arith.addi %rem3A_1028, %select_n3A_1027 : i32
      %select_n3A_1038 = arith.select %and3A_1036, %add3A_1037, %rem3A_1028 : i32
      %eq3A_1039 = arith.constant 15 : i32
      %eq3A_1040 = arith.cmpi eq, %select_n3A_1038, %eq3A_1039 : i32
      %convert_element_type3A_1041 = arith.extui %eq3A_1040 : i1 to i32
      %cond3A_1042 = arith.constant 0 : i32
      %cond3A_1043 = arith.cmpi ne, %convert_element_type3A_1041, %cond3A_1042 : i32
      scf.if %cond3A_1043 {
        %sub3A_1355 = arith.constant 15 : i32
        %sub3A_1356 = arith.subi %add3A_736, %sub3A_1355 : i32
        %swap3A_1357 = arith.constant 0 : i32
        %swap3A_1358 = arith.index_cast %swap3A_1357 : i32 to index
        %swap3A_1359 = arith.index_cast %sub3A_1356 : i32 to index
        %swap3A_1360 = tpu.vector_load %arg10[%swap3A_1358, %swap3A_1359] {strides = array<i32>} : memref<2x256xf32, #tpu.memory_space<vmem>>, vector<16xf32>,
        tpu.vector_store %arg10[%swap3A_1358, %swap3A_1359], %select_n3A_1013 {strides = array<i32>} : memref<2x256xf32, #tpu.memory_space<vmem>>, vector<16xf32>,
        %sub3A_1361 = arith.constant 15 : i32
        %sub3A_1362 = arith.subi %add3A_736, %sub3A_1361 : i32
        %swap3A_1363 = arith.constant 1 : i32
        %swap3A_1364 = arith.index_cast %swap3A_1363 : i32 to index
        %swap3A_1365 = arith.index_cast %sub3A_1362 : i32 to index
        %swap3A_1366 = tpu.vector_load %arg10[%swap3A_1364, %swap3A_1365] {strides = array<i32>} : memref<2x256xf32, #tpu.memory_space<vmem>>, vector<16xf32>,
        tpu.vector_store %arg10[%swap3A_1364, %swap3A_1365], %select_n3A_1022 {strides = array<i32>} : memref<2x256xf32, #tpu.memory_space<vmem>>, vector<16xf32>,
      } else {
      }
      %mul3A_1044 = arith.constant 4 : i32
      %mul3A_1045 = arith.muli %mul3A_1044, %scan3A_112 : i32
      %add3A_1046 = arith.constant 3 : i32
      %add3A_1047 = arith.addi %mul3A_1045, %add3A_1046 : i32
      %add3A_1048 = arith.constant 3 : i32
      %add3A_1049 = arith.addi %add3A_1047, %add3A_1048 : i32
      %lt3A_1050 = arith.constant 256 : i32
      %lt3A_1051 = arith.cmpi slt, %add3A_1049, %lt3A_1050 : i32
      %convert_element_type3A_1052 = arith.extui %lt3A_1051 : i1 to i32
      %cond3A_1053 = arith.constant 0 : i32
      %cond3A_1054 = arith.cmpi ne, %convert_element_type3A_1052, %cond3A_1053 : i32
      scf.if %cond3A_1054 {
        %add3A_1355 = arith.constant 3 : i32
        %add3A_1356 = arith.addi %add3A_1047, %add3A_1355 : i32
        %add3A_1357 = arith.addi %mul3A_32, %add3A_1356 : i32
        %dma_start3A_1358 = arith.constant 0 : i32
        %dma_start3A_1359 = tpu.memref_slice %arg8[%dma_start3A_1358] : memref<2528xi32, #tpu.memory_space<vmem>> -> memref<2500xi32, #tpu.memory_space<vmem>>
        %dma_start3A_1360 = arith.constant 0 : i32
        %dma_start3A_1361 = tpu.memref_slice %arg2[%add3A_1357, %dma_start3A_1360] : memref<1024x2500xi32, #tpu.memory_space<hbm>> -> memref<1x2500xi32, #tpu.memory_space<hbm>>
        %dma_start3A_1362 = tpu.memref_squeeze %dma_start3A_1361 : memref<1x2500xi32, #tpu.memory_space<hbm>> -> memref<2500xi32, #tpu.memory_space<hbm>>
        %dma_start3A_1363 = arith.constant 0 : i32
        %dma_start3A_1364 = tpu.memref_slice %arg8[%dma_start3A_1363] : memref<2528xi32, #tpu.memory_space<vmem>> -> memref<2500xi32, #tpu.memory_space<vmem>>
        %dma_start3A_1365 = arith.constant 0 : i32
        %dma_start3A_1366 = tpu.memref_slice %arg2[%add3A_1357, %dma_start3A_1365] : memref<1024x2500xi32, #tpu.memory_space<hbm>> -> memref<1x2500xi32, #tpu.memory_space<hbm>>
        %dma_start3A_1367 = tpu.memref_squeeze %dma_start3A_1366 : memref<1x2500xi32, #tpu.memory_space<hbm>> -> memref<2500xi32, #tpu.memory_space<hbm>>
        tpu.enqueue_dma source(%dma_start3A_1367 : memref<2500xi32, #tpu.memory_space<hbm>>) target(%dma_start3A_1364 : memref<2500xi32, #tpu.memory_space<vmem>>) target_semaphore(%arg11 : memref<!tpu.dma_semaphore, #tpu.memory_space<semaphore_mem>>)
      } else {
      }
      %dma_wait3A_1055 = arith.constant 0 : i32
      %dma_wait3A_1056 = arith.constant 0 : i32
      %dma_wait3A_1057 = tpu.memref_slice %arg9[%dma_wait3A_1056] : memref<2528xi32, #tpu.memory_space<vmem>> -> memref<2500xi32, #tpu.memory_space<vmem>>
      %dma_wait3A_1058 = arith.constant 0 : i32
      %dma_wait3A_1059 = tpu.memref_slice %arg2[%dma_wait3A_1055, %dma_wait3A_1058] : memref<1024x2500xi32, #tpu.memory_space<hbm>> -> memref<1x2500xi32, #tpu.memory_space<hbm>>
      %dma_wait3A_1060 = tpu.memref_squeeze %dma_wait3A_1059 : memref<1x2500xi32, #tpu.memory_space<hbm>> -> memref<2500xi32, #tpu.memory_space<hbm>>
      %dma_wait3A_1061 = arith.constant 0 : i32
      %dma_wait3A_1062 = tpu.memref_slice %arg9[%dma_wait3A_1061] : memref<2528xi32, #tpu.memory_space<vmem>> -> memref<2500xi32, #tpu.memory_space<vmem>>
      %dma_wait3A_1063 = arith.constant 0 : i32
      %dma_wait3A_1064 = tpu.memref_slice %arg2[%dma_wait3A_1055, %dma_wait3A_1063] : memref<1024x2500xi32, #tpu.memory_space<hbm>> -> memref<1x2500xi32, #tpu.memory_space<hbm>>
      %dma_wait3A_1065 = tpu.memref_squeeze %dma_wait3A_1064 : memref<1x2500xi32, #tpu.memory_space<hbm>> -> memref<2500xi32, #tpu.memory_space<hbm>>
      tpu.wait_dma2 semaphore(%arg11 : memref<!tpu.dma_semaphore, #tpu.memory_space<semaphore_mem>>) src(%dma_wait3A_1065 : memref<2500xi32, #tpu.memory_space<hbm>>) dst(%dma_wait3A_1062 : memref<2500xi32, #tpu.memory_space<vmem>>)
      %scan3A_1066 = arith.constant 0 : i32
      %scan3A_1067 = arith.constant 72 : i32
      %scan3A_1068 = arith.addi %scan3A_1066, %scan3A_1067 : i32
      %scan3A_1069 = arith.constant 8 : i32
      %scan3A_1070:4 = scf.for %scan3A_1355 = %scan3A_1066 to %scan3A_1068 step %scan3A_1069 iter_args(%scan3A_1356 = %broadcast_in_dim3A_33, %scan3A_1357 = %broadcast_in_dim3A_33, %scan3A_1358 = %broadcast_in_dim3A_33, %scan3A_1359 = %broadcast_in_dim3A_33) -> (vector<16xf32>, vector<16xf32>, vector<16xf32>, vector<16xf32>)  : i32 {
        %mul3A_1360 = arith.constant 32 : i32
        %mul3A_1361 = arith.muli %mul3A_1360, %scan3A_1355 : i32
        %get3A_1362 = arith.index_cast %mul3A_1361 : i32 to index
        %get3A_1363 = tpu.vector_load %arg9[%get3A_1362] {strides = array<i32>} : memref<2528xi32, #tpu.memory_space<vmem>>, vector<16xi32>,
        %gather3A_1364 = tpu.vector_load_idx %arg5[%get3A_1363] : memref<100000xi32, #tpu.memory_space<vmem>>[vector<16xi32>], vector<16xi32>,
        %add3A_1365 = arith.constant 16 : i32
        %add3A_1366 = arith.addi %mul3A_1361, %add3A_1365 : i32
        %get3A_1367 = arith.index_cast %add3A_1366 : i32 to index
        %get3A_1368 = tpu.vector_load %arg9[%get3A_1367] {strides = array<i32>} : memref<2528xi32, #tpu.memory_space<vmem>>, vector<16xi32>,
        %gather3A_1369 = tpu.vector_load_idx %arg5[%get3A_1368] : memref<100000xi32, #tpu.memory_space<vmem>>[vector<16xi32>], vector<16xi32>,
        %shift_left3A_1370 = arith.constant 16 : i32
        %shift_left3A_1371 = vector.broadcast %shift_left3A_1370 : i32 to vector<16xi32>
        %shift_left3A_1372 = arith.shli %gather3A_1364, %shift_left3A_1371 : vector<16xi32>
        %bitcast3A_1373 = vector.bitcast %shift_left3A_1372 : vector<16xi32> to vector<16xf32>
        %and3A_1374 = arith.constant -65536 : i32
        %and3A_1375 = vector.broadcast %and3A_1374 : i32 to vector<16xi32>
        %and3A_1376 = arith.andi %gather3A_1364, %and3A_1375 : vector<16xi32>
        %bitcast3A_1377 = vector.bitcast %and3A_1376 : vector<16xi32> to vector<16xf32>
        %shift_left3A_1378 = arith.constant 16 : i32
        %shift_left3A_1379 = vector.broadcast %shift_left3A_1378 : i32 to vector<16xi32>
        %shift_left3A_1380 = arith.shli %gather3A_1369, %shift_left3A_1379 : vector<16xi32>
        %bitcast3A_1381 = vector.bitcast %shift_left3A_1380 : vector<16xi32> to vector<16xf32>
        %and3A_1382 = arith.constant -65536 : i32
        %and3A_1383 = vector.broadcast %and3A_1382 : i32 to vector<16xi32>
        %and3A_1384 = arith.andi %gather3A_1369, %and3A_1383 : vector<16xi32>
        %bitcast3A_1385 = vector.bitcast %and3A_1384 : vector<16xi32> to vector<16xf32>
        %add3A_1386 = arith.addf %scan3A_1356, %bitcast3A_1373 : vector<16xf32>
        %add3A_1387 = arith.addf %scan3A_1357, %bitcast3A_1377 : vector<16xf32>
        %add3A_1388 = arith.addf %scan3A_1358, %bitcast3A_1381 : vector<16xf32>
        %add3A_1389 = arith.addf %scan3A_1359, %bitcast3A_1385 : vector<16xf32>
        %scan3A_1390 = arith.constant 1 : i32
        %scan3A_1391 = arith.addi %scan3A_1355, %scan3A_1390 : i32
        %mul3A_1392 = arith.constant 32 : i32
        %mul3A_1393 = arith.muli %mul3A_1392, %scan3A_1391 : i32
        %get3A_1394 = arith.index_cast %mul3A_1393 : i32 to index
        %get3A_1395 = tpu.vector_load %arg9[%get3A_1394] {strides = array<i32>} : memref<2528xi32, #tpu.memory_space<vmem>>, vector<16xi32>,
        %gather3A_1396 = tpu.vector_load_idx %arg5[%get3A_1395] : memref<100000xi32, #tpu.memory_space<vmem>>[vector<16xi32>], vector<16xi32>,
        %add3A_1397 = arith.constant 16 : i32
        %add3A_1398 = arith.addi %mul3A_1393, %add3A_1397 : i32
        %get3A_1399 = arith.index_cast %add3A_1398 : i32 to index
        %get3A_1400 = tpu.vector_load %arg9[%get3A_1399] {strides = array<i32>} : memref<2528xi32, #tpu.memory_space<vmem>>, vector<16xi32>,
        %gather3A_1401 = tpu.vector_load_idx %arg5[%get3A_1400] : memref<100000xi32, #tpu.memory_space<vmem>>[vector<16xi32>], vector<16xi32>,
        %shift_left3A_1402 = arith.constant 16 : i32
        %shift_left3A_1403 = vector.broadcast %shift_left3A_1402 : i32 to vector<16xi32>
        %shift_left3A_1404 = arith.shli %gather3A_1396, %shift_left3A_1403 : vector<16xi32>
        %bitcast3A_1405 = vector.bitcast %shift_left3A_1404 : vector<16xi32> to vector<16xf32>
        %and3A_1406 = arith.constant -65536 : i32
        %and3A_1407 = vector.broadcast %and3A_1406 : i32 to vector<16xi32>
        %and3A_1408 = arith.andi %gather3A_1396, %and3A_1407 : vector<16xi32>
        %bitcast3A_1409 = vector.bitcast %and3A_1408 : vector<16xi32> to vector<16xf32>
        %shift_left3A_1410 = arith.constant 16 : i32
        %shift_left3A_1411 = vector.broadcast %shift_left3A_1410 : i32 to vector<16xi32>
        %shift_left3A_1412 = arith.shli %gather3A_1401, %shift_left3A_1411 : vector<16xi32>
        %bitcast3A_1413 = vector.bitcast %shift_left3A_1412 : vector<16xi32> to vector<16xf32>
        %and3A_1414 = arith.constant -65536 : i32
        %and3A_1415 = vector.broadcast %and3A_1414 : i32 to vector<16xi32>
        %and3A_1416 = arith.andi %gather3A_1401, %and3A_1415 : vector<16xi32>
        %bitcast3A_1417 = vector.bitcast %and3A_1416 : vector<16xi32> to vector<16xf32>
        %add3A_1418 = arith.addf %add3A_1386, %bitcast3A_1405 : vector<16xf32>
        %add3A_1419 = arith.addf %add3A_1387, %bitcast3A_1409 : vector<16xf32>
        %add3A_1420 = arith.addf %add3A_1388, %bitcast3A_1413 : vector<16xf32>
        %add3A_1421 = arith.addf %add3A_1389, %bitcast3A_1417 : vector<16xf32>
        %scan3A_1422 = arith.constant 2 : i32
        %scan3A_1423 = arith.addi %scan3A_1355, %scan3A_1422 : i32
        %mul3A_1424 = arith.constant 32 : i32
        %mul3A_1425 = arith.muli %mul3A_1424, %scan3A_1423 : i32
        %get3A_1426 = arith.index_cast %mul3A_1425 : i32 to index
        %get3A_1427 = tpu.vector_load %arg9[%get3A_1426] {strides = array<i32>} : memref<2528xi32, #tpu.memory_space<vmem>>, vector<16xi32>,
        %gather3A_1428 = tpu.vector_load_idx %arg5[%get3A_1427] : memref<100000xi32, #tpu.memory_space<vmem>>[vector<16xi32>], vector<16xi32>,
        %add3A_1429 = arith.constant 16 : i32
        %add3A_1430 = arith.addi %mul3A_1425, %add3A_1429 : i32
        %get3A_1431 = arith.index_cast %add3A_1430 : i32 to index
        %get3A_1432 = tpu.vector_load %arg9[%get3A_1431] {strides = array<i32>} : memref<2528xi32, #tpu.memory_space<vmem>>, vector<16xi32>,
        %gather3A_1433 = tpu.vector_load_idx %arg5[%get3A_1432] : memref<100000xi32, #tpu.memory_space<vmem>>[vector<16xi32>], vector<16xi32>,
        %shift_left3A_1434 = arith.constant 16 : i32
        %shift_left3A_1435 = vector.broadcast %shift_left3A_1434 : i32 to vector<16xi32>
        %shift_left3A_1436 = arith.shli %gather3A_1428, %shift_left3A_1435 : vector<16xi32>
        %bitcast3A_1437 = vector.bitcast %shift_left3A_1436 : vector<16xi32> to vector<16xf32>
        %and3A_1438 = arith.constant -65536 : i32
        %and3A_1439 = vector.broadcast %and3A_1438 : i32 to vector<16xi32>
        %and3A_1440 = arith.andi %gather3A_1428, %and3A_1439 : vector<16xi32>
        %bitcast3A_1441 = vector.bitcast %and3A_1440 : vector<16xi32> to vector<16xf32>
        %shift_left3A_1442 = arith.constant 16 : i32
        %shift_left3A_1443 = vector.broadcast %shift_left3A_1442 : i32 to vector<16xi32>
        %shift_left3A_1444 = arith.shli %gather3A_1433, %shift_left3A_1443 : vector<16xi32>
        %bitcast3A_1445 = vector.bitcast %shift_left3A_1444 : vector<16xi32> to vector<16xf32>
        %and3A_1446 = arith.constant -65536 : i32
        %and3A_1447 = vector.broadcast %and3A_1446 : i32 to vector<16xi32>
        %and3A_1448 = arith.andi %gather3A_1433, %and3A_1447 : vector<16xi32>
        %bitcast3A_1449 = vector.bitcast %and3A_1448 : vector<16xi32> to vector<16xf32>
        %add3A_1450 = arith.addf %add3A_1418, %bitcast3A_1437 : vector<16xf32>
        %add3A_1451 = arith.addf %add3A_1419, %bitcast3A_1441 : vector<16xf32>
        %add3A_1452 = arith.addf %add3A_1420, %bitcast3A_1445 : vector<16xf32>
        %add3A_1453 = arith.addf %add3A_1421, %bitcast3A_1449 : vector<16xf32>
        %scan3A_1454 = arith.constant 3 : i32
        %scan3A_1455 = arith.addi %scan3A_1355, %scan3A_1454 : i32
        %mul3A_1456 = arith.constant 32 : i32
        %mul3A_1457 = arith.muli %mul3A_1456, %scan3A_1455 : i32
        %get3A_1458 = arith.index_cast %mul3A_1457 : i32 to index
        %get3A_1459 = tpu.vector_load %arg9[%get3A_1458] {strides = array<i32>} : memref<2528xi32, #tpu.memory_space<vmem>>, vector<16xi32>,
        %gather3A_1460 = tpu.vector_load_idx %arg5[%get3A_1459] : memref<100000xi32, #tpu.memory_space<vmem>>[vector<16xi32>], vector<16xi32>,
        %add3A_1461 = arith.constant 16 : i32
        %add3A_1462 = arith.addi %mul3A_1457, %add3A_1461 : i32
        %get3A_1463 = arith.index_cast %add3A_1462 : i32 to index
        %get3A_1464 = tpu.vector_load %arg9[%get3A_1463] {strides = array<i32>} : memref<2528xi32, #tpu.memory_space<vmem>>, vector<16xi32>,
        %gather3A_1465 = tpu.vector_load_idx %arg5[%get3A_1464] : memref<100000xi32, #tpu.memory_space<vmem>>[vector<16xi32>], vector<16xi32>,
        %shift_left3A_1466 = arith.constant 16 : i32
        %shift_left3A_1467 = vector.broadcast %shift_left3A_1466 : i32 to vector<16xi32>
        %shift_left3A_1468 = arith.shli %gather3A_1460, %shift_left3A_1467 : vector<16xi32>
        %bitcast3A_1469 = vector.bitcast %shift_left3A_1468 : vector<16xi32> to vector<16xf32>
        %and3A_1470 = arith.constant -65536 : i32
        %and3A_1471 = vector.broadcast %and3A_1470 : i32 to vector<16xi32>
        %and3A_1472 = arith.andi %gather3A_1460, %and3A_1471 : vector<16xi32>
        %bitcast3A_1473 = vector.bitcast %and3A_1472 : vector<16xi32> to vector<16xf32>
        %shift_left3A_1474 = arith.constant 16 : i32
        %shift_left3A_1475 = vector.broadcast %shift_left3A_1474 : i32 to vector<16xi32>
        %shift_left3A_1476 = arith.shli %gather3A_1465, %shift_left3A_1475 : vector<16xi32>
        %bitcast3A_1477 = vector.bitcast %shift_left3A_1476 : vector<16xi32> to vector<16xf32>
        %and3A_1478 = arith.constant -65536 : i32
        %and3A_1479 = vector.broadcast %and3A_1478 : i32 to vector<16xi32>
        %and3A_1480 = arith.andi %gather3A_1465, %and3A_1479 : vector<16xi32>
        %bitcast3A_1481 = vector.bitcast %and3A_1480 : vector<16xi32> to vector<16xf32>
        %add3A_1482 = arith.addf %add3A_1450, %bitcast3A_1469 : vector<16xf32>
        %add3A_1483 = arith.addf %add3A_1451, %bitcast3A_1473 : vector<16xf32>
        %add3A_1484 = arith.addf %add3A_1452, %bitcast3A_1477 : vector<16xf32>
        %add3A_1485 = arith.addf %add3A_1453, %bitcast3A_1481 : vector<16xf32>
        %scan3A_1486 = arith.constant 4 : i32
        %scan3A_1487 = arith.addi %scan3A_1355, %scan3A_1486 : i32
        %mul3A_1488 = arith.constant 32 : i32
        %mul3A_1489 = arith.muli %mul3A_1488, %scan3A_1487 : i32
        %get3A_1490 = arith.index_cast %mul3A_1489 : i32 to index
        %get3A_1491 = tpu.vector_load %arg9[%get3A_1490] {strides = array<i32>} : memref<2528xi32, #tpu.memory_space<vmem>>, vector<16xi32>,
        %gather3A_1492 = tpu.vector_load_idx %arg5[%get3A_1491] : memref<100000xi32, #tpu.memory_space<vmem>>[vector<16xi32>], vector<16xi32>,
        %add3A_1493 = arith.constant 16 : i32
        %add3A_1494 = arith.addi %mul3A_1489, %add3A_1493 : i32
        %get3A_1495 = arith.index_cast %add3A_1494 : i32 to index
        %get3A_1496 = tpu.vector_load %arg9[%get3A_1495] {strides = array<i32>} : memref<2528xi32, #tpu.memory_space<vmem>>, vector<16xi32>,
        %gather3A_1497 = tpu.vector_load_idx %arg5[%get3A_1496] : memref<100000xi32, #tpu.memory_space<vmem>>[vector<16xi32>], vector<16xi32>,
        %shift_left3A_1498 = arith.constant 16 : i32
        %shift_left3A_1499 = vector.broadcast %shift_left3A_1498 : i32 to vector<16xi32>
        %shift_left3A_1500 = arith.shli %gather3A_1492, %shift_left3A_1499 : vector<16xi32>
        %bitcast3A_1501 = vector.bitcast %shift_left3A_1500 : vector<16xi32> to vector<16xf32>
        %and3A_1502 = arith.constant -65536 : i32
        %and3A_1503 = vector.broadcast %and3A_1502 : i32 to vector<16xi32>
        %and3A_1504 = arith.andi %gather3A_1492, %and3A_1503 : vector<16xi32>
        %bitcast3A_1505 = vector.bitcast %and3A_1504 : vector<16xi32> to vector<16xf32>
        %shift_left3A_1506 = arith.constant 16 : i32
        %shift_left3A_1507 = vector.broadcast %shift_left3A_1506 : i32 to vector<16xi32>
        %shift_left3A_1508 = arith.shli %gather3A_1497, %shift_left3A_1507 : vector<16xi32>
        %bitcast3A_1509 = vector.bitcast %shift_left3A_1508 : vector<16xi32> to vector<16xf32>
        %and3A_1510 = arith.constant -65536 : i32
        %and3A_1511 = vector.broadcast %and3A_1510 : i32 to vector<16xi32>
        %and3A_1512 = arith.andi %gather3A_1497, %and3A_1511 : vector<16xi32>
        %bitcast3A_1513 = vector.bitcast %and3A_1512 : vector<16xi32> to vector<16xf32>
        %add3A_1514 = arith.addf %add3A_1482, %bitcast3A_1501 : vector<16xf32>
        %add3A_1515 = arith.addf %add3A_1483, %bitcast3A_1505 : vector<16xf32>
        %add3A_1516 = arith.addf %add3A_1484, %bitcast3A_1509 : vector<16xf32>
        %add3A_1517 = arith.addf %add3A_1485, %bitcast3A_1513 : vector<16xf32>
        %scan3A_1518 = arith.constant 5 : i32
        %scan3A_1519 = arith.addi %scan3A_1355, %scan3A_1518 : i32
        %mul3A_1520 = arith.constant 32 : i32
        %mul3A_1521 = arith.muli %mul3A_1520, %scan3A_1519 : i32
        %get3A_1522 = arith.index_cast %mul3A_1521 : i32 to index
        %get3A_1523 = tpu.vector_load %arg9[%get3A_1522] {strides = array<i32>} : memref<2528xi32, #tpu.memory_space<vmem>>, vector<16xi32>,
        %gather3A_1524 = tpu.vector_load_idx %arg5[%get3A_1523] : memref<100000xi32, #tpu.memory_space<vmem>>[vector<16xi32>], vector<16xi32>,
        %add3A_1525 = arith.constant 16 : i32
        %add3A_1526 = arith.addi %mul3A_1521, %add3A_1525 : i32
        %get3A_1527 = arith.index_cast %add3A_1526 : i32 to index
        %get3A_1528 = tpu.vector_load %arg9[%get3A_1527] {strides = array<i32>} : memref<2528xi32, #tpu.memory_space<vmem>>, vector<16xi32>,
        %gather3A_1529 = tpu.vector_load_idx %arg5[%get3A_1528] : memref<100000xi32, #tpu.memory_space<vmem>>[vector<16xi32>], vector<16xi32>,
        %shift_left3A_1530 = arith.constant 16 : i32
        %shift_left3A_1531 = vector.broadcast %shift_left3A_1530 : i32 to vector<16xi32>
        %shift_left3A_1532 = arith.shli %gather3A_1524, %shift_left3A_1531 : vector<16xi32>
        %bitcast3A_1533 = vector.bitcast %shift_left3A_1532 : vector<16xi32> to vector<16xf32>
        %and3A_1534 = arith.constant -65536 : i32
        %and3A_1535 = vector.broadcast %and3A_1534 : i32 to vector<16xi32>
        %and3A_1536 = arith.andi %gather3A_1524, %and3A_1535 : vector<16xi32>
        %bitcast3A_1537 = vector.bitcast %and3A_1536 : vector<16xi32> to vector<16xf32>
        %shift_left3A_1538 = arith.constant 16 : i32
        %shift_left3A_1539 = vector.broadcast %shift_left3A_1538 : i32 to vector<16xi32>
        %shift_left3A_1540 = arith.shli %gather3A_1529, %shift_left3A_1539 : vector<16xi32>
        %bitcast3A_1541 = vector.bitcast %shift_left3A_1540 : vector<16xi32> to vector<16xf32>
        %and3A_1542 = arith.constant -65536 : i32
        %and3A_1543 = vector.broadcast %and3A_1542 : i32 to vector<16xi32>
        %and3A_1544 = arith.andi %gather3A_1529, %and3A_1543 : vector<16xi32>
        %bitcast3A_1545 = vector.bitcast %and3A_1544 : vector<16xi32> to vector<16xf32>
        %add3A_1546 = arith.addf %add3A_1514, %bitcast3A_1533 : vector<16xf32>
        %add3A_1547 = arith.addf %add3A_1515, %bitcast3A_1537 : vector<16xf32>
        %add3A_1548 = arith.addf %add3A_1516, %bitcast3A_1541 : vector<16xf32>
        %add3A_1549 = arith.addf %add3A_1517, %bitcast3A_1545 : vector<16xf32>
        %scan3A_1550 = arith.constant 6 : i32
        %scan3A_1551 = arith.addi %scan3A_1355, %scan3A_1550 : i32
        %mul3A_1552 = arith.constant 32 : i32
        %mul3A_1553 = arith.muli %mul3A_1552, %scan3A_1551 : i32
        %get3A_1554 = arith.index_cast %mul3A_1553 : i32 to index
        %get3A_1555 = tpu.vector_load %arg9[%get3A_1554] {strides = array<i32>} : memref<2528xi32, #tpu.memory_space<vmem>>, vector<16xi32>,
        %gather3A_1556 = tpu.vector_load_idx %arg5[%get3A_1555] : memref<100000xi32, #tpu.memory_space<vmem>>[vector<16xi32>], vector<16xi32>,
        %add3A_1557 = arith.constant 16 : i32
        %add3A_1558 = arith.addi %mul3A_1553, %add3A_1557 : i32
        %get3A_1559 = arith.index_cast %add3A_1558 : i32 to index
        %get3A_1560 = tpu.vector_load %arg9[%get3A_1559] {strides = array<i32>} : memref<2528xi32, #tpu.memory_space<vmem>>, vector<16xi32>,
        %gather3A_1561 = tpu.vector_load_idx %arg5[%get3A_1560] : memref<100000xi32, #tpu.memory_space<vmem>>[vector<16xi32>], vector<16xi32>,
        %shift_left3A_1562 = arith.constant 16 : i32
        %shift_left3A_1563 = vector.broadcast %shift_left3A_1562 : i32 to vector<16xi32>
        %shift_left3A_1564 = arith.shli %gather3A_1556, %shift_left3A_1563 : vector<16xi32>
        %bitcast3A_1565 = vector.bitcast %shift_left3A_1564 : vector<16xi32> to vector<16xf32>
        %and3A_1566 = arith.constant -65536 : i32
        %and3A_1567 = vector.broadcast %and3A_1566 : i32 to vector<16xi32>
        %and3A_1568 = arith.andi %gather3A_1556, %and3A_1567 : vector<16xi32>
        %bitcast3A_1569 = vector.bitcast %and3A_1568 : vector<16xi32> to vector<16xf32>
        %shift_left3A_1570 = arith.constant 16 : i32
        %shift_left3A_1571 = vector.broadcast %shift_left3A_1570 : i32 to vector<16xi32>
        %shift_left3A_1572 = arith.shli %gather3A_1561, %shift_left3A_1571 : vector<16xi32>
        %bitcast3A_1573 = vector.bitcast %shift_left3A_1572 : vector<16xi32> to vector<16xf32>
        %and3A_1574 = arith.constant -65536 : i32
        %and3A_1575 = vector.broadcast %and3A_1574 : i32 to vector<16xi32>
        %and3A_1576 = arith.andi %gather3A_1561, %and3A_1575 : vector<16xi32>
        %bitcast3A_1577 = vector.bitcast %and3A_1576 : vector<16xi32> to vector<16xf32>
        %add3A_1578 = arith.addf %add3A_1546, %bitcast3A_1565 : vector<16xf32>
        %add3A_1579 = arith.addf %add3A_1547, %bitcast3A_1569 : vector<16xf32>
        %add3A_1580 = arith.addf %add3A_1548, %bitcast3A_1573 : vector<16xf32>
        %add3A_1581 = arith.addf %add3A_1549, %bitcast3A_1577 : vector<16xf32>
        %scan3A_1582 = arith.constant 7 : i32
        %scan3A_1583 = arith.addi %scan3A_1355, %scan3A_1582 : i32
        %mul3A_1584 = arith.constant 32 : i32
        %mul3A_1585 = arith.muli %mul3A_1584, %scan3A_1583 : i32
        %get3A_1586 = arith.index_cast %mul3A_1585 : i32 to index
        %get3A_1587 = tpu.vector_load %arg9[%get3A_1586] {strides = array<i32>} : memref<2528xi32, #tpu.memory_space<vmem>>, vector<16xi32>,
        %gather3A_1588 = tpu.vector_load_idx %arg5[%get3A_1587] : memref<100000xi32, #tpu.memory_space<vmem>>[vector<16xi32>], vector<16xi32>,
        %add3A_1589 = arith.constant 16 : i32
        %add3A_1590 = arith.addi %mul3A_1585, %add3A_1589 : i32
        %get3A_1591 = arith.index_cast %add3A_1590 : i32 to index
        %get3A_1592 = tpu.vector_load %arg9[%get3A_1591] {strides = array<i32>} : memref<2528xi32, #tpu.memory_space<vmem>>, vector<16xi32>,
        %gather3A_1593 = tpu.vector_load_idx %arg5[%get3A_1592] : memref<100000xi32, #tpu.memory_space<vmem>>[vector<16xi32>], vector<16xi32>,
        %shift_left3A_1594 = arith.constant 16 : i32
        %shift_left3A_1595 = vector.broadcast %shift_left3A_1594 : i32 to vector<16xi32>
        %shift_left3A_1596 = arith.shli %gather3A_1588, %shift_left3A_1595 : vector<16xi32>
        %bitcast3A_1597 = vector.bitcast %shift_left3A_1596 : vector<16xi32> to vector<16xf32>
        %and3A_1598 = arith.constant -65536 : i32
        %and3A_1599 = vector.broadcast %and3A_1598 : i32 to vector<16xi32>
        %and3A_1600 = arith.andi %gather3A_1588, %and3A_1599 : vector<16xi32>
        %bitcast3A_1601 = vector.bitcast %and3A_1600 : vector<16xi32> to vector<16xf32>
        %shift_left3A_1602 = arith.constant 16 : i32
        %shift_left3A_1603 = vector.broadcast %shift_left3A_1602 : i32 to vector<16xi32>
        %shift_left3A_1604 = arith.shli %gather3A_1593, %shift_left3A_1603 : vector<16xi32>
        %bitcast3A_1605 = vector.bitcast %shift_left3A_1604 : vector<16xi32> to vector<16xf32>
        %and3A_1606 = arith.constant -65536 : i32
        %and3A_1607 = vector.broadcast %and3A_1606 : i32 to vector<16xi32>
        %and3A_1608 = arith.andi %gather3A_1593, %and3A_1607 : vector<16xi32>
        %bitcast3A_1609 = vector.bitcast %and3A_1608 : vector<16xi32> to vector<16xf32>
        %add3A_1610 = arith.addf %add3A_1578, %bitcast3A_1597 : vector<16xf32>
        %add3A_1611 = arith.addf %add3A_1579, %bitcast3A_1601 : vector<16xf32>
        %add3A_1612 = arith.addf %add3A_1580, %bitcast3A_1605 : vector<16xf32>
        %add3A_1613 = arith.addf %add3A_1581, %bitcast3A_1609 : vector<16xf32>
        scf.yield %add3A_1610, %add3A_1611, %add3A_1612, %add3A_1613 : vector<16xf32>, vector<16xf32>, vector<16xf32>, vector<16xf32>
      }
      %scan3A_1071 = arith.constant 72 : i32
      %scan3A_1072 = arith.addi %scan3A_1066, %scan3A_1071 : i32
      %mul3A_1073 = arith.constant 32 : i32
      %mul3A_1074 = arith.muli %mul3A_1073, %scan3A_1072 : i32
      %get3A_1075 = arith.index_cast %mul3A_1074 : i32 to index
      %get3A_1076 = tpu.vector_load %arg9[%get3A_1075] {strides = array<i32>} : memref<2528xi32, #tpu.memory_space<vmem>>, vector<16xi32>,
      %gather3A_1077 = tpu.vector_load_idx %arg5[%get3A_1076] : memref<100000xi32, #tpu.memory_space<vmem>>[vector<16xi32>], vector<16xi32>,
      %add3A_1078 = arith.constant 16 : i32
      %add3A_1079 = arith.addi %mul3A_1074, %add3A_1078 : i32
      %get3A_1080 = arith.index_cast %add3A_1079 : i32 to index
      %get3A_1081 = tpu.vector_load %arg9[%get3A_1080] {strides = array<i32>} : memref<2528xi32, #tpu.memory_space<vmem>>, vector<16xi32>,
      %gather3A_1082 = tpu.vector_load_idx %arg5[%get3A_1081] : memref<100000xi32, #tpu.memory_space<vmem>>[vector<16xi32>], vector<16xi32>,
      %shift_left3A_1083 = arith.constant 16 : i32
      %shift_left3A_1084 = vector.broadcast %shift_left3A_1083 : i32 to vector<16xi32>
      %shift_left3A_1085 = arith.shli %gather3A_1077, %shift_left3A_1084 : vector<16xi32>
      %bitcast3A_1086 = vector.bitcast %shift_left3A_1085 : vector<16xi32> to vector<16xf32>
      %and3A_1087 = arith.constant -65536 : i32
      %and3A_1088 = vector.broadcast %and3A_1087 : i32 to vector<16xi32>
      %and3A_1089 = arith.andi %gather3A_1077, %and3A_1088 : vector<16xi32>
      %bitcast3A_1090 = vector.bitcast %and3A_1089 : vector<16xi32> to vector<16xf32>
      %shift_left3A_1091 = arith.constant 16 : i32
      %shift_left3A_1092 = vector.broadcast %shift_left3A_1091 : i32 to vector<16xi32>
      %shift_left3A_1093 = arith.shli %gather3A_1082, %shift_left3A_1092 : vector<16xi32>
      %bitcast3A_1094 = vector.bitcast %shift_left3A_1093 : vector<16xi32> to vector<16xf32>
      %and3A_1095 = arith.constant -65536 : i32
      %and3A_1096 = vector.broadcast %and3A_1095 : i32 to vector<16xi32>
      %and3A_1097 = arith.andi %gather3A_1082, %and3A_1096 : vector<16xi32>
      %bitcast3A_1098 = vector.bitcast %and3A_1097 : vector<16xi32> to vector<16xf32>
      %add3A_1099 = arith.addf %scan3A_1070#0, %bitcast3A_1086 : vector<16xf32>
      %add3A_1100 = arith.addf %scan3A_1070#1, %bitcast3A_1090 : vector<16xf32>
      %add3A_1101 = arith.addf %scan3A_1070#2, %bitcast3A_1094 : vector<16xf32>
      %add3A_1102 = arith.addf %scan3A_1070#3, %bitcast3A_1098 : vector<16xf32>
      %scan3A_1103 = arith.constant 73 : i32
      %scan3A_1104 = arith.addi %scan3A_1066, %scan3A_1103 : i32
      %mul3A_1105 = arith.constant 32 : i32
      %mul3A_1106 = arith.muli %mul3A_1105, %scan3A_1104 : i32
      %get3A_1107 = arith.index_cast %mul3A_1106 : i32 to index
      %get3A_1108 = tpu.vector_load %arg9[%get3A_1107] {strides = array<i32>} : memref<2528xi32, #tpu.memory_space<vmem>>, vector<16xi32>,
      %gather3A_1109 = tpu.vector_load_idx %arg5[%get3A_1108] : memref<100000xi32, #tpu.memory_space<vmem>>[vector<16xi32>], vector<16xi32>,
      %add3A_1110 = arith.constant 16 : i32
      %add3A_1111 = arith.addi %mul3A_1106, %add3A_1110 : i32
      %get3A_1112 = arith.index_cast %add3A_1111 : i32 to index
      %get3A_1113 = tpu.vector_load %arg9[%get3A_1112] {strides = array<i32>} : memref<2528xi32, #tpu.memory_space<vmem>>, vector<16xi32>,
      %gather3A_1114 = tpu.vector_load_idx %arg5[%get3A_1113] : memref<100000xi32, #tpu.memory_space<vmem>>[vector<16xi32>], vector<16xi32>,
      %shift_left3A_1115 = arith.constant 16 : i32
      %shift_left3A_1116 = vector.broadcast %shift_left3A_1115 : i32 to vector<16xi32>
      %shift_left3A_1117 = arith.shli %gather3A_1109, %shift_left3A_1116 : vector<16xi32>
      %bitcast3A_1118 = vector.bitcast %shift_left3A_1117 : vector<16xi32> to vector<16xf32>
      %and3A_1119 = arith.constant -65536 : i32
      %and3A_1120 = vector.broadcast %and3A_1119 : i32 to vector<16xi32>
      %and3A_1121 = arith.andi %gather3A_1109, %and3A_1120 : vector<16xi32>
      %bitcast3A_1122 = vector.bitcast %and3A_1121 : vector<16xi32> to vector<16xf32>
      %shift_left3A_1123 = arith.constant 16 : i32
      %shift_left3A_1124 = vector.broadcast %shift_left3A_1123 : i32 to vector<16xi32>
      %shift_left3A_1125 = arith.shli %gather3A_1114, %shift_left3A_1124 : vector<16xi32>
      %bitcast3A_1126 = vector.bitcast %shift_left3A_1125 : vector<16xi32> to vector<16xf32>
      %and3A_1127 = arith.constant -65536 : i32
      %and3A_1128 = vector.broadcast %and3A_1127 : i32 to vector<16xi32>
      %and3A_1129 = arith.andi %gather3A_1114, %and3A_1128 : vector<16xi32>
      %bitcast3A_1130 = vector.bitcast %and3A_1129 : vector<16xi32> to vector<16xf32>
      %add3A_1131 = arith.addf %add3A_1099, %bitcast3A_1118 : vector<16xf32>
      %add3A_1132 = arith.addf %add3A_1100, %bitcast3A_1122 : vector<16xf32>
      %add3A_1133 = arith.addf %add3A_1101, %bitcast3A_1126 : vector<16xf32>
      %add3A_1134 = arith.addf %add3A_1102, %bitcast3A_1130 : vector<16xf32>
      %scan3A_1135 = arith.constant 74 : i32
      %scan3A_1136 = arith.addi %scan3A_1066, %scan3A_1135 : i32
      %mul3A_1137 = arith.constant 32 : i32
      %mul3A_1138 = arith.muli %mul3A_1137, %scan3A_1136 : i32
      %get3A_1139 = arith.index_cast %mul3A_1138 : i32 to index
      %get3A_1140 = tpu.vector_load %arg9[%get3A_1139] {strides = array<i32>} : memref<2528xi32, #tpu.memory_space<vmem>>, vector<16xi32>,
      %gather3A_1141 = tpu.vector_load_idx %arg5[%get3A_1140] : memref<100000xi32, #tpu.memory_space<vmem>>[vector<16xi32>], vector<16xi32>,
      %add3A_1142 = arith.constant 16 : i32
      %add3A_1143 = arith.addi %mul3A_1138, %add3A_1142 : i32
      %get3A_1144 = arith.index_cast %add3A_1143 : i32 to index
      %get3A_1145 = tpu.vector_load %arg9[%get3A_1144] {strides = array<i32>} : memref<2528xi32, #tpu.memory_space<vmem>>, vector<16xi32>,
      %gather3A_1146 = tpu.vector_load_idx %arg5[%get3A_1145] : memref<100000xi32, #tpu.memory_space<vmem>>[vector<16xi32>], vector<16xi32>,
      %shift_left3A_1147 = arith.constant 16 : i32
      %shift_left3A_1148 = vector.broadcast %shift_left3A_1147 : i32 to vector<16xi32>
      %shift_left3A_1149 = arith.shli %gather3A_1141, %shift_left3A_1148 : vector<16xi32>
      %bitcast3A_1150 = vector.bitcast %shift_left3A_1149 : vector<16xi32> to vector<16xf32>
      %and3A_1151 = arith.constant -65536 : i32
      %and3A_1152 = vector.broadcast %and3A_1151 : i32 to vector<16xi32>
      %and3A_1153 = arith.andi %gather3A_1141, %and3A_1152 : vector<16xi32>
      %bitcast3A_1154 = vector.bitcast %and3A_1153 : vector<16xi32> to vector<16xf32>
      %shift_left3A_1155 = arith.constant 16 : i32
      %shift_left3A_1156 = vector.broadcast %shift_left3A_1155 : i32 to vector<16xi32>
      %shift_left3A_1157 = arith.shli %gather3A_1146, %shift_left3A_1156 : vector<16xi32>
      %bitcast3A_1158 = vector.bitcast %shift_left3A_1157 : vector<16xi32> to vector<16xf32>
      %and3A_1159 = arith.constant -65536 : i32
      %and3A_1160 = vector.broadcast %and3A_1159 : i32 to vector<16xi32>
      %and3A_1161 = arith.andi %gather3A_1146, %and3A_1160 : vector<16xi32>
      %bitcast3A_1162 = vector.bitcast %and3A_1161 : vector<16xi32> to vector<16xf32>
      %add3A_1163 = arith.addf %add3A_1131, %bitcast3A_1150 : vector<16xf32>
      %add3A_1164 = arith.addf %add3A_1132, %bitcast3A_1154 : vector<16xf32>
      %add3A_1165 = arith.addf %add3A_1133, %bitcast3A_1158 : vector<16xf32>
      %add3A_1166 = arith.addf %add3A_1134, %bitcast3A_1162 : vector<16xf32>
      %scan3A_1167 = arith.constant 75 : i32
      %scan3A_1168 = arith.addi %scan3A_1066, %scan3A_1167 : i32
      %mul3A_1169 = arith.constant 32 : i32
      %mul3A_1170 = arith.muli %mul3A_1169, %scan3A_1168 : i32
      %get3A_1171 = arith.index_cast %mul3A_1170 : i32 to index
      %get3A_1172 = tpu.vector_load %arg9[%get3A_1171] {strides = array<i32>} : memref<2528xi32, #tpu.memory_space<vmem>>, vector<16xi32>,
      %gather3A_1173 = tpu.vector_load_idx %arg5[%get3A_1172] : memref<100000xi32, #tpu.memory_space<vmem>>[vector<16xi32>], vector<16xi32>,
      %add3A_1174 = arith.constant 16 : i32
      %add3A_1175 = arith.addi %mul3A_1170, %add3A_1174 : i32
      %get3A_1176 = arith.index_cast %add3A_1175 : i32 to index
      %get3A_1177 = tpu.vector_load %arg9[%get3A_1176] {strides = array<i32>} : memref<2528xi32, #tpu.memory_space<vmem>>, vector<16xi32>,
      %gather3A_1178 = tpu.vector_load_idx %arg5[%get3A_1177] : memref<100000xi32, #tpu.memory_space<vmem>>[vector<16xi32>], vector<16xi32>,
      %shift_left3A_1179 = arith.constant 16 : i32
      %shift_left3A_1180 = vector.broadcast %shift_left3A_1179 : i32 to vector<16xi32>
      %shift_left3A_1181 = arith.shli %gather3A_1173, %shift_left3A_1180 : vector<16xi32>
      %bitcast3A_1182 = vector.bitcast %shift_left3A_1181 : vector<16xi32> to vector<16xf32>
      %and3A_1183 = arith.constant -65536 : i32
      %and3A_1184 = vector.broadcast %and3A_1183 : i32 to vector<16xi32>
      %and3A_1185 = arith.andi %gather3A_1173, %and3A_1184 : vector<16xi32>
      %bitcast3A_1186 = vector.bitcast %and3A_1185 : vector<16xi32> to vector<16xf32>
      %shift_left3A_1187 = arith.constant 16 : i32
      %shift_left3A_1188 = vector.broadcast %shift_left3A_1187 : i32 to vector<16xi32>
      %shift_left3A_1189 = arith.shli %gather3A_1178, %shift_left3A_1188 : vector<16xi32>
      %bitcast3A_1190 = vector.bitcast %shift_left3A_1189 : vector<16xi32> to vector<16xf32>
      %and3A_1191 = arith.constant -65536 : i32
      %and3A_1192 = vector.broadcast %and3A_1191 : i32 to vector<16xi32>
      %and3A_1193 = arith.andi %gather3A_1178, %and3A_1192 : vector<16xi32>
      %bitcast3A_1194 = vector.bitcast %and3A_1193 : vector<16xi32> to vector<16xf32>
      %add3A_1195 = arith.addf %add3A_1163, %bitcast3A_1182 : vector<16xf32>
      %add3A_1196 = arith.addf %add3A_1164, %bitcast3A_1186 : vector<16xf32>
      %add3A_1197 = arith.addf %add3A_1165, %bitcast3A_1190 : vector<16xf32>
      %add3A_1198 = arith.addf %add3A_1166, %bitcast3A_1194 : vector<16xf32>
      %scan3A_1199 = arith.constant 76 : i32
      %scan3A_1200 = arith.addi %scan3A_1066, %scan3A_1199 : i32
      %mul3A_1201 = arith.constant 32 : i32
      %mul3A_1202 = arith.muli %mul3A_1201, %scan3A_1200 : i32
      %get3A_1203 = arith.index_cast %mul3A_1202 : i32 to index
      %get3A_1204 = tpu.vector_load %arg9[%get3A_1203] {strides = array<i32>} : memref<2528xi32, #tpu.memory_space<vmem>>, vector<16xi32>,
      %gather3A_1205 = tpu.vector_load_idx %arg5[%get3A_1204] : memref<100000xi32, #tpu.memory_space<vmem>>[vector<16xi32>], vector<16xi32>,
      %add3A_1206 = arith.constant 16 : i32
      %add3A_1207 = arith.addi %mul3A_1202, %add3A_1206 : i32
      %get3A_1208 = arith.index_cast %add3A_1207 : i32 to index
      %get3A_1209 = tpu.vector_load %arg9[%get3A_1208] {strides = array<i32>} : memref<2528xi32, #tpu.memory_space<vmem>>, vector<16xi32>,
      %gather3A_1210 = tpu.vector_load_idx %arg5[%get3A_1209] : memref<100000xi32, #tpu.memory_space<vmem>>[vector<16xi32>], vector<16xi32>,
      %shift_left3A_1211 = arith.constant 16 : i32
      %shift_left3A_1212 = vector.broadcast %shift_left3A_1211 : i32 to vector<16xi32>
      %shift_left3A_1213 = arith.shli %gather3A_1205, %shift_left3A_1212 : vector<16xi32>
      %bitcast3A_1214 = vector.bitcast %shift_left3A_1213 : vector<16xi32> to vector<16xf32>
      %and3A_1215 = arith.constant -65536 : i32
      %and3A_1216 = vector.broadcast %and3A_1215 : i32 to vector<16xi32>
      %and3A_1217 = arith.andi %gather3A_1205, %and3A_1216 : vector<16xi32>
      %bitcast3A_1218 = vector.bitcast %and3A_1217 : vector<16xi32> to vector<16xf32>
      %shift_left3A_1219 = arith.constant 16 : i32
      %shift_left3A_1220 = vector.broadcast %shift_left3A_1219 : i32 to vector<16xi32>
      %shift_left3A_1221 = arith.shli %gather3A_1210, %shift_left3A_1220 : vector<16xi32>
      %bitcast3A_1222 = vector.bitcast %shift_left3A_1221 : vector<16xi32> to vector<16xf32>
      %and3A_1223 = arith.constant -65536 : i32
      %and3A_1224 = vector.broadcast %and3A_1223 : i32 to vector<16xi32>
      %and3A_1225 = arith.andi %gather3A_1210, %and3A_1224 : vector<16xi32>
      %bitcast3A_1226 = vector.bitcast %and3A_1225 : vector<16xi32> to vector<16xf32>
      %add3A_1227 = arith.addf %add3A_1195, %bitcast3A_1214 : vector<16xf32>
      %add3A_1228 = arith.addf %add3A_1196, %bitcast3A_1218 : vector<16xf32>
      %add3A_1229 = arith.addf %add3A_1197, %bitcast3A_1222 : vector<16xf32>
      %add3A_1230 = arith.addf %add3A_1198, %bitcast3A_1226 : vector<16xf32>
      %scan3A_1231 = arith.constant 77 : i32
      %scan3A_1232 = arith.addi %scan3A_1066, %scan3A_1231 : i32
      %mul3A_1233 = arith.constant 32 : i32
      %mul3A_1234 = arith.muli %mul3A_1233, %scan3A_1232 : i32
      %get3A_1235 = arith.index_cast %mul3A_1234 : i32 to index
      %get3A_1236 = tpu.vector_load %arg9[%get3A_1235] {strides = array<i32>} : memref<2528xi32, #tpu.memory_space<vmem>>, vector<16xi32>,
      %gather3A_1237 = tpu.vector_load_idx %arg5[%get3A_1236] : memref<100000xi32, #tpu.memory_space<vmem>>[vector<16xi32>], vector<16xi32>,
      %add3A_1238 = arith.constant 16 : i32
      %add3A_1239 = arith.addi %mul3A_1234, %add3A_1238 : i32
      %get3A_1240 = arith.index_cast %add3A_1239 : i32 to index
      %get3A_1241 = tpu.vector_load %arg9[%get3A_1240] {strides = array<i32>} : memref<2528xi32, #tpu.memory_space<vmem>>, vector<16xi32>,
      %gather3A_1242 = tpu.vector_load_idx %arg5[%get3A_1241] : memref<100000xi32, #tpu.memory_space<vmem>>[vector<16xi32>], vector<16xi32>,
      %shift_left3A_1243 = arith.constant 16 : i32
      %shift_left3A_1244 = vector.broadcast %shift_left3A_1243 : i32 to vector<16xi32>
      %shift_left3A_1245 = arith.shli %gather3A_1237, %shift_left3A_1244 : vector<16xi32>
      %bitcast3A_1246 = vector.bitcast %shift_left3A_1245 : vector<16xi32> to vector<16xf32>
      %and3A_1247 = arith.constant -65536 : i32
      %and3A_1248 = vector.broadcast %and3A_1247 : i32 to vector<16xi32>
      %and3A_1249 = arith.andi %gather3A_1237, %and3A_1248 : vector<16xi32>
      %bitcast3A_1250 = vector.bitcast %and3A_1249 : vector<16xi32> to vector<16xf32>
      %shift_left3A_1251 = arith.constant 16 : i32
      %shift_left3A_1252 = vector.broadcast %shift_left3A_1251 : i32 to vector<16xi32>
      %shift_left3A_1253 = arith.shli %gather3A_1242, %shift_left3A_1252 : vector<16xi32>
      %bitcast3A_1254 = vector.bitcast %shift_left3A_1253 : vector<16xi32> to vector<16xf32>
      %and3A_1255 = arith.constant -65536 : i32
      %and3A_1256 = vector.broadcast %and3A_1255 : i32 to vector<16xi32>
      %and3A_1257 = arith.andi %gather3A_1242, %and3A_1256 : vector<16xi32>
      %bitcast3A_1258 = vector.bitcast %and3A_1257 : vector<16xi32> to vector<16xf32>
      %add3A_1259 = arith.addf %add3A_1227, %bitcast3A_1246 : vector<16xf32>
      %add3A_1260 = arith.addf %add3A_1228, %bitcast3A_1250 : vector<16xf32>
      %add3A_1261 = arith.addf %add3A_1229, %bitcast3A_1254 : vector<16xf32>
      %add3A_1262 = arith.addf %add3A_1230, %bitcast3A_1258 : vector<16xf32>
      %scan3A_1263 = arith.constant 78 : i32
      %scan3A_1264 = arith.addi %scan3A_1066, %scan3A_1263 : i32
      %mul3A_1265 = arith.constant 32 : i32
      %mul3A_1266 = arith.muli %mul3A_1265, %scan3A_1264 : i32
      %get3A_1267 = arith.index_cast %mul3A_1266 : i32 to index
      %get3A_1268 = tpu.vector_load %arg9[%get3A_1267] {strides = array<i32>} : memref<2528xi32, #tpu.memory_space<vmem>>, vector<16xi32>,
      %gather3A_1269 = tpu.vector_load_idx %arg5[%get3A_1268] : memref<100000xi32, #tpu.memory_space<vmem>>[vector<16xi32>], vector<16xi32>,
      %add3A_1270 = arith.constant 16 : i32
      %add3A_1271 = arith.addi %mul3A_1266, %add3A_1270 : i32
      %get3A_1272 = arith.index_cast %add3A_1271 : i32 to index
      %get3A_1273 = tpu.vector_load %arg9[%get3A_1272] {strides = array<i32>} : memref<2528xi32, #tpu.memory_space<vmem>>, vector<16xi32>,
      %gather3A_1274 = tpu.vector_load_idx %arg5[%get3A_1273] : memref<100000xi32, #tpu.memory_space<vmem>>[vector<16xi32>], vector<16xi32>,
      %shift_left3A_1275 = arith.constant 16 : i32
      %shift_left3A_1276 = vector.broadcast %shift_left3A_1275 : i32 to vector<16xi32>
      %shift_left3A_1277 = arith.shli %gather3A_1269, %shift_left3A_1276 : vector<16xi32>
      %bitcast3A_1278 = vector.bitcast %shift_left3A_1277 : vector<16xi32> to vector<16xf32>
      %and3A_1279 = arith.constant -65536 : i32
      %and3A_1280 = vector.broadcast %and3A_1279 : i32 to vector<16xi32>
      %and3A_1281 = arith.andi %gather3A_1269, %and3A_1280 : vector<16xi32>
      %bitcast3A_1282 = vector.bitcast %and3A_1281 : vector<16xi32> to vector<16xf32>
      %shift_left3A_1283 = arith.constant 16 : i32
      %shift_left3A_1284 = vector.broadcast %shift_left3A_1283 : i32 to vector<16xi32>
      %shift_left3A_1285 = arith.shli %gather3A_1274, %shift_left3A_1284 : vector<16xi32>
      %bitcast3A_1286 = vector.bitcast %shift_left3A_1285 : vector<16xi32> to vector<16xf32>
      %and3A_1287 = arith.constant -65536 : i32
      %and3A_1288 = vector.broadcast %and3A_1287 : i32 to vector<16xi32>
      %and3A_1289 = arith.andi %gather3A_1274, %and3A_1288 : vector<16xi32>
      %bitcast3A_1290 = vector.bitcast %and3A_1289 : vector<16xi32> to vector<16xf32>
      %add3A_1291 = arith.addf %add3A_1259, %bitcast3A_1278 : vector<16xf32>
      %add3A_1292 = arith.addf %add3A_1260, %bitcast3A_1282 : vector<16xf32>
      %add3A_1293 = arith.addf %add3A_1261, %bitcast3A_1286 : vector<16xf32>
      %add3A_1294 = arith.addf %add3A_1262, %bitcast3A_1290 : vector<16xf32>
      %scan3A_1295 = arith.constant 79 : i32
      %add3A_1296 = arith.addf %add3A_1291, %add3A_1293 : vector<16xf32>
      %add3A_1297 = arith.addf %add3A_1292, %add3A_1294 : vector<16xf32>
      %jit3A_1298 = arith.constant 16 : i32
      %eq3A_1299 = arith.constant 0 : i32
      %eq3A_1300 = arith.cmpi eq, %jit3A_1298, %eq3A_1299 : i32
      %jit3A_1301 = arith.constant 1 : i32
      %select_n3A_1302 = arith.select %eq3A_1300, %jit3A_1301, %jit3A_1298 : i32
      %rem3A_1303 = arith.remsi %add3A_1047, %select_n3A_1302 : i32
      %ne3A_1304 = arith.constant 0 : i32
      %ne3A_1305 = arith.cmpi ne, %rem3A_1303, %ne3A_1304 : i32
      %lt3A_1306 = arith.constant 0 : i32
      %lt3A_1307 = arith.cmpi slt, %rem3A_1303, %lt3A_1306 : i32
      %lt3A_1308 = arith.constant 0 : i32
      %lt3A_1309 = arith.cmpi slt, %select_n3A_1302, %lt3A_1308 : i32
      %ne3A_1310 = arith.xori %lt3A_1307, %lt3A_1309 : i1
      %and3A_1311 = arith.andi %ne3A_1310, %ne3A_1305 : i1
      %add3A_1312 = arith.addi %rem3A_1303, %select_n3A_1302 : i32
      %select_n3A_1313 = arith.select %and3A_1311, %add3A_1312, %rem3A_1303 : i32
      %eq3A_1314 = vector.broadcast %select_n3A_1313 : i32 to vector<16xi32>
      %eq3A_1315 = arith.cmpi eq, %iota3A, %eq3A_1314 : vector<16xi32>
      %reduce_sum3A_1316 = arith.constant true
      %reduce_sum3A_1317 = vector.broadcast %reduce_sum3A_1316 : i1 to vector<16xi1>
      %reduce_sum3A_1318 = tpu.scan <sum>, %add3A_1296 masked %reduce_sum3A_1317 : vector<16xf32>, vector<16xi1> -> vector<16xf32>
      %reduce_sum3A_1319 = vector.extract %reduce_sum3A_1318[15] : f32 from vector<16xf32>
      %sub3A_1320 = arith.subf %reduce_sum3A_1319, %mul3A_57 : f32
      %mul3A_1321 = arith.constant 4.000000e-04 : f32
      %mul3A_1322 = arith.mulf %sub3A_1320, %mul3A_1321 : f32
      %broadcast_in_dim3A_1323 = vector.broadcast %mul3A_1322 : f32 to vector<16xf32>
      %select_n3A_1324 = arith.select %eq3A_1315, %broadcast_in_dim3A_1323, %select_n3A_1013 : vector<16xi1>, vector<16xf32>
      %reduce_sum3A_1325 = arith.constant true
      %reduce_sum3A_1326 = vector.broadcast %reduce_sum3A_1325 : i1 to vector<16xi1>
      %reduce_sum3A_1327 = tpu.scan <sum>, %add3A_1297 masked %reduce_sum3A_1326 : vector<16xf32>, vector<16xi1> -> vector<16xf32>
      %reduce_sum3A_1328 = vector.extract %reduce_sum3A_1327[15] : f32 from vector<16xf32>
      %sub3A_1329 = arith.subf %reduce_sum3A_1328, %mul3A_67 : f32
      %mul3A_1330 = arith.constant 4.000000e-04 : f32
      %mul3A_1331 = arith.mulf %sub3A_1329, %mul3A_1330 : f32
      %broadcast_in_dim3A_1332 = vector.broadcast %mul3A_1331 : f32 to vector<16xf32>
      %select_n3A_1333 = arith.select %eq3A_1315, %broadcast_in_dim3A_1332, %select_n3A_1022 : vector<16xi1>, vector<16xf32>
      %jit3A_1334 = arith.constant 16 : i32
      %eq3A_1335 = arith.constant 0 : i32
      %eq3A_1336 = arith.cmpi eq, %jit3A_1334, %eq3A_1335 : i32
      %jit3A_1337 = arith.constant 1 : i32
      %select_n3A_1338 = arith.select %eq3A_1336, %jit3A_1337, %jit3A_1334 : i32
      %rem3A_1339 = arith.remsi %add3A_1047, %select_n3A_1338 : i32
      %ne3A_1340 = arith.constant 0 : i32
      %ne3A_1341 = arith.cmpi ne, %rem3A_1339, %ne3A_1340 : i32
      %lt3A_1342 = arith.constant 0 : i32
      %lt3A_1343 = arith.cmpi slt, %rem3A_1339, %lt3A_1342 : i32
      %lt3A_1344 = arith.constant 0 : i32
      %lt3A_1345 = arith.cmpi slt, %select_n3A_1338, %lt3A_1344 : i32
      %ne3A_1346 = arith.xori %lt3A_1343, %lt3A_1345 : i1
      %and3A_1347 = arith.andi %ne3A_1346, %ne3A_1341 : i1
      %add3A_1348 = arith.addi %rem3A_1339, %select_n3A_1338 : i32
      %select_n3A_1349 = arith.select %and3A_1347, %add3A_1348, %rem3A_1339 : i32
      %eq3A_1350 = arith.constant 15 : i32
      %eq3A_1351 = arith.cmpi eq, %select_n3A_1349, %eq3A_1350 : i32
      %convert_element_type3A_1352 = arith.extui %eq3A_1351 : i1 to i32
      %cond3A_1353 = arith.constant 0 : i32
      %cond3A_1354 = arith.cmpi ne, %convert_element_type3A_1352, %cond3A_1353 : i32
      scf.if %cond3A_1354 {
        %sub3A_1355 = arith.constant 15 : i32
        %sub3A_1356 = arith.subi %add3A_1047, %sub3A_1355 : i32
        %swap3A_1357 = arith.constant 0 : i32
        %swap3A_1358 = arith.index_cast %swap3A_1357 : i32 to index
        %swap3A_1359 = arith.index_cast %sub3A_1356 : i32 to index
        %swap3A_1360 = tpu.vector_load %arg10[%swap3A_1358, %swap3A_1359] {strides = array<i32>} : memref<2x256xf32, #tpu.memory_space<vmem>>, vector<16xf32>,
        tpu.vector_store %arg10[%swap3A_1358, %swap3A_1359], %select_n3A_1324 {strides = array<i32>} : memref<2x256xf32, #tpu.memory_space<vmem>>, vector<16xf32>,
        %sub3A_1361 = arith.constant 15 : i32
        %sub3A_1362 = arith.subi %add3A_1047, %sub3A_1361 : i32
        %swap3A_1363 = arith.constant 1 : i32
        %swap3A_1364 = arith.index_cast %swap3A_1363 : i32 to index
        %swap3A_1365 = arith.index_cast %sub3A_1362 : i32 to index
        %swap3A_1366 = tpu.vector_load %arg10[%swap3A_1364, %swap3A_1365] {strides = array<i32>} : memref<2x256xf32, #tpu.memory_space<vmem>>, vector<16xf32>,
        tpu.vector_store %arg10[%swap3A_1364, %swap3A_1365], %select_n3A_1333 {strides = array<i32>} : memref<2x256xf32, #tpu.memory_space<vmem>>, vector<16xf32>,
      } else {
      }
      scf.yield %select_n3A_1324, %select_n3A_1333 : vector<16xf32>, vector<16xf32>
    }
    %scan3A_109 = arith.constant 64 : i32
    %mul3A_110 = arith.constant 2 : i32
    %mul3A_111 = arith.muli %mul3A_110, %select_n3A_7 : i32
    "tpu.region"() ({
      %run_scoped3A = tpu.sem_alloc : memref<!tpu.dma_semaphore, #tpu.memory_space<semaphore_mem>>
      %dma_start3A_112 = tpu.memref_slice %arg4[%mul3A_111, %mul3A_32] : memref<16x1024xf32, #tpu.memory_space<hbm>> -> memref<2x256xf32, #tpu.memory_space<hbm>>
      %dma_start3A_113 = tpu.memref_slice %arg4[%mul3A_111, %mul3A_32] : memref<16x1024xf32, #tpu.memory_space<hbm>> -> memref<2x256xf32, #tpu.memory_space<hbm>>
      tpu.enqueue_dma source(%arg10 : memref<2x256xf32, #tpu.memory_space<vmem>>) target(%dma_start3A_113 : memref<2x256xf32, #tpu.memory_space<hbm>>) target_semaphore(%run_scoped3A : memref<!tpu.dma_semaphore, #tpu.memory_space<semaphore_mem>>)
      %dma_wait3A = tpu.memref_slice %arg4[%mul3A_111, %mul3A_32] : memref<16x1024xf32, #tpu.memory_space<hbm>> -> memref<2x256xf32, #tpu.memory_space<hbm>>
      %dma_wait3A_114 = tpu.memref_slice %arg4[%mul3A_111, %mul3A_32] : memref<16x1024xf32, #tpu.memory_space<hbm>> -> memref<2x256xf32, #tpu.memory_space<hbm>>
      tpu.wait_dma2 semaphore(%run_scoped3A : memref<!tpu.dma_semaphore, #tpu.memory_space<semaphore_mem>>) src(%arg10 : memref<2x256xf32, #tpu.memory_space<vmem>>) dst(%dma_wait3A_114 : memref<2x256xf32, #tpu.memory_space<hbm>>)
      tpu.yield
    }) : () -> ()
    return
  }
}

</mosaic_0001>

<sc_bundles>
// kernel: kernel.3.cloned.1.call-start
scs
__scs_entry_jumppad:
0x0: {  	(pc) =	sbr.rel $0x88, $3  }
0x1: {  	(tag) =	ssettag $0x0;
	lr =	simm.s32 $0x1  }
0x2: {  	[smem:$0x3F9F] =	sst lr;
	_ =	strace $0xD0000000  }
0x3: {  	_ = 	snop  }
0x4: {  	_ = 	snop  }
0x5: {  	_ = 	snop  }
0x6: {  	_ = 	snop  }
0x7: {  	_ = 	snop  }
__scs_overlays_trampoline_lowered:
0x8: {  	[smem:$0x3FAE] =	sst s0  }
0x9: {  	[smem:$0x3FAF] =	sst s1  }
0xa: {  	[smem:$0x3FB0] =	sst s2  }
0xb: {  	[smem:$0x3FB1] =	sst s3  }
0xc: {  	[smem:$0x3FB2] =	sst s4  }
0xd: {  	[smem:$0x3FB3] =	sst s5  }
0xe: {  	[smem:$0x3FB4] =	sst s6  }
0xf: {  	[smem:$0x3FB5] =	sst s7  }
0x10: {  	[smem:$0x3FB6] =	sst s8  }
0x11: {  	[smem:$0x3FB7] =	sst s9;
	s0 =	simm.s32 @!p0 $0x0  }
0x12: {  	s1 =	sld [smem:$0x3F9D];
	s0 =	simm.s32 @p0 $0x1  }
0x13: {  	[smem:$0x3FB8] =	sst s0;
	s0 =	simm.s32 @!p1 $0x0  }
0x14: {  	s2 =	sld [smem:$0x3F9C];
	s0 =	simm.s32 @p1 $0x1  }
0x15: {  	[smem:$0x3FB9] =	sst s0;
	s0 =	simm.s32 @!p2 $0x0  }
0x16: {  	s3 =	sld [smem:$0x3FDB];
	s0 =	simm.s32 @p2 $0x1  }
0x17: {  	s4 =	simm.s32 $0x1BF5;
	[smem:$0x3FBB] =	sst s0  }
0x18: {  	s0 =	sld [smem:$0x3F9E];
	_ =	swait.ge [sflag:s4], $0x0  }
0x19: {  	s7 =	sld [smem:$0x3F9F]  }
0x1a: {  	s8 =	sadd.s32 $0xFFFFE003, lr  }
0x1b: {  	s9 =	sadd.s32 $0xFFFFFEF7, lr;
	s5 =	simm.s32 $0xFFFFFFFF;
	p2 =	slt.u32 s8, $0xFFFFF086  }
0x1c: {  	p1 =	slt.u32 s9, $0xF7A;
	s5 =	simm.s32 @!p2 $0x0  }
0x1d: {  	s5 =	simm.s32 @p1 $0x1;
	p0 =	seq.s32 s7, s2  }
0x1e: {  	s7 =	smul.u32 @!p0 $0xF7A, s2;
	p2 =	seq.s32 @!p0 s5, $0x0  }
0x1f: {  	s9 =	smul.u32 $0xF7A, s1;
	s8 =	simm.s32 @!p0 $0x1BF5;
	p2 =	por !p2, p0  }
0x20: {  	[sflag:s8] =	ssyncset.s32 @!p0 $0xFFFFF086;
	s6 =	sadd.s32 @!p0 s3, s7;
	s7 =	simm.s32 @!p0 $0x108  }
0x21: {  	s3 =	sadd.s32 s3, s9;
	s6 =	sadd.s32 @!p0 $0x88, s6;
	s7 =	simm.s32 @p2 $0x1082  }
0x22: {  	[simem:s7], [sflag:s8] =	dma.local @!p0 [hbm:s6], $0xF7A  }
0x23: {  	s9 =	sor.u32 $0xD0000000, s2;
	s6 =	simm.s32 $0x108;
	_ =	swait.ge @!p0 [sflag:s8], $0x0  }
0x24: {  	s3 =	sadd.s32 $0x88, s3;
	s6 =	simm.s32 @!p1 $0x1082;
	[sflag:s4] =	ssyncset.s32 $0xFFFFF086  }
0x25: {  	[simem:s6], [sflag:s4] =	dma.local [hbm:s3], $0xF7A  }
0x26: {  	[smem:$0x3F9F] =	sst s1;
	(tag) =	ssettag s2;
	_ =	strace s9  }
0x27: {  	s1 =	sld [smem:$0x3FAF]  }
0x28: {  	s2 =	sld [smem:$0x3FB0]  }
0x29: {  	s4 =	sld [smem:$0x3FB2]  }
0x2a: {  	p0 =	seq.s32 s5, $0x0;
	s5 =	sld [smem:$0x3FB3]  }
0x2b: {  	s6 =	sld [smem:$0x3FB4]  }
0x2c: {  	s7 =	sld [smem:$0x3FB5]  }
0x2d: {  	s3 =	simm.s32 $0x108;
	s8 =	sld [smem:$0x3FB6]  }
0x2e: {  	s3 =	simm.s32 @!p0 $0x1082;
	s9 =	sld [smem:$0x3FB7]  }
0x2f: {  	lr =	sadd.s32 s0, s3;
	s0 =	sld [smem:$0x3FAE]  }
0x30: {  	s3 =	sld [smem:$0x3FB1]  }
0x31: {  	[smem:$0x3FBA] =	sst s10  }
0x32: {  	s10 =	sld [smem:$0x3FB8];
	_ =	sdelay $0x3  }
0x33: {  	p0 =	seq.s32 s10, $0x1;
	s10 =	sld [smem:$0x3FBA];
	_ =	sdelay $0x3  }
0x34: {  	[smem:$0x3FBA] =	sst s10  }
0x35: {  	s10 =	sld [smem:$0x3FB9];
	_ =	sdelay $0x3  }
0x36: {  	p1 =	seq.s32 s10, $0x1;
	s10 =	sld [smem:$0x3FBA];
	_ =	sdelay $0x3  }
0x37: {  	[smem:$0x3FBA] =	sst s10  }
0x38: {  	s10 =	sld [smem:$0x3FBB]  }
0x39: {  	_ = 	snop;
	(pc) =	sbr.ind lr, $3  }
0x3a: {  	_ = 	snop  }
0x3b: {  	_ = 	snop  }
0x3c: {  	p2 =	seq.s32 s10, $0x1;
	s10 =	sld [smem:$0x3FBA]  }
0x3d: {  	_ =	shalt  }
0x3e: {  	_ =	shalt  }
0x3f: {  	_ =	shalt  }
0x40: {  	_ =	shalt  }
0x41: {  	_ =	shalt  }
0x42: {  	_ =	shalt  }
0x43: {  	_ =	shalt  }
0x44: {  	_ =	shalt  }
0x45: {  	_ =	shalt  }
0x46: {  	_ =	shalt  }
0x47: {  	_ =	shalt  }
0x48: {  	_ =	shalt  }
0x49: {  	_ =	shalt  }
0x4a: {  	_ =	shalt  }
0x4b: {  	_ =	shalt  }
0x4c: {  	_ =	shalt  }
0x4d: {  	_ =	shalt  }
0x4e: {  	_ =	shalt  }
0x4f: {  	_ =	shalt  }
0x50: {  	_ =	shalt  }
0x51: {  	_ =	shalt  }
0x52: {  	_ =	shalt  }
0x53: {  	_ =	shalt  }
0x54: {  	_ =	shalt  }
0x55: {  	_ =	shalt  }
0x56: {  	_ =	shalt  }
0x57: {  	_ =	shalt  }
0x58: {  	_ =	shalt  }
0x59: {  	_ =	shalt  }
0x5a: {  	_ =	shalt  }
0x5b: {  	_ =	shalt  }
0x5c: {  	_ =	shalt  }
0x5d: {  	_ =	shalt  }
0x5e: {  	_ =	shalt  }
0x5f: {  	_ =	shalt  }
0x60: {  	_ =	shalt  }
0x61: {  	_ =	shalt  }
0x62: {  	_ =	shalt  }
0x63: {  	_ =	shalt  }
0x64: {  	_ =	shalt  }
0x65: {  	_ =	shalt  }
0x66: {  	_ =	shalt  }
0x67: {  	_ =	shalt  }
0x68: {  	_ =	shalt  }
0x69: {  	_ =	shalt  }
0x6a: {  	_ =	shalt  }
0x6b: {  	_ =	shalt  }
0x6c: {  	_ =	shalt  }
0x6d: {  	_ =	shalt  }
0x6e: {  	_ =	shalt  }
0x6f: {  	_ =	shalt  }
0x70: {  	_ =	shalt  }
0x71: {  	_ =	shalt  }
0x72: {  	_ =	shalt  }
0x73: {  	_ =	shalt  }
0x74: {  	_ =	shalt  }
0x75: {  	_ =	shalt  }
0x76: {  	_ =	shalt  }
0x77: {  	_ =	shalt  }
0x78: {  	_ =	shalt  }
0x79: {  	_ =	shalt  }
0x7a: {  	_ =	shalt  }
0x7b: {  	_ =	shalt  }
0x7c: {  	_ =	shalt  }
0x7d: {  	_ =	shalt  }
0x7e: {  	_ =	shalt  }
0x7f: {  	_ =	shalt  }
0x80: {  	_ =	shalt  }
0x81: {  	_ =	shalt  }
0x82: {  	_ =	shalt  }
0x83: {  	_ =	shalt  }
0x84: {  	_ =	shalt  }
0x85: {  	_ =	shalt  }
0x86: {  	_ =	shalt  }
0x87: {  	_ =	shalt  }
.Lfunc_end0:
.L_simem_size_0:
called_computation_lowered:
.L_overlay_start_0:
0x88: {  	s2 =	sld [smem:$0x3FD9]  }
0x89: {  	s3 =	sld [smem:$0x3FFE];
	_ =	sdelay $0x1  }
0x8a: {  	s1 =	srdreg.scid  }
0x8b: {  	s0 =	sand.u32 $0x1, s1  }
0x8c: {  	s16 =	sshll.u32 s0, $0xA;
	s2 =	sadd.s32 s3, s2  }
0x8d: {  	s2 =	sadd.s32 s2, s16  }
0x8e: {  	[smem:$0x3FC6] =	sst s2  }
0x8f: {  	_ = 	snop  }
0x90: {  	(tm) =	ssettm $0x1  }
0x91: {  	s17 =	sld [smem:$0x3FFB];
	_ =	sdelay $0x3  }
0x92: {  	_ =	strace s17  }
0x93: {  	s2 =	sld [smem:$0x3FFC];
	_ =	sdelay $0x3  }
0x94: {  	_ =	strace s2  }
0x95: {  	s2 =	sld [smem:$0x3FFD];
	_ =	sdelay $0x3  }
0x96: {  	_ =	strace s2  }
0x97: {  	_ =	strace $0x8FFFFFFF  }
0x98: {  	s18 =	sld [smem:$0x3FDB];
	_ =	sdelay $0x1  }
0x99: {  	s19 =	simm.s32 $_scs_section_size  }
0x9a: {  	s4 =	simm.s32 $_size__tile_overlayer_lowered;
	s5 =	simm.s32 $_tile_overlayer_lowered  }
0x9b: {  	s22 =	simm.s32 $0x1BFF;
	s21 =	sshll.u32 s5, $0x1;
	s2 =	sadd.s32 s19, s18  }
0x9c: {  	s6 =	simm.s32 $0x0;
	s20 =	sshll.u32 s4, $0x1;
	s4 =	sadd.s32 s21, s2  }
0x9d: {  	[timem:s6], [sflag:s22] =	dma.local [hbm:s4], s20  }
0x9e: {  	_ =	swait.ge [sflag:s22], s20  }
0x9f: {  	s3 =	ssub.s32 $0x0, s20;
	[sflag:s22] =	ssyncset.done $0x0  }
0xa0: {  	[sflag:s22] =	ssyncadd.s32 s3;
	_ =	sdelay $0x1  }
0xa1: {  	s23 =	simm.s32 $0x1B8B  }
0xa2: {  	_ =	swait.ge [sflag:s23], $0x1  }
0xa3: {  	[sflag:s23] =	ssyncset.done $0x0  }
0xa4: {  	s25 =	simm.s32 $0x1B8E;
	s24 =	sld [smem:$0x3FFE];
	[sflag:s23] =	ssyncadd.s32 $0xFFFFFFFF  }
0xa5: {  	s26 =	simm.s32 $execute0_lowered;
	[smem:$0x3FD2] =	sst s25  }
0xa6: {  	s4 =	sshll.u32 s26, $0x1;
	_ =	strace $0x80000046;
	[dreg:$0x1] =	wrdreg $0xFFFFFFFF  }
0xa7: {  	s28 =	simm.s32 $_size_execute0_lowered;
	s2 =	sadd.s32 s2, s4;
	[dreg:$0x0] =	wrdreg $0x0  }
0xa8: {  	s4 =	sshll.u32 s28, $0x1;
	[dreg:$0x2] =	wrdreg s2  }
0xa9: {  	[dreg:$0x3] =	wrdreg s4  }
0xaa: {  	[dreg:$0x4] =	wrdreg $0xC0  }
0xab: {  	_ =	task [dreg:s6], $0x5FFFF  }
0xac: {  	[dreg:$0x1] =	wrdreg $0xFFFFFFFF  }
0xad: {  	[dreg:$0x0] =	wrdreg $0x60  }
0xae: {  	[dreg:$0x2] =	wrdreg s24  }
0xaf: {  	[dreg:$0x3] =	wrdreg $0x9  }
0xb0: {  	_ =	task.clear_ibuf [dreg:s6], $0x4FFFF;
	_ =	strace $0x90000046  }
0xb1: {  	s29 =	simm.s32 $0x9;
	_ =	strace $0x80000048  }
0xb2: {  	_ =	swait.ge [sflag:s29], $0x1  }
0xb3: {  	[sflag:s29] =	ssyncadd.s32 $0xFFFFFFFF  }
0xb4: {  	_ =	strace $0x90000048  }
0xb5: {  	_ =	sfence  }
0xb6: {  	s30 =	sld [smem:$0x0];
	_ =	sdelay $0x2  }
0xb7: {  	s31 =	sshll.u32 s1, $0xD;
	s1 =	sshrl.u32 s1, $0x2  }
0xb8: {  	s3 =	sand.u32 $0x4000, s31;
	s1 =	sadd.s32 s1, s30  }
0xb9: {  	s0 =	sor.u32 s3, s0;
	s1 =	sshll.u32 s1, $0x11  }
0xba: {  	s0 =	sor.u32 s1, s0  }
0xbb: {  	s0 =	sadd.s32 $0x8F2B, s0  }
0xbc: {  	[sflag:s0] =	ssyncadd.remote.s32 $0x1  }
0xbd: {  	_ =	sfence.sel $0xFFFF  }
0xbe: {  	[dreg:$0x0] =	wrdreg $0xFFFFFFFF;
	(pc) =	sbr.abs _section_cstart, $3  }
0xbf: {  	[dreg:$0x1] =	wrdreg $0xFFFFFFFF  }
0xc0: {  	_ =	task.clear_ibuf [dreg:s6], $0x2FFFF;
	_ =	strace $0x9FFFFFFF  }
0xc1: {  	(tm) =	ssettm $0x7FFFFFFF  }
tec
execute0_lowered:
.L_overlay_start_1:
0x0: {  	(tag) =	ssettag $0x1  }
0x1: {  	s0 =	rddreg [dreg:$0x0]  }
0x2: {  	s2 =	simm.s32 $0x0;
	s1 =	stileid.u32;
	s3 =	srdreg.scid  }
0x3: {  	s14 =	simm.s32 $0x2;
	s16 =	simm.s32 $0x19080;
	s17 =	simm.s32 $0x19A60  }
0x4: {  	s18 =	simm.s32 $0x1A440;
	s19 =	simm.s32 $0x1;
	s20 =	simm.s32 $0x100  }
0x5: {  	s21 =	simm.s32 $0x400;
	s22 =	simm.s32 $0x1AE20;
	s23 =	simm.s32 $0x0  }
0x6: {  	[smem:$0x7FF] =	sst s2;
	s5 =	sand.u32 $0x1, s3;
	s28 =	sshll.u32 s1, $0x5  }
0x7: {  	s6 =	sand.u32 $0x7, s1;
	s3 =	sadd.s32 $0xE00, s0;
	_ =	strace $0x80000047  }
0x8: {  	s4 =	sshll.u32 s5, $0x9;
	s7 =	sand.u32 $0x100, s28;
	s29 =	sshll.u32 s6, $0xB  }
0x9: {  	s6 =	smul.u32 $0x30D4, s6;
	s5 =	ssub.s32 $0x2, s5;
	s4 =	sor.u32 s4, s7  }
0xa: {  	s8 =	sshrl.u32 s5, $0x1;
	s7 =	sor.u32 s29, s4;
	s9 =	smul.u32 $0x9C8, s4  }
0xb: {  	s6 =	sadd.s32 s6, s0;
	s13 =	ssub.s32 s5, s8;
	s30 =	smul.u32 $0x139, s4  }
0xc: {  	s10 =	sor.u32 $0x5, s4;
	s11 =	sor.u32 $0x6, s4;
	s7 =	sshrl.u32 s7, $0x3  }
0xd: {  	s5 =	sadd.s32 $0x4F200, s6;
	s13 =	smax.u32 s13, $0x1;
	s0 =	sadd.s32 s7, s0  }
0xe: {  	s31 =	sadd.s32 $0x9C8, s9;
	s9 =	sshrl.u32 s9, $0x3;
	s6 =	sadd.s32 s3, s30  }
0xf: {  	s8 =	sshrl.u32 s31, $0x3;
	s9 =	sadd.s32 s3, s9;
	s12 =	sadd.s32 $0x67A00, s0  }
0x10: {  	v0 =	vimm.s32 $0x0;
	v1 =	vlaneseq.u32;
	s7 =	sadd.s32 s3, s8;
	s8 =	sadd.s32 $0x272, s9;
	s9 =	sor.u32 $0x4, s4  }
.LBB2_1:
0x11: {  	[tilespmem:s2], [sflag:$0x2] =	stream.linear.gather [hbm4b:s5+s2], $0x186A0, $0x38;
	[tilespmem:$0x1B020] =	vst v63  }
0x12: {  	_ =	swait.ge [sflag:s14], $0x186A0  }
0x13: {  	[sflag:s14] =	ssyncset.done $0x0  }
0x14: {  	[sflag:s14] =	ssyncadd.s32 $0xFFFE7960  }
0x15: {  	[tilespmem:$0x19060] =	vst v0  }
0x16: {  	[tilespmem:$0x19070] =	vst v0  }
0x17: {  	[tilespmem:$0x19A40] =	vst v0  }
0x18: {  	[tilespmem:$0x19A50] =	vst v0  }
0x19: {  	[tilespmem:$0x1A420] =	vst v0  }
0x1a: {  	[tilespmem:$0x1A430] =	vst v0  }
0x1b: {  	[tilespmem:$0x1AE00] =	vst v0  }
0x1c: {  	[tilespmem:$0x1AE10] =	vst v0  }
0x1d: {  	v2 =	vld.msk [tilespmem:s2+$0x0], $0xffff;
	_ =	sdelay $0x4  }
0x1e: {  	v3 =	vshll.u32 v2, $0x10  }
0x1f: {  	v2 =	vand.u32 $0xFFFF0000, v2;
	(xrf2) =	vadd.scan.msk.f32 $0xffff, v3  }
0x20: {  	(xrf2) =	vadd.scan.msk.f32 $0xffff, v2;
	_ =	sdelay $0x8  }
0x21: {  	v2, _, _ =	vpop (xrf2)  }
0x22: {  	(v2sf) =	vpush v2, $0xF;
	v2, _, _ =	vpop (xrf2)  }
0x23: {  	(v2sf) =	vpush v2, $0xF;
	_ =	sdelay $0x7  }
0x24: {  	s0 =	simm.s32 $0x186A0  }
0x25: {  	[tilespmem:s0], [sflag:$0x1] =	stream.linear.gather [hbm4b:s6+s2], $0x9C4, $0x38;
	[tilespmem:$0x1B020] =	vst v63  }
0x26: {  	_ = 	snop  }
0x27: {  	[tilespmem:s16], [sflag:$0x1] =	stream.linear.gather [hbm4b:s7+s2], $0x9C4, $0x38;
	[tilespmem:$0x1B020] =	vst v63  }
0x28: {  	_ = 	snop  }
0x29: {  	[tilespmem:s17], [sflag:$0x1] =	stream.linear.gather [hbm4b:s8+s2], $0x9C4, $0x38;
	[tilespmem:$0x1B020] =	vst v63  }
0x2a: {  	s30 =	spop (v2sf)  }
0x2b: {  	s24 =	smul.f32 $1.750000000e+00, s30;
	s31 =	spop (v2sf)  }
0x2c: {  	s26 =	simm.s32 $0x0;
	v3 =	vimm.f32 $0.0e+00;
	v2 =	vimm.f32 $0.0e+00;
	s25 =	smul.f32 $1.750000000e+00, s31  }
.LBB2_2:
0x2d: {  	s28 =	sshllo.u32 s26, $0x2  }
0x2e: {  	s0 =	sadd.s32 s4, s28  }
0x2f: {  	s0 =	smul.u32 $0x139, s0;
	_ =	sdelay $0x1  }
0x30: {  	s0 =	sadd.s32 s3, s0  }
0x31: {  	[tilespmem:s18], [sflag:$0x1] =	stream.linear.gather [hbm4b:s0+s2], $0x9C4, $0x38;
	[tilespmem:$0x1B020] =	vst v63  }
0x32: {  	_ =	swait.ge [sflag:s19], $0x9C4  }
0x33: {  	[sflag:s19] =	ssyncset.done $0x0  }
0x34: {  	s15 =	simm.s32 $0x18720;
	[sflag:s19] =	ssyncadd.s32 $0xFFFFF63C  }
0x35: {  	v4 =	vld [tilespmem:s15+$0x60]  }
0x36: {  	v5 =	vld [tilespmem:s15+$0x40]  }
0x37: {  	v6 =	vld [tilespmem:s15+$0x20]  }
0x38: {  	v7 =	vld [tilespmem:s15+$0x0]  }
0x39: {  	v9 =	vld [tilespmem:s15+$0x10]  }
0x3a: {  	v8 =	vld [tilespmem:s15+$0xFFFFFFE0]  }
0x3b: {  	v22 =	vld [tilespmem:s15+$0xFFFFFFF0]  }
0x3c: {  	v10 =	vld [tilespmem:s15+$0xFFFFFFC0]  }
0x3d: {  	v15 =	vld [tilespmem:s15+$0xFFFFFFD0]  }
0x3e: {  	v11 =	vld [tilespmem:s15+$0xFFFFFFA0]  }
0x3f: {  	v12 =	vld [tilespmem:s15+$0xFFFFFFB0]  }
0x40: {  	v13 =	vld [tilespmem:s15+$0xFFFFFF80]  }
0x41: {  	v14 =	vld [tilespmem:s15+$0xFFFFFF90]  }
0x42: {  	v16 =	vld.idx.msk [tilespmem:v4+s2+$0x0], $0xffff  }
0x43: {  	v18 =	vld.idx.msk [tilespmem:v5+s2+$0x0], $0xffff  }
0x44: {  	v19 =	vld.idx.msk [tilespmem:v6+s2+$0x0], $0xffff  }
0x45: {  	v20 =	vld.idx.msk [tilespmem:v7+s2+$0x0], $0xffff  }
0x46: {  	v23 =	vld.idx.msk [tilespmem:v8+s2+$0x0], $0xffff  }
0x47: {  	v24 =	vld.idx.msk [tilespmem:v10+s2+$0x0], $0xffff  }
0x48: {  	v25 =	vld.idx.msk [tilespmem:v11+s2+$0x0], $0xffff  }
0x49: {  	v26 =	vld.idx.msk [tilespmem:v13+s2+$0x0], $0xffff  }
0x4a: {  	v21 =	vld.idx.msk [tilespmem:v14+s2+$0x0], $0xffff;
	v4 =	vshll.u32 v16, $0x10;
	v5 =	vand.u32 $0xFFFF0000, v16;
	v8 =	vshll.u32 v19, $0x10  }
0x4b: {  	v17 =	vld [tilespmem:s15+$0x30];
	v6 =	vshll.u32 v18, $0x10;
	v7 =	vand.u32 $0xFFFF0000, v18;
	v11 =	vshll.u32 v20, $0x10  }
0x4c: {  	v18 =	vld.idx.msk [tilespmem:v12+s2+$0x0], $0xffff;
	v12 =	vand.u32 $0xFFFF0000, v20;
	v10 =	vand.u32 $0xFFFF0000, v19;
	v16 =	vshll.u32 v24, $0x10  }
0x4d: {  	v27 =	vld [tilespmem:s15+$0x50];
	v13 =	vshll.u32 v23, $0x10;
	v14 =	vand.u32 $0xFFFF0000, v23;
	v29 =	vshll.u32 v25, $0x10  }
0x4e: {  	v20 =	vld.idx.msk [tilespmem:v15+s2+$0x0], $0xffff;
	v28 =	vand.u32 $0xFFFF0000, v25;
	v25 =	vand.u32 $0xFFFF0000, v24;
	v31 =	vshll.u32 v26, $0x10  }
0x4f: {  	v15 =	vld [tilespmem:s15+$0x70];
	v32 =	vand.u32 $0xFFFF0000, v26;
	v30 =	vshll.u32 v21, $0x10;
	v19 =	vimm.f32 $0.0e+00  }
0x50: {  	s29 =	sshll.u32 s26, $0x2;
	s30 =	simm.s32 $0x0;
	s31 =	simm.s32 $0x18820;
	v26 =	vld.idx.msk [tilespmem:v22+s2+$0x0], $0xffff;
	v23 =	vimm.f32 $0.0e+00;
	v24 =	vimm.f32 $0.0e+00;
	v22 =	vimm.f32 $0.0e+00  }
.LBB2_3:
0x51: {  	v33 =	vld [tilespmem:s31+$0x60];
	v21 =	vand.u32 $0xFFFF0000, v21;
	v19 =	vadd.f32 v31, v19;
	v23 =	vadd.f32 v32, v23  }
0x52: {  	v24 =	vadd.f32 v30, v24;
	v21 =	vadd.f32 v21, v22;
	v22 =	vshll.u32 v18, $0x10;
	v30 =	vld.idx.msk [tilespmem:v9+s2+$0x0], $0xffff  }
0x53: {  	v9 =	vand.u32 $0xFFFF0000, v18;
	v31 =	vld [tilespmem:s31+$0x40];
	v18 =	vadd.f32 v29, v19;
	v19 =	vadd.f32 v28, v23  }
0x54: {  	v22 =	vadd.f32 v22, v24;
	v9 =	vadd.f32 v9, v21;
	v21 =	vshll.u32 v20, $0x10;
	v17 =	vld.idx.msk [tilespmem:v17+s2+$0x0], $0xffff  }
0x55: {  	v20 =	vand.u32 $0xFFFF0000, v20;
	v28 =	vld [tilespmem:s31+$0x20];
	v16 =	vadd.f32 v16, v18;
	v18 =	vadd.f32 v25, v19  }
0x56: {  	v19 =	vadd.f32 v21, v22;
	v9 =	vadd.f32 v20, v9;
	v20 =	vshll.u32 v26, $0x10;
	v21 =	vld.idx.msk [tilespmem:v27+s2+$0x0], $0xffff  }
0x57: {  	v22 =	vand.u32 $0xFFFF0000, v26;
	v25 =	vld [tilespmem:s31+$0x0];
	v13 =	vadd.f32 v13, v16;
	v14 =	vadd.f32 v14, v18  }
0x58: {  	v16 =	vadd.f32 v20, v19;
	v19 =	vshll.u32 v30, $0x10;
	v18 =	vadd.f32 v22, v9;
	v15 =	vld.idx.msk [tilespmem:v15+s2+$0x0], $0xffff  }
0x59: {  	v20 =	vand.u32 $0xFFFF0000, v30;
	v9 =	vld [tilespmem:s31+$0x10];
	v11 =	vadd.f32 v11, v13;
	v12 =	vadd.f32 v12, v14  }
0x5a: {  	v14 =	vadd.f32 v19, v16;
	v13 =	vld [tilespmem:s31+$0xFFFFFFE0];
	v16 =	vadd.f32 v20, v18;
	v18 =	vshll.u32 v17, $0x10  }
0x5b: {  	v17 =	vand.u32 $0xFFFF0000, v17;
	v26 =	vld [tilespmem:s31+$0xFFFFFFF0];
	v8 =	vadd.f32 v8, v11;
	v10 =	vadd.f32 v10, v12  }
0x5c: {  	v12 =	vadd.f32 v18, v14;
	v11 =	vld [tilespmem:s31+$0xFFFFFFC0];
	v14 =	vadd.f32 v17, v16;
	v16 =	vshll.u32 v21, $0x10  }
0x5d: {  	v17 =	vand.u32 $0xFFFF0000, v21;
	v20 =	vld [tilespmem:s31+$0xFFFFFFD0];
	v6 =	vadd.f32 v6, v8;
	v7 =	vadd.f32 v7, v10  }
0x5e: {  	v10 =	vadd.f32 v16, v12;
	v8 =	vld [tilespmem:s31+$0xFFFFFFA0];
	v12 =	vadd.f32 v17, v14;
	v14 =	vshll.u32 v15, $0x10  }
0x5f: {  	v15 =	vand.u32 $0xFFFF0000, v15;
	v16 =	vld [tilespmem:s31+$0xFFFFFFB0];
	v19 =	vadd.f32 v4, v6;
	v23 =	vadd.f32 v5, v7  }
0x60: {  	v24 =	vadd.f32 v14, v10;
	v4 =	vld [tilespmem:s31+$0xFFFFFF80];
	v22 =	vadd.f32 v15, v12  }
0x61: {  	v5 =	vld [tilespmem:s31+$0xFFFFFF90]  }
0x62: {  	v6 =	vld.idx.msk [tilespmem:v33+s2+$0x0], $0xffff  }
0x63: {  	s30 =	sadd.s32 $0x8, s30;
	v7 =	vld.idx.msk [tilespmem:v31+s2+$0x0], $0xffff  }
0x64: {  	p0 =	slt.u32 s30, $0x40;
	v10 =	vld.idx.msk [tilespmem:v28+s2+$0x0], $0xffff  }
0x65: {  	v12 =	vld.idx.msk [tilespmem:v25+s2+$0x0], $0xffff  }
0x66: {  	v14 =	vld.idx.msk [tilespmem:v13+s2+$0x0], $0xffff  }
0x67: {  	v15 =	vld.idx.msk [tilespmem:v11+s2+$0x0], $0xffff  }
0x68: {  	v25 =	vld.idx.msk [tilespmem:v8+s2+$0x0], $0xffff  }
0x69: {  	v30 =	vld.idx.msk [tilespmem:v4+s2+$0x0], $0xffff  }
0x6a: {  	v21 =	vld.idx.msk [tilespmem:v5+s2+$0x0], $0xffff  }
0x6b: {  	v4 =	vshll.u32 v6, $0x10;
	v5 =	vand.u32 $0xFFFF0000, v6;
	v17 =	vld [tilespmem:s31+$0x30]  }
.Ltmp0:
0x6c: {  	v8 =	vshll.u32 v10, $0x10;
	v6 =	vshll.u32 v7, $0x10;
	v7 =	vand.u32 $0xFFFF0000, v7;
	v18 =	vld.idx.msk [tilespmem:v16+s2+$0x0], $0xffff;
	(pc) =	sbr.rel @p0 .LBB2_3-.Ltmp0, $4  }
0x6d: {  	v10 =	vand.u32 $0xFFFF0000, v10;
	v11 =	vshll.u32 v12, $0x10;
	v12 =	vand.u32 $0xFFFF0000, v12;
	v27 =	vld [tilespmem:s31+$0x50]  }
0x6e: {  	v13 =	vshll.u32 v14, $0x10;
	v14 =	vand.u32 $0xFFFF0000, v14;
	v16 =	vshll.u32 v15, $0x10;
	v20 =	vld.idx.msk [tilespmem:v20+s2+$0x0], $0xffff  }
0x6f: {  	v29 =	vshll.u32 v25, $0x10;
	v28 =	vand.u32 $0xFFFF0000, v25;
	v25 =	vand.u32 $0xFFFF0000, v15;
	v15 =	vld [tilespmem:s31+$0x70]  }
0x70: {  	v31 =	vshll.u32 v30, $0x10;
	v32 =	vand.u32 $0xFFFF0000, v30;
	v30 =	vshll.u32 v21, $0x10;
	s31 =	sadd.s32 $0x100, s31;
	v26 =	vld.idx.msk [tilespmem:v26+s2+$0x0], $0xffff  }
0x71: {  	_ =	sdelay $0x3  }
0x72: {  	v9 =	vld.idx.msk [tilespmem:v9+s2+$0x0], $0xffff  }
0x73: {  	v17 =	vld.idx.msk [tilespmem:v17+s2+$0x0], $0xffff  }
0x74: {  	v33 =	vld [tilespmem:$0x18FA0]  }
0x75: {  	v19 =	vadd.f32 v31, v19;
	v31 =	vld [tilespmem:$0x18FB0]  }
0x76: {  	v24 =	vadd.f32 v30, v24;
	v30 =	vld [tilespmem:$0x18FC0]  }
0x77: {  	v23 =	vadd.f32 v32, v23;
	v21 =	vand.u32 $0xFFFF0000, v21;
	v27 =	vld.idx.msk [tilespmem:v27+s2+$0x0], $0xffff  }
0x78: {  	v21 =	vadd.f32 v21, v22;
	v22 =	vld [tilespmem:$0x18FD0];
	v19 =	vadd.f32 v29, v19;
	v29 =	vshll.u32 v18, $0x10  }
0x79: {  	v18 =	vand.u32 $0xFFFF0000, v18;
	v23 =	vadd.f32 v28, v23;
	v28 =	vld [tilespmem:$0x18FE0];
	v24 =	vadd.f32 v29, v24  }
0x7a: {  	v18 =	vadd.f32 v18, v21;
	v21 =	vshll.u32 v20, $0x10;
	v29 =	vld [tilespmem:$0x18FF0];
	v16 =	vadd.f32 v16, v19  }
0x7b: {  	v20 =	vand.u32 $0xFFFF0000, v20;
	v15 =	vld.idx.msk [tilespmem:v15+s2+$0x0], $0xffff;
	v19 =	vadd.f32 v25, v23;
	v21 =	vadd.f32 v21, v24  }
0x7c: {  	v23 =	vld [tilespmem:$0x19000];
	v18 =	vadd.f32 v20, v18;
	v20 =	vshll.u32 v26, $0x10;
	v13 =	vadd.f32 v13, v16  }
0x7d: {  	v24 =	vand.u32 $0xFFFF0000, v26;
	v14 =	vadd.f32 v14, v19;
	v19 =	vadd.f32 v20, v21;
	v16 =	vld.idx.msk [tilespmem:v33+s2+$0x0], $0xffff  }
0x7e: {  	v18 =	vadd.f32 v24, v18;
	v20 =	vshll.u32 v9, $0x10;
	v21 =	vld.idx.msk [tilespmem:v31+s2+$0x0], $0xffff;
	v11 =	vadd.f32 v11, v13  }
0x7f: {  	v9 =	vand.u32 $0xFFFF0000, v9;
	v12 =	vadd.f32 v12, v14;
	v13 =	vld.idx.msk [tilespmem:v30+s2+$0x0], $0xffff;
	v14 =	vadd.f32 v20, v19  }
0x80: {  	v9 =	vadd.f32 v9, v18;
	v18 =	vshll.u32 v17, $0x10;
	v19 =	vld.idx.msk [tilespmem:v22+s2+$0x0], $0xffff;
	v8 =	vadd.f32 v8, v11  }
0x81: {  	v17 =	vand.u32 $0xFFFF0000, v17;
	v10 =	vadd.f32 v10, v12;
	v11 =	vld.idx.msk [tilespmem:v28+s2+$0x0], $0xffff;
	v12 =	vadd.f32 v18, v14  }
0x82: {  	v9 =	vadd.f32 v17, v9;
	v14 =	vshll.u32 v27, $0x10;
	v17 =	vld.idx.msk [tilespmem:v29+s2+$0x0], $0xffff;
	v6 =	vadd.f32 v6, v8  }
0x83: {  	v18 =	vand.u32 $0xFFFF0000, v27;
	v7 =	vadd.f32 v7, v10;
	v8 =	vld [tilespmem:$0x19010];
	v10 =	vadd.f32 v14, v12  }
0x84: {  	v9 =	vadd.f32 v18, v9;
	v12 =	vshll.u32 v15, $0x10;
	v4 =	vadd.f32 v4, v6;
	v6 =	vld [tilespmem:$0x19020]  }
0x85: {  	v15 =	vand.u32 $0xFFFF0000, v15;
	v5 =	vadd.f32 v5, v7;
	v7 =	vadd.f32 v12, v10;
	v10 =	vld [tilespmem:$0x19030]  }
0x86: {  	v18 =	vld [tilespmem:$0x19040];
	v20 =	vand.u32 $0xFFFF0000, v21;
	v9 =	vadd.f32 v15, v9;
	v12 =	vshll.u32 v16, $0x10  }
0x87: {  	v15 =	vand.u32 $0xFFFF0000, v16;
	v16 =	vshll.u32 v21, $0x10;
	v21 =	vld [tilespmem:$0x19070];
	v4 =	vadd.f32 v12, v4  }
0x88: {  	v5 =	vadd.f32 v15, v5;
	v12 =	vld [tilespmem:$0x19050];
	v7 =	vadd.f32 v16, v7  }
0x89: {  	v14 =	vld.idx.msk [tilespmem:v23+s2+$0x0], $0xffff;
	v9 =	vadd.f32 v20, v9;
	v16 =	vshll.u32 v13, $0x10;
	v13 =	vand.u32 $0xFFFF0000, v13  }
0x8a: {  	v15 =	vld [tilespmem:$0x19060];
	v20 =	vshll.u32 v19, $0x10;
	v19 =	vand.u32 $0xFFFF0000, v19;
	v4 =	vadd.f32 v16, v4  }
0x8b: {  	v5 =	vadd.f32 v13, v5;
	v13 =	vshll.u32 v11, $0x10;
	v11 =	vand.u32 $0xFFFF0000, v11;
	v8 =	vld.idx.msk [tilespmem:v8+s2+$0x0], $0xffff  }
0x8c: {  	v16 =	vshll.u32 v17, $0x10;
	v7 =	vadd.f32 v20, v7;
	v9 =	vadd.f32 v19, v9;
	v6 =	vld.idx.msk [tilespmem:v6+s2+$0x0], $0xffff  }
0x8d: {  	v17 =	vand.u32 $0xFFFF0000, v17;
	v4 =	vadd.f32 v13, v4;
	v5 =	vadd.f32 v11, v5;
	v10 =	vld.idx.msk [tilespmem:v10+s2+$0x0], $0xffff  }
0x8e: {  	v13 =	vshll.u32 v14, $0x10;
	v14 =	vand.u32 $0xFFFF0000, v14;
	v7 =	vadd.f32 v16, v7;
	v11 =	vld.idx.msk [tilespmem:v18+s2+$0x0], $0xffff  }
0x8f: {  	v9 =	vadd.f32 v17, v9;
	v5 =	vadd.f32 v14, v5;
	v14 =	vld.idx.msk [tilespmem:v21+s2+$0x0], $0xffff  }
0x90: {  	v4 =	vadd.f32 v13, v4;
	v12 =	vld.idx.msk [tilespmem:v12+s2+$0x0], $0xffff;
	v16 =	vshll.u32 v8, $0x10;
	v8 =	vand.u32 $0xFFFF0000, v8  }
0x91: {  	v7 =	vadd.f32 v16, v7;
	v8 =	vadd.f32 v8, v9  }
0x92: {  	v13 =	vld.idx.msk [tilespmem:v15+s2+$0x0], $0xffff;
	v9 =	vshll.u32 v6, $0x10;
	v6 =	vand.u32 $0xFFFF0000, v6;
	v15 =	vshll.u32 v10, $0x10  }
0x93: {  	v4 =	vadd.f32 v9, v4;
	v9 =	vand.u32 $0xFFFF0000, v10;
	v5 =	vadd.f32 v6, v5  }
0x94: {  	v6 =	vadd.f32 v15, v7;
	v7 =	vadd.f32 v9, v8;
	v8 =	vshll.u32 v11, $0x10  }
0x95: {  	v10 =	vshll.u32 v14, $0x10;
	v9 =	vshll.u32 v12, $0x10;
	v4 =	vadd.f32 v8, v4  }
0x96: {  	v8 =	vand.u32 $0xFFFF0000, v11;
	v11 =	vand.u32 $0xFFFF0000, v12;
	v6 =	vadd.f32 v9, v6  }
0x97: {  	v9 =	vshll.u32 v13, $0x10;
	v5 =	vadd.f32 v8, v5;
	v7 =	vadd.f32 v11, v7  }
0x98: {  	v8 =	vand.u32 $0xFFFF0000, v13;
	v4 =	vadd.f32 v9, v4;
	v6 =	vadd.f32 v10, v6  }
0x99: {  	v9 =	vand.u32 $0xFFFF0000, v14;
	v5 =	vadd.f32 v8, v5  }
0x9a: {  	v4 =	vadd.f32 v6, v4;
	v6 =	vadd.f32 v9, v7;
	_ =	sdelay $0x1  }
0x9b: {  	(xrf2) =	vadd.scan.msk.f32 $0xffff, v4;
	v4 =	vadd.f32 v6, v5;
	_ =	sdelay $0x1  }
0x9c: {  	(xrf2) =	vadd.scan.msk.f32 $0xffff, v4;
	_ =	sdelay $0x8  }
0x9d: {  	v4, _, _ =	vpop (xrf2)  }
0x9e: {  	(v2sf) =	vpush v4, $0xF;
	v4, _, _ =	vpop (xrf2)  }
0x9f: {  	(v2sf) =	vpush v4, $0xF;
	_ =	sdelay $0x7  }
0xa0: {  	p0 =	seq.s32 s26, $0x3F  }
0xa1: {  	s0 =	sadd.s32 @!p0 s29, s9  }
0xa2: {  	s0 =	smul.u32 @!p0 $0x139, s0;
	_ =	sdelay $0x1  }
0xa3: {  	s31 =	simm.s32 @!p0 $0x0;
	s1 =	simm.s32 @!p0 $0x186A0;
	s0 =	sadd.s32 @!p0 s3, s0  }
0xa4: {  	[tilespmem:s1], [sflag:$0x1] =	stream.linear.gather @!p0 [hbm4b:s0+s31], $0x9C4, $0x38;
	[tilespmem:$0x1B020] =	vst v63  }
0xa5: {  	s30 =	spop (v2sf)  }
0xa6: {  	s1 =	spop (v2sf)  }
0xa7: {  	_ =	swait.ge [sflag:s19], $0x9C4  }
0xa8: {  	[sflag:s19] =	ssyncset.done $0x0  }
0xa9: {  	s15 =	simm.s32 $0x19100;
	[sflag:s19] =	ssyncadd.s32 $0xFFFFF63C  }
0xaa: {  	v4 =	vld [tilespmem:s15+$0x60]  }
0xab: {  	v5 =	vld [tilespmem:s15+$0x40]  }
0xac: {  	v6 =	vld [tilespmem:s15+$0x20]  }
0xad: {  	v7 =	vld [tilespmem:s15+$0x0]  }
0xae: {  	v8 =	vld [tilespmem:s15+$0x10]  }
0xaf: {  	v9 =	vld [tilespmem:s15+$0xFFFFFFE0]  }
0xb0: {  	v21 =	vld [tilespmem:s15+$0xFFFFFFF0]  }
0xb1: {  	v10 =	vld [tilespmem:s15+$0xFFFFFFC0]  }
0xb2: {  	v16 =	vld [tilespmem:s15+$0xFFFFFFD0]  }
0xb3: {  	v11 =	vld [tilespmem:s15+$0xFFFFFFA0]  }
0xb4: {  	v12 =	vld [tilespmem:s15+$0xFFFFFFB0]  }
0xb5: {  	v13 =	vld [tilespmem:s15+$0xFFFFFF80]  }
0xb6: {  	v14 =	vld [tilespmem:s15+$0xFFFFFF90]  }
0xb7: {  	v15 =	vld.idx.msk [tilespmem:v4+s2+$0x0], $0xffff  }
0xb8: {  	v17 =	vld.idx.msk [tilespmem:v5+s2+$0x0], $0xffff  }
0xb9: {  	v20 =	vld.idx.msk [tilespmem:v6+s2+$0x0], $0xffff  }
0xba: {  	s31 =	ssub.f32 s30, s24;
	v22 =	vld.idx.msk [tilespmem:v7+s2+$0x0], $0xffff  }
0xbb: {  	s30 =	sand.u32 $0xC, s29;
	s0 =	ssub.f32 s1, s25;
	v23 =	vld.idx.msk [tilespmem:v9+s2+$0x0], $0xffff  }
0xbc: {  	s31 =	smul.f32 $3.999999900e-04, s31;
	v4 =	vmov s30;
	v25 =	vld.idx.msk [tilespmem:v10+s2+$0x0], $0xffff  }
0xbd: {  	s0 =	smul.f32 $3.999999900e-04, s0;
	v26 =	vld.idx.msk [tilespmem:v11+s2+$0x0], $0xffff;
	vm0 =	veq.s32 v4, v1  }
0xbe: {  	v30 =	vld.idx.msk [tilespmem:v13+s2+$0x0], $0xffff;
	v13 =	vimm.f32 $0.0e+00;
	v2 =	vsel vm0, s31, v2  }
0xbf: {  	v24 =	vld.idx.msk [tilespmem:v14+s2+$0x0], $0xffff;
	v3 =	vsel vm0, s0, v3;
	v4 =	vshll.u32 v15, $0x10;
	v5 =	vand.u32 $0xFFFF0000, v15  }
0xc0: {  	v18 =	vld [tilespmem:s15+$0x30];
	v9 =	vshll.u32 v20, $0x10;
	v6 =	vshll.u32 v17, $0x10;
	v7 =	vand.u32 $0xFFFF0000, v17  }
0xc1: {  	v19 =	vld.idx.msk [tilespmem:v12+s2+$0x0], $0xffff;
	v11 =	vshll.u32 v22, $0x10;
	v12 =	vand.u32 $0xFFFF0000, v22;
	v10 =	vand.u32 $0xFFFF0000, v20  }
0xc2: {  	v27 =	vld [tilespmem:s15+$0x50];
	v17 =	vshll.u32 v25, $0x10;
	v14 =	vshll.u32 v23, $0x10;
	v15 =	vand.u32 $0xFFFF0000, v23  }
0xc3: {  	v20 =	vld.idx.msk [tilespmem:v16+s2+$0x0], $0xffff;
	v29 =	vshll.u32 v26, $0x10;
	v28 =	vand.u32 $0xFFFF0000, v26;
	v26 =	vand.u32 $0xFFFF0000, v25  }
0xc4: {  	v16 =	vld [tilespmem:s15+$0x70];
	v32 =	vshll.u32 v30, $0x10;
	v31 =	vand.u32 $0xFFFF0000, v30;
	v30 =	vshll.u32 v24, $0x10  }
0xc5: {  	s31 =	simm.s32 $0x0;
	s0 =	simm.s32 $0x19200;
	v25 =	vld.idx.msk [tilespmem:v21+s2+$0x0], $0xffff;
	v22 =	vimm.f32 $0.0e+00;
	v23 =	vimm.f32 $0.0e+00;
	v21 =	vimm.f32 $0.0e+00  }
.LBB2_5:
0xc6: {  	v33 =	vld [tilespmem:s0+$0x60];
	v24 =	vand.u32 $0xFFFF0000, v24;
	v13 =	vadd.f32 v32, v13;
	v22 =	vadd.f32 v31, v22  }
0xc7: {  	v23 =	vadd.f32 v30, v23;
	v21 =	vadd.f32 v24, v21;
	v24 =	vshll.u32 v19, $0x10;
	v30 =	vld.idx.msk [tilespmem:v8+s2+$0x0], $0xffff  }
0xc8: {  	v8 =	vand.u32 $0xFFFF0000, v19;
	v31 =	vld [tilespmem:s0+$0x40];
	v13 =	vadd.f32 v29, v13;
	v19 =	vadd.f32 v28, v22  }
0xc9: {  	v22 =	vadd.f32 v24, v23;
	v8 =	vadd.f32 v8, v21;
	v21 =	vshll.u32 v20, $0x10;
	v18 =	vld.idx.msk [tilespmem:v18+s2+$0x0], $0xffff  }
0xca: {  	v20 =	vand.u32 $0xFFFF0000, v20;
	v24 =	vld [tilespmem:s0+$0x20];
	v13 =	vadd.f32 v17, v13;
	v17 =	vadd.f32 v26, v19  }
0xcb: {  	v19 =	vadd.f32 v21, v22;
	v8 =	vadd.f32 v20, v8;
	v20 =	vshll.u32 v25, $0x10;
	v21 =	vld.idx.msk [tilespmem:v27+s2+$0x0], $0xffff  }
0xcc: {  	v22 =	vand.u32 $0xFFFF0000, v25;
	v26 =	vld [tilespmem:s0+$0x0];
	v13 =	vadd.f32 v14, v13;
	v14 =	vadd.f32 v15, v17  }
0xcd: {  	v15 =	vadd.f32 v20, v19;
	v19 =	vshll.u32 v30, $0x10;
	v17 =	vadd.f32 v22, v8;
	v16 =	vld.idx.msk [tilespmem:v16+s2+$0x0], $0xffff  }
0xce: {  	v20 =	vand.u32 $0xFFFF0000, v30;
	v8 =	vld [tilespmem:s0+$0x10];
	v11 =	vadd.f32 v11, v13;
	v12 =	vadd.f32 v12, v14  }
0xcf: {  	v13 =	vadd.f32 v19, v15;
	v14 =	vld [tilespmem:s0+$0xFFFFFFE0];
	v15 =	vadd.f32 v20, v17;
	v17 =	vshll.u32 v18, $0x10  }
0xd0: {  	v18 =	vand.u32 $0xFFFF0000, v18;
	v25 =	vld [tilespmem:s0+$0xFFFFFFF0];
	v9 =	vadd.f32 v9, v11;
	v10 =	vadd.f32 v10, v12  }
0xd1: {  	v12 =	vadd.f32 v17, v13;
	v11 =	vld [tilespmem:s0+$0xFFFFFFC0];
	v13 =	vadd.f32 v18, v15;
	v15 =	vshll.u32 v21, $0x10  }
0xd2: {  	v18 =	vand.u32 $0xFFFF0000, v21;
	v17 =	vld [tilespmem:s0+$0xFFFFFFD0];
	v6 =	vadd.f32 v6, v9;
	v7 =	vadd.f32 v7, v10  }
0xd3: {  	v10 =	vadd.f32 v15, v12;
	v15 =	vshll.u32 v16, $0x10;
	v9 =	vld [tilespmem:s0+$0xFFFFFFA0];
	v12 =	vadd.f32 v18, v13  }
0xd4: {  	v16 =	vand.u32 $0xFFFF0000, v16;
	v19 =	vld [tilespmem:s0+$0xFFFFFFB0];
	v13 =	vadd.f32 v4, v6;
	v22 =	vadd.f32 v5, v7  }
0xd5: {  	v23 =	vadd.f32 v15, v10;
	v4 =	vld [tilespmem:s0+$0xFFFFFF80];
	v21 =	vadd.f32 v16, v12  }
0xd6: {  	v5 =	vld [tilespmem:s0+$0xFFFFFF90]  }
0xd7: {  	v6 =	vld.idx.msk [tilespmem:v33+s2+$0x0], $0xffff  }
0xd8: {  	s31 =	sadd.s32 $0x8, s31;
	v7 =	vld.idx.msk [tilespmem:v31+s2+$0x0], $0xffff  }
0xd9: {  	p1 =	slt.u32 s31, $0x40;
	v10 =	vld.idx.msk [tilespmem:v24+s2+$0x0], $0xffff  }
0xda: {  	v12 =	vld.idx.msk [tilespmem:v26+s2+$0x0], $0xffff  }
0xdb: {  	v15 =	vld.idx.msk [tilespmem:v14+s2+$0x0], $0xffff  }
0xdc: {  	v16 =	vld.idx.msk [tilespmem:v11+s2+$0x0], $0xffff  }
0xdd: {  	v26 =	vld.idx.msk [tilespmem:v9+s2+$0x0], $0xffff  }
0xde: {  	v30 =	vld.idx.msk [tilespmem:v4+s2+$0x0], $0xffff  }
0xdf: {  	v24 =	vld.idx.msk [tilespmem:v5+s2+$0x0], $0xffff  }
0xe0: {  	v4 =	vshll.u32 v6, $0x10;
	v5 =	vand.u32 $0xFFFF0000, v6;
	v18 =	vld [tilespmem:s0+$0x30]  }
.Ltmp1:
0xe1: {  	v9 =	vshll.u32 v10, $0x10;
	v6 =	vshll.u32 v7, $0x10;
	v7 =	vand.u32 $0xFFFF0000, v7;
	v19 =	vld.idx.msk [tilespmem:v19+s2+$0x0], $0xffff;
	(pc) =	sbr.rel @p1 .LBB2_5-.Ltmp1, $4  }
0xe2: {  	v10 =	vand.u32 $0xFFFF0000, v10;
	v11 =	vshll.u32 v12, $0x10;
	v12 =	vand.u32 $0xFFFF0000, v12;
	v27 =	vld [tilespmem:s0+$0x50]  }
0xe3: {  	v14 =	vshll.u32 v15, $0x10;
	v15 =	vand.u32 $0xFFFF0000, v15;
	v20 =	vld.idx.msk [tilespmem:v17+s2+$0x0], $0xffff;
	v17 =	vshll.u32 v16, $0x10  }
0xe4: {  	v29 =	vshll.u32 v26, $0x10;
	v28 =	vand.u32 $0xFFFF0000, v26;
	v26 =	vand.u32 $0xFFFF0000, v16;
	v16 =	vld [tilespmem:s0+$0x70]  }
0xe5: {  	v32 =	vshll.u32 v30, $0x10;
	v31 =	vand.u32 $0xFFFF0000, v30;
	v30 =	vshll.u32 v24, $0x10;
	s0 =	sadd.s32 $0x100, s0;
	v25 =	vld.idx.msk [tilespmem:v25+s2+$0x0], $0xffff  }
0xe6: {  	_ =	sdelay $0x3  }
0xe7: {  	v8 =	vld.idx.msk [tilespmem:v8+s2+$0x0], $0xffff  }
0xe8: {  	v18 =	vld.idx.msk [tilespmem:v18+s2+$0x0], $0xffff  }
0xe9: {  	v33 =	vld [tilespmem:$0x19980]  }
0xea: {  	v63 =	vld [tilespmem:$0x19990]  }
0xeb: {  	v13 =	vadd.f32 v32, v13;
	v23 =	vadd.f32 v30, v23;
	v30 =	vld [tilespmem:$0x199A0]  }
0xec: {  	v22 =	vadd.f32 v31, v22;
	v24 =	vand.u32 $0xFFFF0000, v24;
	v27 =	vld.idx.msk [tilespmem:v27+s2+$0x0], $0xffff  }
0xed: {  	v21 =	vadd.f32 v24, v21;
	v24 =	vld [tilespmem:$0x199B0];
	v13 =	vadd.f32 v29, v13;
	v29 =	vshll.u32 v19, $0x10  }
0xee: {  	v19 =	vand.u32 $0xFFFF0000, v19;
	v22 =	vadd.f32 v28, v22;
	v28 =	vld [tilespmem:$0x199C0];
	v23 =	vadd.f32 v29, v23  }
0xef: {  	v19 =	vadd.f32 v19, v21;
	v21 =	vshll.u32 v20, $0x10;
	v29 =	vld [tilespmem:$0x199D0];
	v13 =	vadd.f32 v17, v13  }
0xf0: {  	v20 =	vand.u32 $0xFFFF0000, v20;
	v16 =	vld.idx.msk [tilespmem:v16+s2+$0x0], $0xffff;
	v17 =	vadd.f32 v26, v22;
	v21 =	vadd.f32 v21, v23  }
0xf1: {  	v22 =	vld [tilespmem:$0x199E0];
	v19 =	vadd.f32 v20, v19;
	v20 =	vshll.u32 v25, $0x10;
	v13 =	vadd.f32 v14, v13  }
0xf2: {  	v23 =	vand.u32 $0xFFFF0000, v25;
	v14 =	vadd.f32 v15, v17;
	v17 =	vadd.f32 v20, v21;
	v15 =	vld.idx.msk [tilespmem:v33+s2+$0x0], $0xffff  }
0xf3: {  	v19 =	vadd.f32 v23, v19;
	v20 =	vshll.u32 v8, $0x10;
	v21 =	vld.idx.msk [tilespmem:v63+s2+$0x0], $0xffff;
	v11 =	vadd.f32 v11, v13  }
0xf4: {  	v8 =	vand.u32 $0xFFFF0000, v8;
	v12 =	vadd.f32 v12, v14;
	v13 =	vld.idx.msk [tilespmem:v30+s2+$0x0], $0xffff;
	v14 =	vadd.f32 v20, v17  }
0xf5: {  	v8 =	vadd.f32 v8, v19;
	v17 =	vshll.u32 v18, $0x10;
	v19 =	vld.idx.msk [tilespmem:v24+s2+$0x0], $0xffff;
	v9 =	vadd.f32 v9, v11  }
0xf6: {  	v18 =	vand.u32 $0xFFFF0000, v18;
	v10 =	vadd.f32 v10, v12;
	v11 =	vld.idx.msk [tilespmem:v28+s2+$0x0], $0xffff;
	v12 =	vadd.f32 v17, v14  }
0xf7: {  	v8 =	vadd.f32 v18, v8;
	v14 =	vshll.u32 v27, $0x10;
	v17 =	vld.idx.msk [tilespmem:v29+s2+$0x0], $0xffff;
	v6 =	vadd.f32 v6, v9  }
0xf8: {  	v18 =	vand.u32 $0xFFFF0000, v27;
	v7 =	vadd.f32 v7, v10;
	v9 =	vld [tilespmem:$0x199F0];
	v10 =	vadd.f32 v14, v12  }
0xf9: {  	v8 =	vadd.f32 v18, v8;
	v12 =	vshll.u32 v16, $0x10;
	v4 =	vadd.f32 v4, v6;
	v6 =	vld [tilespmem:$0x19A00]  }
0xfa: {  	v16 =	vand.u32 $0xFFFF0000, v16;
	v5 =	vadd.f32 v5, v7;
	v7 =	vadd.f32 v12, v10;
	v10 =	vld [tilespmem:$0x19A10]  }
0xfb: {  	v18 =	vld [tilespmem:$0x19A20];
	v20 =	vand.u32 $0xFFFF0000, v21;
	v8 =	vadd.f32 v16, v8;
	v12 =	vshll.u32 v15, $0x10  }
0xfc: {  	v15 =	vand.u32 $0xFFFF0000, v15;
	v16 =	vshll.u32 v21, $0x10;
	v21 =	vld [tilespmem:$0x19A50];
	v4 =	vadd.f32 v12, v4  }
0xfd: {  	v5 =	vadd.f32 v15, v5;
	v12 =	vld [tilespmem:$0x19A30];
	v7 =	vadd.f32 v16, v7  }
0xfe: {  	v14 =	vld.idx.msk [tilespmem:v22+s2+$0x0], $0xffff;
	v8 =	vadd.f32 v20, v8;
	v16 =	vshll.u32 v13, $0x10;
	v13 =	vand.u32 $0xFFFF0000, v13  }
0xff: {  	v15 =	vld [tilespmem:$0x19A40];
	v20 =	vshll.u32 v19, $0x10;
	v19 =	vand.u32 $0xFFFF0000, v19;
	v4 =	vadd.f32 v16, v4  }
0x100: {  	v5 =	vadd.f32 v13, v5;
	v13 =	vshll.u32 v11, $0x10;
	v11 =	vand.u32 $0xFFFF0000, v11;
	v9 =	vld.idx.msk [tilespmem:v9+s2+$0x0], $0xffff  }
0x101: {  	v16 =	vshll.u32 v17, $0x10;
	v7 =	vadd.f32 v20, v7;
	v8 =	vadd.f32 v19, v8;
	v6 =	vld.idx.msk [tilespmem:v6+s2+$0x0], $0xffff  }
0x102: {  	v17 =	vand.u32 $0xFFFF0000, v17;
	v4 =	vadd.f32 v13, v4;
	v5 =	vadd.f32 v11, v5;
	v10 =	vld.idx.msk [tilespmem:v10+s2+$0x0], $0xffff  }
0x103: {  	v13 =	vshll.u32 v14, $0x10;
	v14 =	vand.u32 $0xFFFF0000, v14;
	v7 =	vadd.f32 v16, v7;
	v11 =	vld.idx.msk [tilespmem:v18+s2+$0x0], $0xffff  }
0x104: {  	v8 =	vadd.f32 v17, v8;
	v5 =	vadd.f32 v14, v5;
	v14 =	vld.idx.msk [tilespmem:v21+s2+$0x0], $0xffff  }
0x105: {  	v4 =	vadd.f32 v13, v4;
	v12 =	vld.idx.msk [tilespmem:v12+s2+$0x0], $0xffff;
	v16 =	vshll.u32 v9, $0x10;
	v9 =	vand.u32 $0xFFFF0000, v9  }
0x106: {  	v7 =	vadd.f32 v16, v7;
	v8 =	vadd.f32 v9, v8  }
0x107: {  	v13 =	vld.idx.msk [tilespmem:v15+s2+$0x0], $0xffff;
	v9 =	vshll.u32 v6, $0x10;
	v6 =	vand.u32 $0xFFFF0000, v6;
	v15 =	vshll.u32 v10, $0x10  }
0x108: {  	v4 =	vadd.f32 v9, v4;
	v9 =	vand.u32 $0xFFFF0000, v10;
	v5 =	vadd.f32 v6, v5  }
0x109: {  	v6 =	vadd.f32 v15, v7;
	v7 =	vadd.f32 v9, v8;
	v8 =	vshll.u32 v11, $0x10  }
0x10a: {  	v10 =	vshll.u32 v14, $0x10;
	v9 =	vshll.u32 v12, $0x10;
	v4 =	vadd.f32 v8, v4  }
0x10b: {  	v8 =	vand.u32 $0xFFFF0000, v11;
	v11 =	vand.u32 $0xFFFF0000, v12;
	v6 =	vadd.f32 v9, v6  }
0x10c: {  	v9 =	vshll.u32 v13, $0x10;
	v5 =	vadd.f32 v8, v5;
	v7 =	vadd.f32 v11, v7  }
0x10d: {  	v8 =	vand.u32 $0xFFFF0000, v13;
	v4 =	vadd.f32 v9, v4;
	v6 =	vadd.f32 v10, v6  }
0x10e: {  	v9 =	vand.u32 $0xFFFF0000, v14;
	v5 =	vadd.f32 v8, v5  }
0x10f: {  	v4 =	vadd.f32 v6, v4;
	v6 =	vadd.f32 v9, v7;
	_ =	sdelay $0x1  }
0x110: {  	(xrf2) =	vadd.scan.msk.f32 $0xffff, v4;
	v4 =	vadd.f32 v6, v5;
	_ =	sdelay $0x1  }
0x111: {  	(xrf2) =	vadd.scan.msk.f32 $0xffff, v4;
	_ =	sdelay $0x8  }
0x112: {  	v4, _, _ =	vpop (xrf2)  }
0x113: {  	(v2sf) =	vpush v4, $0xF;
	v4, _, _ =	vpop (xrf2)  }
0x114: {  	(v2sf) =	vpush v4, $0xF;
	_ =	sdelay $0x8  }
0x115: {  	s0 =	sadd.s32 @!p0 s29, s10  }
0x116: {  	s0 =	smul.u32 @!p0 $0x139, s0;
	_ =	sdelay $0x1  }
0x117: {  	s31 =	simm.s32 @!p0 $0x0;
	s15 =	simm.s32 @!p0 $0x19080;
	s0 =	sadd.s32 @!p0 s3, s0  }
0x118: {  	[tilespmem:s15], [sflag:$0x1] =	stream.linear.gather @!p0 [hbm4b:s0+s31], $0x9C4, $0x38;
	[tilespmem:$0x1B020] =	vst v63  }
0x119: {  	s1 =	spop (v2sf)  }
0x11a: {  	s0 =	spop (v2sf)  }
0x11b: {  	_ =	swait.ge [sflag:s19], $0x9C4  }
0x11c: {  	[sflag:s19] =	ssyncset.done $0x0  }
0x11d: {  	s15 =	simm.s32 $0x19AE0;
	[sflag:s19] =	ssyncadd.s32 $0xFFFFF63C  }
0x11e: {  	v4 =	vld [tilespmem:s15+$0x60]  }
0x11f: {  	v5 =	vld [tilespmem:s15+$0x40]  }
0x120: {  	v6 =	vld [tilespmem:s15+$0x20]  }
0x121: {  	v7 =	vld [tilespmem:s15+$0x0]  }
0x122: {  	v8 =	vld [tilespmem:s15+$0x10]  }
0x123: {  	v9 =	vld [tilespmem:s15+$0xFFFFFFE0]  }
0x124: {  	v22 =	vld [tilespmem:s15+$0xFFFFFFF0]  }
0x125: {  	v10 =	vld [tilespmem:s15+$0xFFFFFFC0]  }
0x126: {  	v18 =	vld [tilespmem:s15+$0xFFFFFFD0]  }
0x127: {  	v11 =	vld [tilespmem:s15+$0xFFFFFFA0]  }
0x128: {  	v12 =	vld [tilespmem:s15+$0xFFFFFFB0]  }
0x129: {  	v13 =	vld [tilespmem:s15+$0xFFFFFF80]  }
0x12a: {  	v14 =	vld [tilespmem:s15+$0xFFFFFF90]  }
0x12b: {  	v15 =	vld.idx.msk [tilespmem:v4+s2+$0x0], $0xffff  }
0x12c: {  	v17 =	vld.idx.msk [tilespmem:v5+s2+$0x0], $0xffff  }
0x12d: {  	v20 =	vld.idx.msk [tilespmem:v6+s2+$0x0], $0xffff  }
0x12e: {  	s1 =	ssub.f32 s1, s24;
	v21 =	vld.idx.msk [tilespmem:v7+s2+$0x0], $0xffff  }
0x12f: {  	s31 =	sor.u32 $0x1, s30;
	s0 =	ssub.f32 s0, s25;
	v23 =	vld.idx.msk [tilespmem:v9+s2+$0x0], $0xffff  }
0x130: {  	s1 =	smul.f32 $3.999999900e-04, s1;
	v4 =	vmov s31;
	v24 =	vld.idx.msk [tilespmem:v10+s2+$0x0], $0xffff  }
0x131: {  	s0 =	smul.f32 $3.999999900e-04, s0;
	v26 =	vld.idx.msk [tilespmem:v11+s2+$0x0], $0xffff;
	vm0 =	veq.s32 v4, v1  }
0x132: {  	v30 =	vld.idx.msk [tilespmem:v13+s2+$0x0], $0xffff;
	v13 =	vimm.f32 $0.0e+00;
	v2 =	vsel vm0, s1, v2  }
0x133: {  	v25 =	vld.idx.msk [tilespmem:v14+s2+$0x0], $0xffff;
	v3 =	vsel vm0, s0, v3;
	v4 =	vshll.u32 v15, $0x10;
	v5 =	vand.u32 $0xFFFF0000, v15  }
0x134: {  	v16 =	vld [tilespmem:s15+$0x30];
	v9 =	vshll.u32 v20, $0x10;
	v6 =	vshll.u32 v17, $0x10;
	v7 =	vand.u32 $0xFFFF0000, v17  }
0x135: {  	v19 =	vld.idx.msk [tilespmem:v12+s2+$0x0], $0xffff;
	v11 =	vshll.u32 v21, $0x10;
	v12 =	vand.u32 $0xFFFF0000, v21;
	v10 =	vand.u32 $0xFFFF0000, v20  }
0x136: {  	v21 =	vld [tilespmem:s15+$0x50];
	v17 =	vshll.u32 v24, $0x10;
	v14 =	vshll.u32 v23, $0x10;
	v15 =	vand.u32 $0xFFFF0000, v23  }
0x137: {  	v20 =	vld.idx.msk [tilespmem:v18+s2+$0x0], $0xffff;
	v28 =	vshll.u32 v26, $0x10;
	v29 =	vand.u32 $0xFFFF0000, v26;
	v27 =	vand.u32 $0xFFFF0000, v24  }
0x138: {  	v18 =	vld [tilespmem:s15+$0x70];
	v31 =	vshll.u32 v30, $0x10;
	v32 =	vand.u32 $0xFFFF0000, v30;
	v30 =	vshll.u32 v25, $0x10  }
0x139: {  	s31 =	simm.s32 $0x0;
	s0 =	simm.s32 $0x19BE0;
	v26 =	vld.idx.msk [tilespmem:v22+s2+$0x0], $0xffff;
	v24 =	vimm.f32 $0.0e+00;
	v22 =	vimm.f32 $0.0e+00;
	v23 =	vimm.f32 $0.0e+00  }
.LBB2_7:
0x13a: {  	v33 =	vld [tilespmem:s0+$0x60];
	v25 =	vand.u32 $0xFFFF0000, v25;
	v13 =	vadd.f32 v31, v13;
	v24 =	vadd.f32 v32, v24  }
0x13b: {  	v22 =	vadd.f32 v30, v22;
	v23 =	vadd.f32 v25, v23;
	v25 =	vshll.u32 v19, $0x10;
	v30 =	vld.idx.msk [tilespmem:v8+s2+$0x0], $0xffff  }
0x13c: {  	v8 =	vand.u32 $0xFFFF0000, v19;
	v31 =	vld [tilespmem:s0+$0x40];
	v13 =	vadd.f32 v28, v13;
	v19 =	vadd.f32 v29, v24  }
0x13d: {  	v22 =	vadd.f32 v25, v22;
	v8 =	vadd.f32 v8, v23;
	v23 =	vshll.u32 v20, $0x10;
	v16 =	vld.idx.msk [tilespmem:v16+s2+$0x0], $0xffff  }
0x13e: {  	v20 =	vand.u32 $0xFFFF0000, v20;
	v25 =	vld [tilespmem:s0+$0x20];
	v13 =	vadd.f32 v17, v13;
	v17 =	vadd.f32 v27, v19  }
0x13f: {  	v19 =	vadd.f32 v23, v22;
	v8 =	vadd.f32 v20, v8;
	v20 =	vshll.u32 v26, $0x10;
	v21 =	vld.idx.msk [tilespmem:v21+s2+$0x0], $0xffff  }
0x140: {  	v22 =	vand.u32 $0xFFFF0000, v26;
	v27 =	vld [tilespmem:s0+$0x0];
	v13 =	vadd.f32 v14, v13;
	v14 =	vadd.f32 v15, v17  }
0x141: {  	v15 =	vadd.f32 v20, v19;
	v19 =	vshll.u32 v30, $0x10;
	v17 =	vadd.f32 v22, v8;
	v18 =	vld.idx.msk [tilespmem:v18+s2+$0x0], $0xffff  }
0x142: {  	v20 =	vand.u32 $0xFFFF0000, v30;
	v8 =	vld [tilespmem:s0+$0x10];
	v11 =	vadd.f32 v11, v13;
	v12 =	vadd.f32 v12, v14  }
0x143: {  	v13 =	vadd.f32 v19, v15;
	v14 =	vld [tilespmem:s0+$0xFFFFFFE0];
	v15 =	vadd.f32 v20, v17;
	v17 =	vshll.u32 v16, $0x10  }
0x144: {  	v16 =	vand.u32 $0xFFFF0000, v16;
	v26 =	vld [tilespmem:s0+$0xFFFFFFF0];
	v9 =	vadd.f32 v9, v11;
	v10 =	vadd.f32 v10, v12  }
0x145: {  	v12 =	vadd.f32 v17, v13;
	v11 =	vld [tilespmem:s0+$0xFFFFFFC0];
	v13 =	vadd.f32 v16, v15;
	v15 =	vshll.u32 v21, $0x10  }
0x146: {  	v16 =	vand.u32 $0xFFFF0000, v21;
	v17 =	vld [tilespmem:s0+$0xFFFFFFD0];
	v6 =	vadd.f32 v6, v9;
	v7 =	vadd.f32 v7, v10  }
0x147: {  	v10 =	vadd.f32 v15, v12;
	v15 =	vshll.u32 v18, $0x10;
	v9 =	vld [tilespmem:s0+$0xFFFFFFA0];
	v12 =	vadd.f32 v16, v13  }
0x148: {  	v16 =	vand.u32 $0xFFFF0000, v18;
	v19 =	vld [tilespmem:s0+$0xFFFFFFB0];
	v13 =	vadd.f32 v4, v6;
	v24 =	vadd.f32 v5, v7  }
0x149: {  	v22 =	vadd.f32 v15, v10;
	v4 =	vld [tilespmem:s0+$0xFFFFFF80];
	v23 =	vadd.f32 v16, v12  }
0x14a: {  	v5 =	vld [tilespmem:s0+$0xFFFFFF90]  }
0x14b: {  	v6 =	vld.idx.msk [tilespmem:v33+s2+$0x0], $0xffff  }
0x14c: {  	s31 =	sadd.s32 $0x8, s31;
	v7 =	vld.idx.msk [tilespmem:v31+s2+$0x0], $0xffff  }
0x14d: {  	p1 =	slt.u32 s31, $0x40;
	v10 =	vld.idx.msk [tilespmem:v25+s2+$0x0], $0xffff  }
0x14e: {  	v12 =	vld.idx.msk [tilespmem:v27+s2+$0x0], $0xffff  }
0x14f: {  	v15 =	vld.idx.msk [tilespmem:v14+s2+$0x0], $0xffff  }
0x150: {  	v18 =	vld.idx.msk [tilespmem:v11+s2+$0x0], $0xffff  }
0x151: {  	v27 =	vld.idx.msk [tilespmem:v9+s2+$0x0], $0xffff  }
0x152: {  	v30 =	vld.idx.msk [tilespmem:v4+s2+$0x0], $0xffff  }
0x153: {  	v25 =	vld.idx.msk [tilespmem:v5+s2+$0x0], $0xffff  }
0x154: {  	v4 =	vshll.u32 v6, $0x10;
	v5 =	vand.u32 $0xFFFF0000, v6;
	v16 =	vld [tilespmem:s0+$0x30]  }
.Ltmp2:
0x155: {  	v9 =	vshll.u32 v10, $0x10;
	v6 =	vshll.u32 v7, $0x10;
	v7 =	vand.u32 $0xFFFF0000, v7;
	v19 =	vld.idx.msk [tilespmem:v19+s2+$0x0], $0xffff;
	(pc) =	sbr.rel @p1 .LBB2_7-.Ltmp2, $4  }
0x156: {  	v10 =	vand.u32 $0xFFFF0000, v10;
	v11 =	vshll.u32 v12, $0x10;
	v12 =	vand.u32 $0xFFFF0000, v12;
	v21 =	vld [tilespmem:s0+$0x50]  }
0x157: {  	v14 =	vshll.u32 v15, $0x10;
	v15 =	vand.u32 $0xFFFF0000, v15;
	v20 =	vld.idx.msk [tilespmem:v17+s2+$0x0], $0xffff;
	v17 =	vshll.u32 v18, $0x10  }
0x158: {  	v28 =	vshll.u32 v27, $0x10;
	v29 =	vand.u32 $0xFFFF0000, v27;
	v27 =	vand.u32 $0xFFFF0000, v18;
	v18 =	vld [tilespmem:s0+$0x70]  }
0x159: {  	v31 =	vshll.u32 v30, $0x10;
	v32 =	vand.u32 $0xFFFF0000, v30;
	v30 =	vshll.u32 v25, $0x10;
	s0 =	sadd.s32 $0x100, s0;
	v26 =	vld.idx.msk [tilespmem:v26+s2+$0x0], $0xffff  }
0x15a: {  	_ =	sdelay $0x3  }
0x15b: {  	v8 =	vld.idx.msk [tilespmem:v8+s2+$0x0], $0xffff  }
0x15c: {  	v16 =	vld.idx.msk [tilespmem:v16+s2+$0x0], $0xffff  }
0x15d: {  	v33 =	vld [tilespmem:$0x1A360]  }
0x15e: {  	v34 =	vld [tilespmem:$0x1A370];
	v13 =	vadd.f32 v31, v13  }
0x15f: {  	v24 =	vadd.f32 v32, v24;
	v25 =	vand.u32 $0xFFFF0000, v25;
	v22 =	vadd.f32 v30, v22;
	v30 =	vld [tilespmem:$0x1A380]  }
0x160: {  	v21 =	vld.idx.msk [tilespmem:v21+s2+$0x0], $0xffff;
	v23 =	vadd.f32 v25, v23;
	v25 =	vshll.u32 v19, $0x10  }
0x161: {  	v19 =	vand.u32 $0xFFFF0000, v19;
	v13 =	vadd.f32 v28, v13;
	v24 =	vadd.f32 v29, v24;
	v28 =	vld [tilespmem:$0x1A390]  }
0x162: {  	v22 =	vadd.f32 v25, v22;
	v19 =	vadd.f32 v19, v23;
	v23 =	vshll.u32 v20, $0x10;
	v18 =	vld.idx.msk [tilespmem:v18+s2+$0x0], $0xffff  }
0x163: {  	v20 =	vand.u32 $0xFFFF0000, v20;
	v13 =	vadd.f32 v17, v13;
	v17 =	vadd.f32 v27, v24;
	v24 =	vld [tilespmem:$0x1A3A0]  }
0x164: {  	v22 =	vadd.f32 v23, v22;
	v23 =	vld [tilespmem:$0x1A3B0];
	v25 =	vand.u32 $0xFFFF0000, v26;
	v19 =	vadd.f32 v20, v19  }
0x165: {  	v20 =	vshll.u32 v26, $0x10;
	v13 =	vadd.f32 v14, v13;
	v14 =	vadd.f32 v15, v17;
	v15 =	vld.idx.msk [tilespmem:v33+s2+$0x0], $0xffff  }
0x166: {  	v17 =	vadd.f32 v20, v22;
	v20 =	vshll.u32 v8, $0x10;
	v19 =	vadd.f32 v25, v19;
	v22 =	vld.idx.msk [tilespmem:v34+s2+$0x0], $0xffff  }
0x167: {  	v8 =	vand.u32 $0xFFFF0000, v8;
	v11 =	vadd.f32 v11, v13;
	v12 =	vadd.f32 v12, v14;
	v13 =	vld [tilespmem:$0x1A3C0]  }
0x168: {  	v14 =	vadd.f32 v20, v17;
	v17 =	vshll.u32 v16, $0x10;
	v8 =	vadd.f32 v8, v19;
	v19 =	vld.idx.msk [tilespmem:v30+s2+$0x0], $0xffff  }
0x169: {  	v16 =	vand.u32 $0xFFFF0000, v16;
	v9 =	vadd.f32 v9, v11;
	v10 =	vadd.f32 v10, v12;
	v11 =	vld.idx.msk [tilespmem:v28+s2+$0x0], $0xffff  }
0x16a: {  	v12 =	vadd.f32 v17, v14;
	v8 =	vadd.f32 v16, v8;
	v16 =	vld [tilespmem:$0x1A3D0]  }
0x16b: {  	v14 =	vshll.u32 v21, $0x10;
	v6 =	vadd.f32 v6, v9;
	v9 =	vld.idx.msk [tilespmem:v24+s2+$0x0], $0xffff  }
0x16c: {  	v17 =	vand.u32 $0xFFFF0000, v21;
	v7 =	vadd.f32 v7, v10;
	v10 =	vadd.f32 v14, v12;
	v14 =	vld.idx.msk [tilespmem:v23+s2+$0x0], $0xffff  }
0x16d: {  	v12 =	vshll.u32 v18, $0x10;
	v8 =	vadd.f32 v17, v8;
	v4 =	vadd.f32 v4, v6;
	v6 =	vld [tilespmem:$0x1A3E0]  }
0x16e: {  	v17 =	vand.u32 $0xFFFF0000, v18;
	v5 =	vadd.f32 v5, v7;
	v7 =	vadd.f32 v12, v10;
	v10 =	vld [tilespmem:$0x1A3F0]  }
0x16f: {  	v18 =	vand.u32 $0xFFFF0000, v22;
	v12 =	vshll.u32 v15, $0x10;
	v15 =	vand.u32 $0xFFFF0000, v15;
	v13 =	vld.idx.msk [tilespmem:v13+s2+$0x0], $0xffff  }
0x170: {  	v8 =	vadd.f32 v17, v8;
	v17 =	vshll.u32 v22, $0x10;
	v4 =	vadd.f32 v12, v4;
	v12 =	vld [tilespmem:$0x1A400]  }
0x171: {  	v5 =	vadd.f32 v15, v5;
	v7 =	vadd.f32 v17, v7;
	v15 =	vld [tilespmem:$0x1A410];
	v17 =	vshll.u32 v19, $0x10  }
0x172: {  	v8 =	vadd.f32 v18, v8;
	v4 =	vadd.f32 v17, v4;
	v17 =	vld [tilespmem:$0x1A420]  }
0x173: {  	v18 =	vand.u32 $0xFFFF0000, v19;
	v19 =	vshll.u32 v11, $0x10;
	v11 =	vand.u32 $0xFFFF0000, v11;
	v16 =	vld.idx.msk [tilespmem:v16+s2+$0x0], $0xffff  }
0x174: {  	v5 =	vadd.f32 v18, v5;
	v8 =	vadd.f32 v11, v8;
	v11 =	vld [tilespmem:$0x1A430]  }
0x175: {  	v7 =	vadd.f32 v19, v7;
	v18 =	vshll.u32 v9, $0x10;
	v9 =	vand.u32 $0xFFFF0000, v9;
	v6 =	vld.idx.msk [tilespmem:v6+s2+$0x0], $0xffff  }
0x176: {  	v19 =	vshll.u32 v14, $0x10;
	v4 =	vadd.f32 v18, v4;
	v5 =	vadd.f32 v9, v5;
	v9 =	vld.idx.msk [tilespmem:v10+s2+$0x0], $0xffff  }
0x177: {  	v14 =	vand.u32 $0xFFFF0000, v14;
	v7 =	vadd.f32 v19, v7;
	v10 =	vshll.u32 v13, $0x10  }
0x178: {  	v8 =	vadd.f32 v14, v8;
	v13 =	vand.u32 $0xFFFF0000, v13;
	v4 =	vadd.f32 v10, v4;
	v12 =	vld.idx.msk [tilespmem:v12+s2+$0x0], $0xffff  }
0x179: {  	v5 =	vadd.f32 v13, v5;
	v14 =	vshll.u32 v16, $0x10;
	v16 =	vand.u32 $0xFFFF0000, v16;
	v10 =	vld.idx.msk [tilespmem:v15+s2+$0x0], $0xffff  }
0x17a: {  	v7 =	vadd.f32 v14, v7;
	v8 =	vadd.f32 v16, v8  }
0x17b: {  	v15 =	vld.idx.msk [tilespmem:v17+s2+$0x0], $0xffff;
	v13 =	vshll.u32 v6, $0x10;
	v6 =	vand.u32 $0xFFFF0000, v6;
	v14 =	vshll.u32 v9, $0x10  }
0x17c: {  	v9 =	vand.u32 $0xFFFF0000, v9;
	v4 =	vadd.f32 v13, v4;
	v5 =	vadd.f32 v6, v5;
	v6 =	vld.idx.msk [tilespmem:v11+s2+$0x0], $0xffff  }
0x17d: {  	v7 =	vadd.f32 v14, v7;
	v8 =	vadd.f32 v9, v8  }
0x17e: {  	v9 =	vshll.u32 v12, $0x10;
	v11 =	vand.u32 $0xFFFF0000, v12;
	v12 =	vshll.u32 v10, $0x10  }
0x17f: {  	v10 =	vand.u32 $0xFFFF0000, v10;
	v4 =	vadd.f32 v9, v4;
	v5 =	vadd.f32 v11, v5  }
0x180: {  	v7 =	vadd.f32 v12, v7;
	v8 =	vadd.f32 v10, v8  }
0x181: {  	v9 =	vshll.u32 v15, $0x10;
	v10 =	vand.u32 $0xFFFF0000, v15;
	v11 =	vshll.u32 v6, $0x10  }
0x182: {  	v4 =	vadd.f32 v9, v4;
	v6 =	vand.u32 $0xFFFF0000, v6;
	v7 =	vadd.f32 v11, v7  }
0x183: {  	v5 =	vadd.f32 v10, v5;
	v6 =	vadd.f32 v6, v8  }
0x184: {  	v4 =	vadd.f32 v7, v4  }
0x185: {  	v5 =	vadd.f32 v6, v5  }
0x186: {  	(xrf2) =	vadd.scan.msk.f32 $0xffff, v4  }
0x187: {  	(xrf2) =	vadd.scan.msk.f32 $0xffff, v5;
	_ =	sdelay $0x8  }
0x188: {  	v4, _, _ =	vpop (xrf2)  }
0x189: {  	(v2sf) =	vpush v4, $0xF;
	v4, _, _ =	vpop (xrf2)  }
0x18a: {  	(v2sf) =	vpush v4, $0xF;
	_ =	sdelay $0x8  }
0x18b: {  	s0 =	sadd.s32 @!p0 s29, s11  }
0x18c: {  	s0 =	smul.u32 @!p0 $0x139, s0;
	_ =	sdelay $0x1  }
0x18d: {  	s1 =	simm.s32 @!p0 $0x0;
	s15 =	simm.s32 @!p0 $0x19A60;
	s0 =	sadd.s32 @!p0 s3, s0  }
0x18e: {  	[tilespmem:s15], [sflag:$0x1] =	stream.linear.gather @!p0 [hbm4b:s0+s1], $0x9C4, $0x38;
	[tilespmem:$0x1B020] =	vst v63  }
0x18f: {  	s1 =	spop (v2sf)  }
0x190: {  	s15 =	spop (v2sf)  }
0x191: {  	_ =	swait.ge [sflag:s19], $0x9C4  }
0x192: {  	[sflag:s19] =	ssyncset.done $0x0  }
0x193: {  	s31 =	simm.s32 $0x1A4C0;
	[sflag:s19] =	ssyncadd.s32 $0xFFFFF63C  }
0x194: {  	v4 =	vld [tilespmem:s31+$0x60]  }
0x195: {  	v5 =	vld [tilespmem:s31+$0x40]  }
0x196: {  	v6 =	vld [tilespmem:s31+$0x20]  }
0x197: {  	v7 =	vld [tilespmem:s31+$0x0]  }
0x198: {  	v8 =	vld [tilespmem:s31+$0x10]  }
0x199: {  	v9 =	vld [tilespmem:s31+$0xFFFFFFE0]  }
0x19a: {  	v22 =	vld [tilespmem:s31+$0xFFFFFFF0]  }
0x19b: {  	v10 =	vld [tilespmem:s31+$0xFFFFFFC0]  }
0x19c: {  	v18 =	vld [tilespmem:s31+$0xFFFFFFD0]  }
0x19d: {  	v11 =	vld [tilespmem:s31+$0xFFFFFFA0]  }
0x19e: {  	v12 =	vld [tilespmem:s31+$0xFFFFFFB0]  }
0x19f: {  	v13 =	vld [tilespmem:s31+$0xFFFFFF80]  }
0x1a0: {  	v14 =	vld [tilespmem:s31+$0xFFFFFF90]  }
0x1a1: {  	v15 =	vld.idx.msk [tilespmem:v4+s2+$0x0], $0xffff  }
0x1a2: {  	v17 =	vld.idx.msk [tilespmem:v5+s2+$0x0], $0xffff  }
0x1a3: {  	v20 =	vld.idx.msk [tilespmem:v6+s2+$0x0], $0xffff  }
0x1a4: {  	s0 =	ssub.f32 s1, s24;
	v21 =	vld.idx.msk [tilespmem:v7+s2+$0x0], $0xffff  }
0x1a5: {  	s30 =	sor.u32 $0x2, s30;
	s1 =	ssub.f32 s15, s25;
	v23 =	vld.idx.msk [tilespmem:v9+s2+$0x0], $0xffff  }
0x1a6: {  	s0 =	smul.f32 $3.999999900e-04, s0;
	v4 =	vmov s30;
	v24 =	vld.idx.msk [tilespmem:v10+s2+$0x0], $0xffff  }
0x1a7: {  	s1 =	smul.f32 $3.999999900e-04, s1;
	v26 =	vld.idx.msk [tilespmem:v11+s2+$0x0], $0xffff;
	vm0 =	veq.s32 v4, v1  }
0x1a8: {  	v30 =	vld.idx.msk [tilespmem:v13+s2+$0x0], $0xffff;
	v13 =	vimm.f32 $0.0e+00;
	v2 =	vsel vm0, s0, v2  }
0x1a9: {  	v25 =	vld.idx.msk [tilespmem:v14+s2+$0x0], $0xffff;
	v3 =	vsel vm0, s1, v3;
	v4 =	vshll.u32 v15, $0x10;
	v5 =	vand.u32 $0xFFFF0000, v15  }
0x1aa: {  	v16 =	vld [tilespmem:s31+$0x30];
	v9 =	vshll.u32 v20, $0x10;
	v6 =	vshll.u32 v17, $0x10;
	v7 =	vand.u32 $0xFFFF0000, v17  }
0x1ab: {  	v19 =	vld.idx.msk [tilespmem:v12+s2+$0x0], $0xffff;
	v11 =	vshll.u32 v21, $0x10;
	v12 =	vand.u32 $0xFFFF0000, v21;
	v10 =	vand.u32 $0xFFFF0000, v20  }
0x1ac: {  	v21 =	vld [tilespmem:s31+$0x50];
	v17 =	vshll.u32 v24, $0x10;
	v14 =	vshll.u32 v23, $0x10;
	v15 =	vand.u32 $0xFFFF0000, v23  }
0x1ad: {  	v20 =	vld.idx.msk [tilespmem:v18+s2+$0x0], $0xffff;
	v28 =	vshll.u32 v26, $0x10;
	v29 =	vand.u32 $0xFFFF0000, v26;
	v27 =	vand.u32 $0xFFFF0000, v24  }
0x1ae: {  	v18 =	vld [tilespmem:s31+$0x70];
	v31 =	vshll.u32 v30, $0x10;
	v32 =	vand.u32 $0xFFFF0000, v30;
	v30 =	vshll.u32 v25, $0x10  }
0x1af: {  	s30 =	simm.s32 $0x0;
	s0 =	simm.s32 $0x1A5C0;
	v26 =	vld.idx.msk [tilespmem:v22+s2+$0x0], $0xffff;
	v24 =	vimm.f32 $0.0e+00;
	v22 =	vimm.f32 $0.0e+00;
	v23 =	vimm.f32 $0.0e+00  }
.LBB2_9:
0x1b0: {  	v33 =	vld [tilespmem:s0+$0x60];
	v25 =	vand.u32 $0xFFFF0000, v25;
	v13 =	vadd.f32 v31, v13;
	v24 =	vadd.f32 v32, v24  }
0x1b1: {  	v22 =	vadd.f32 v30, v22;
	v23 =	vadd.f32 v25, v23;
	v25 =	vshll.u32 v19, $0x10;
	v30 =	vld.idx.msk [tilespmem:v8+s2+$0x0], $0xffff  }
0x1b2: {  	v8 =	vand.u32 $0xFFFF0000, v19;
	v31 =	vld [tilespmem:s0+$0x40];
	v13 =	vadd.f32 v28, v13;
	v19 =	vadd.f32 v29, v24  }
0x1b3: {  	v22 =	vadd.f32 v25, v22;
	v8 =	vadd.f32 v8, v23;
	v23 =	vshll.u32 v20, $0x10;
	v16 =	vld.idx.msk [tilespmem:v16+s2+$0x0], $0xffff  }
0x1b4: {  	v20 =	vand.u32 $0xFFFF0000, v20;
	v25 =	vld [tilespmem:s0+$0x20];
	v13 =	vadd.f32 v17, v13;
	v17 =	vadd.f32 v27, v19  }
0x1b5: {  	v19 =	vadd.f32 v23, v22;
	v8 =	vadd.f32 v20, v8;
	v20 =	vshll.u32 v26, $0x10;
	v21 =	vld.idx.msk [tilespmem:v21+s2+$0x0], $0xffff  }
0x1b6: {  	v22 =	vand.u32 $0xFFFF0000, v26;
	v27 =	vld [tilespmem:s0+$0x0];
	v13 =	vadd.f32 v14, v13;
	v14 =	vadd.f32 v15, v17  }
0x1b7: {  	v15 =	vadd.f32 v20, v19;
	v19 =	vshll.u32 v30, $0x10;
	v17 =	vadd.f32 v22, v8;
	v18 =	vld.idx.msk [tilespmem:v18+s2+$0x0], $0xffff  }
0x1b8: {  	v20 =	vand.u32 $0xFFFF0000, v30;
	v8 =	vld [tilespmem:s0+$0x10];
	v11 =	vadd.f32 v11, v13;
	v12 =	vadd.f32 v12, v14  }
0x1b9: {  	v13 =	vadd.f32 v19, v15;
	v14 =	vld [tilespmem:s0+$0xFFFFFFE0];
	v15 =	vadd.f32 v20, v17;
	v17 =	vshll.u32 v16, $0x10  }
0x1ba: {  	v16 =	vand.u32 $0xFFFF0000, v16;
	v26 =	vld [tilespmem:s0+$0xFFFFFFF0];
	v9 =	vadd.f32 v9, v11;
	v10 =	vadd.f32 v10, v12  }
0x1bb: {  	v12 =	vadd.f32 v17, v13;
	v11 =	vld [tilespmem:s0+$0xFFFFFFC0];
	v13 =	vadd.f32 v16, v15;
	v15 =	vshll.u32 v21, $0x10  }
0x1bc: {  	v16 =	vand.u32 $0xFFFF0000, v21;
	v17 =	vld [tilespmem:s0+$0xFFFFFFD0];
	v6 =	vadd.f32 v6, v9;
	v7 =	vadd.f32 v7, v10  }
0x1bd: {  	v10 =	vadd.f32 v15, v12;
	v15 =	vshll.u32 v18, $0x10;
	v9 =	vld [tilespmem:s0+$0xFFFFFFA0];
	v12 =	vadd.f32 v16, v13  }
0x1be: {  	v16 =	vand.u32 $0xFFFF0000, v18;
	v19 =	vld [tilespmem:s0+$0xFFFFFFB0];
	v13 =	vadd.f32 v4, v6;
	v24 =	vadd.f32 v5, v7  }
0x1bf: {  	v22 =	vadd.f32 v15, v10;
	v4 =	vld [tilespmem:s0+$0xFFFFFF80];
	v23 =	vadd.f32 v16, v12  }
0x1c0: {  	v5 =	vld [tilespmem:s0+$0xFFFFFF90]  }
0x1c1: {  	v6 =	vld.idx.msk [tilespmem:v33+s2+$0x0], $0xffff  }
0x1c2: {  	s30 =	sadd.s32 $0x8, s30;
	v7 =	vld.idx.msk [tilespmem:v31+s2+$0x0], $0xffff  }
0x1c3: {  	p0 =	slt.u32 s30, $0x40;
	v10 =	vld.idx.msk [tilespmem:v25+s2+$0x0], $0xffff  }
0x1c4: {  	v12 =	vld.idx.msk [tilespmem:v27+s2+$0x0], $0xffff  }
0x1c5: {  	v15 =	vld.idx.msk [tilespmem:v14+s2+$0x0], $0xffff  }
0x1c6: {  	v18 =	vld.idx.msk [tilespmem:v11+s2+$0x0], $0xffff  }
0x1c7: {  	v27 =	vld.idx.msk [tilespmem:v9+s2+$0x0], $0xffff  }
0x1c8: {  	v30 =	vld.idx.msk [tilespmem:v4+s2+$0x0], $0xffff  }
0x1c9: {  	v25 =	vld.idx.msk [tilespmem:v5+s2+$0x0], $0xffff  }
0x1ca: {  	v4 =	vshll.u32 v6, $0x10;
	v5 =	vand.u32 $0xFFFF0000, v6;
	v16 =	vld [tilespmem:s0+$0x30]  }
.Ltmp3:
0x1cb: {  	v9 =	vshll.u32 v10, $0x10;
	v6 =	vshll.u32 v7, $0x10;
	v7 =	vand.u32 $0xFFFF0000, v7;
	v19 =	vld.idx.msk [tilespmem:v19+s2+$0x0], $0xffff;
	(pc) =	sbr.rel @p0 .LBB2_9-.Ltmp3, $4  }
0x1cc: {  	v10 =	vand.u32 $0xFFFF0000, v10;
	v11 =	vshll.u32 v12, $0x10;
	v12 =	vand.u32 $0xFFFF0000, v12;
	v21 =	vld [tilespmem:s0+$0x50]  }
0x1cd: {  	v14 =	vshll.u32 v15, $0x10;
	v15 =	vand.u32 $0xFFFF0000, v15;
	v20 =	vld.idx.msk [tilespmem:v17+s2+$0x0], $0xffff;
	v17 =	vshll.u32 v18, $0x10  }
0x1ce: {  	v28 =	vshll.u32 v27, $0x10;
	v29 =	vand.u32 $0xFFFF0000, v27;
	v27 =	vand.u32 $0xFFFF0000, v18;
	v18 =	vld [tilespmem:s0+$0x70]  }
0x1cf: {  	v31 =	vshll.u32 v30, $0x10;
	v32 =	vand.u32 $0xFFFF0000, v30;
	v30 =	vshll.u32 v25, $0x10;
	s0 =	sadd.s32 $0x100, s0;
	v26 =	vld.idx.msk [tilespmem:v26+s2+$0x0], $0xffff  }
0x1d0: {  	_ =	sdelay $0x3  }
0x1d1: {  	v8 =	vld.idx.msk [tilespmem:v8+s2+$0x0], $0xffff  }
0x1d2: {  	v16 =	vld.idx.msk [tilespmem:v16+s2+$0x0], $0xffff  }
0x1d3: {  	v33 =	vld [tilespmem:$0x1AD40]  }
0x1d4: {  	v34 =	vld [tilespmem:$0x1AD50]  }
0x1d5: {  	v45 =	vld [tilespmem:$0x1AD60]  }
0x1d6: {  	v47 =	vld [tilespmem:$0x1AD70]  }
0x1d7: {  	v51 =	vld [tilespmem:$0x1AD80]  }
0x1d8: {  	v53 =	vld [tilespmem:$0x1AD90]  }
0x1d9: {  	v13 =	vadd.f32 v31, v13;
	v60 =	vld [tilespmem:$0x1ADA0]  }
0x1da: {  	v24 =	vadd.f32 v32, v24;
	v25 =	vand.u32 $0xFFFF0000, v25;
	v22 =	vadd.f32 v30, v22;
	v35 =	vld [tilespmem:$0x1ADC0]  }
0x1db: {  	v44 =	vshll.u32 v19, $0x10;
	v37 =	vld [tilespmem:$0x1ADD0];
	v23 =	vadd.f32 v25, v23;
	v13 =	vadd.f32 v28, v13  }
0x1dc: {  	v46 =	vand.u32 $0xFFFF0000, v19;
	v41 =	vld [tilespmem:$0x1ADE0];
	v24 =	vadd.f32 v29, v24;
	v22 =	vadd.f32 v44, v22  }
0x1dd: {  	v42 =	vld [tilespmem:$0x1ADF0];
	v48 =	vshll.u32 v20, $0x10;
	v19 =	vadd.f32 v46, v23;
	v13 =	vadd.f32 v17, v13  }
0x1de: {  	v21 =	vld.idx.msk [tilespmem:v21+s2+$0x0], $0xffff;
	v49 =	vand.u32 $0xFFFF0000, v20;
	v50 =	vadd.f32 v27, v24;
	v22 =	vadd.f32 v48, v22  }
0x1df: {  	v28 =	vld [tilespmem:$0x1ADB0];
	v52 =	vshll.u32 v26, $0x10;
	v54 =	vand.u32 $0xFFFF0000, v26;
	v19 =	vadd.f32 v49, v19  }
0x1e0: {  	v18 =	vld.idx.msk [tilespmem:v18+s2+$0x0], $0xffff;
	v58 =	vshll.u32 v8, $0x10;
	v13 =	vadd.f32 v14, v13;
	v55 =	vadd.f32 v15, v50  }
0x1e1: {  	v8 =	vand.u32 $0xFFFF0000, v8;
	v57 =	vadd.f32 v52, v22;
	v19 =	vadd.f32 v54, v19;
	v56 =	vld.idx.msk [tilespmem:v33+s2+$0x0], $0xffff  }
0x1e2: {  	v62 =	vshll.u32 v16, $0x10;
	v59 =	vld.idx.msk [tilespmem:v34+s2+$0x0], $0xffff;
	v11 =	vadd.f32 v11, v13;
	v12 =	vadd.f32 v12, v55  }
0x1e3: {  	v16 =	vand.u32 $0xFFFF0000, v16;
	v61 =	vadd.f32 v58, v57;
	v63 =	vld.idx.msk [tilespmem:v45+s2+$0x0], $0xffff;
	v8 =	vadd.f32 v8, v19  }
0x1e4: {  	v27 =	vshll.u32 v21, $0x10;
	v25 =	vld.idx.msk [tilespmem:v47+s2+$0x0], $0xffff;
	v9 =	vadd.f32 v9, v11;
	v10 =	vadd.f32 v10, v12  }
0x1e5: {  	v29 =	vand.u32 $0xFFFF0000, v21;
	v30 =	vld.idx.msk [tilespmem:v51+s2+$0x0], $0xffff;
	v26 =	vadd.f32 v62, v61;
	v8 =	vadd.f32 v16, v8  }
0x1e6: {  	v32 =	vshll.u32 v18, $0x10;
	v33 =	vld.idx.msk [tilespmem:v53+s2+$0x0], $0xffff;
	v6 =	vadd.f32 v6, v9;
	v7 =	vadd.f32 v7, v10  }
0x1e7: {  	v34 =	vand.u32 $0xFFFF0000, v18;
	v13 =	vld.idx.msk [tilespmem:v60+s2+$0x0], $0xffff;
	v31 =	vadd.f32 v27, v26;
	v8 =	vadd.f32 v29, v8  }
0x1e8: {  	v46 =	vld [tilespmem:$0x1AE00];
	v38 =	vshll.u32 v56, $0x10;
	v15 =	vand.u32 $0xFFFF0000, v56;
	v39 =	vshll.u32 v59, $0x10  }
0x1e9: {  	v50 =	vld.idx.msk [tilespmem:v37+s2+$0x0], $0xffff;
	v40 =	vand.u32 $0xFFFF0000, v59;
	v43 =	vshll.u32 v63, $0x10;
	v44 =	vand.u32 $0xFFFF0000, v63  }
0x1ea: {  	v53 =	vld.idx.msk [tilespmem:v42+s2+$0x0], $0xffff;
	v45 =	vshll.u32 v25, $0x10;
	v11 =	vand.u32 $0xFFFF0000, v25;
	v48 =	vshll.u32 v30, $0x10  }
0x1eb: {  	v47 =	vld [tilespmem:$0x1AE10];
	v9 =	vand.u32 $0xFFFF0000, v30;
	v49 =	vshll.u32 v33, $0x10;
	v14 =	vand.u32 $0xFFFF0000, v33  }
0x1ec: {  	v12 =	vld.idx.msk [tilespmem:v41+s2+$0x0], $0xffff;
	v51 =	vshll.u32 v13, $0x10;
	v4 =	vadd.f32 v4, v6;
	v36 =	vadd.f32 v32, v31  }
0x1ed: {  	v16 =	vld.idx.msk [tilespmem:v28+s2+$0x0], $0xffff;
	v13 =	vand.u32 $0xFFFF0000, v13;
	v5 =	vadd.f32 v5, v7;
	v8 =	vadd.f32 v34, v8  }
0x1ee: {  	v55 =	vshll.u32 v50, $0x10;
	v4 =	vadd.f32 v38, v4;
	v7 =	vadd.f32 v39, v36  }
0x1ef: {  	v60 =	vshll.u32 v53, $0x10;
	v6 =	vld.idx.msk [tilespmem:v35+s2+$0x0], $0xffff;
	v5 =	vadd.f32 v15, v5;
	v8 =	vadd.f32 v40, v8  }
0x1f0: {  	v10 =	vand.u32 $0xFFFF0000, v53;
	v4 =	vadd.f32 v43, v4;
	v7 =	vadd.f32 v45, v7  }
0x1f1: {  	v58 =	vshll.u32 v12, $0x10;
	v5 =	vadd.f32 v44, v5;
	v8 =	vadd.f32 v11, v8  }
0x1f2: {  	v52 =	vshll.u32 v16, $0x10;
	v4 =	vadd.f32 v48, v4;
	v7 =	vadd.f32 v49, v7  }
0x1f3: {  	v56 =	vld.idx.msk [tilespmem:v46+s2+$0x0], $0xffff;
	v16 =	vand.u32 $0xFFFF0000, v16;
	v5 =	vadd.f32 v9, v5;
	v8 =	vadd.f32 v14, v8  }
0x1f4: {  	v57 =	vld.idx.msk [tilespmem:v47+s2+$0x0], $0xffff;
	v54 =	vshll.u32 v6, $0x10;
	v4 =	vadd.f32 v51, v4;
	v7 =	vadd.f32 v52, v7  }
0x1f5: {  	v6 =	vand.u32 $0xFFFF0000, v6;
	v5 =	vadd.f32 v13, v5;
	v8 =	vadd.f32 v16, v8  }
0x1f6: {  	v9 =	vand.u32 $0xFFFF0000, v50;
	v4 =	vadd.f32 v54, v4;
	v7 =	vadd.f32 v55, v7  }
0x1f7: {  	v59 =	vand.u32 $0xFFFF0000, v12;
	v5 =	vadd.f32 v6, v5;
	v8 =	vadd.f32 v9, v8  }
0x1f8: {  	v61 =	vshll.u32 v56, $0x10;
	v4 =	vadd.f32 v58, v4;
	v7 =	vadd.f32 v60, v7  }
0x1f9: {  	v63 =	vshll.u32 v57, $0x10;
	v5 =	vadd.f32 v59, v5;
	v8 =	vadd.f32 v10, v8  }
0x1fa: {  	v62 =	vand.u32 $0xFFFF0000, v56;
	v4 =	vadd.f32 v61, v4;
	v7 =	vadd.f32 v63, v7  }
0x1fb: {  	v6 =	vand.u32 $0xFFFF0000, v57;
	v5 =	vadd.f32 v62, v5  }
0x1fc: {  	v6 =	vadd.f32 v6, v8;
	v4 =	vadd.f32 v7, v4;
	_ =	sdelay $0x1  }
0x1fd: {  	v5 =	vadd.f32 v6, v5;
	(xrf2) =	vadd.scan.msk.f32 $0xffff, v4;
	_ =	sdelay $0x1  }
0x1fe: {  	(xrf2) =	vadd.scan.msk.f32 $0xffff, v5;
	_ =	sdelay $0x7  }
0x1ff: {  	v4, _, _ =	vpop (xrf2)  }
0x200: {  	(v2sf) =	vpush v4, $0xF  }
0x201: {  	v4, _, _ =	vpop (xrf2)  }
0x202: {  	(v2sf) =	vpush v4, $0xF;
	_ =	sdelay $0xc  }
0x203: {  	s0 =	spop (v2sf)  }
0x204: {  	s0 =	ssub.f32 s0, s24  }
0x205: {  	s15 =	sand.u32 $0xF, s28;
	s26 =	sadd.s32 $0x1, s26;
	s1 =	spop (v2sf)  }
0x206: {  	p1 =	sne.s32 s26, $0x40;
	s1 =	ssub.f32 s1, s25;
	s0 =	smul.f32 $3.999999900e-04, s0  }
.Ltmp4:
0x207: {  	v4 =	vmov s15;
	(pc) =	sbr.rel @p1 .LBB2_2-.Ltmp4, $4  }
0x208: {  	p0 =	sne.s32 s15, $0xF;
	vm0 =	veq.s32 v4, v1;
	s1 =	smul.f32 $3.999999900e-04, s1  }
0x209: {  	v2 =	vsel vm0, s0, v2;
	s0 =	sadd.s32 @!p0 $0xFFFFFFF4, s29  }
0x20a: {  	v3 =	vsel vm0, s1, v3;
	[tilespmem:s29+$0x1AE14] =	vst @!p0 v2;
	s0 =	sand.u32 @!p0 $0xFFFFFFFC, s0  }
0x20b: {  	[tilespmem:s0+$0x1AF20] =	vst @!p0 v3  }
0x20c: {  	s23 =	sadd.s32 $0x1, s23  }
0x20d: {  	p0 =	sne.s32 s23, s13  }
.Ltmp5:
0x20e: {  	_ = 	snop;
	(pc) =	sbr.rel @p0 .LBB2_1-.Ltmp5, $4  }
0x20f: {  	[hbm4b:s12+s20] =	stream.strided.scatter [tilespmem:s22], [sflag:$0x2], $0x200, s21, s20, $0x38;
	[tilespmem:$0x1B020] =	vst v63  }
0x210: {  	_ =	swait.ge [sflag:s14], $0x200  }
0x211: {  	[sflag:s14] =	ssyncset.done $0x0  }
0x212: {  	[sflag:s14] =	ssyncadd.s32 $0xFFFFFE00  }
0x213: {  	_ =	sfence.sel $0x180000  }
0x214: {  	[bflag:$0x0] =	sbarrier.arrive $0xFFFF  }
0x215: {  	_ =	strace $0x90000047  }
0x216: {  	s0 =	stileid.u32;
	[bflag:$0x2] =	sbarrier.arrive $0xFFFF  }
0x217: {  	p0 =	sne.s32 s0, $0x0;
	s0 =	rddreg [dreg:$0x1]  }
0x218: {  	s0 =	sadd.s32 @!p0 $0x100000, s0  }
0x219: {  	[sflag:s0] =	ssyncadd.tile.s32 @!p0 $0x1;
	_ =	shalt  }
.Lfunc_end2:
_tile_overlayer_lowered:
.L_overlay_start_2:
0x21a: {  	(tag) =	ssettag $0x2  }
0x21b: {  	s0 =	rddreg [dreg:$0x0];
	s2 =	stileid.u32  }
0x21c: {  	s1 =	rddreg [dreg:$0x1];
	p0 =	sne.s32 s2, $0x0  }
0x21d: {  	s3 =	rddreg [dreg:$0x2];
	[bflag:$0x3] =	sbarrier.arrive $0xFFFF;
	s2 =	simm.s32 @!p0 $0x1C02  }
0x21e: {  	[timem:s3], [sflag:s2] =	dma.local @!p0 [hbm:s0], s1  }
0x21f: {  	s0 =	simm.s32 @!p0 $0x2  }
0x220: {  	_ =	swait.ge @!p0 [sflag:s0], s1  }
0x221: {  	s1 =	ssub.s32 @!p0 $0x0, s1;
	[sflag:s0] =	ssyncset.done @!p0 $0x0  }
0x222: {  	[sflag:s0] =	ssyncadd.s32 @!p0 s1  }
0x223: {  	[bflag:$0x3] =	sbarrier.arrive $0xFFFF  }
0x224: {  	_ =	shalt  }

</sc_bundles>
